<compile_context>
chip_gen: v7x
topology: tpu7x:2x2x1
jax: 0.10.2.dev20260603
libtpu: 0.0.44.dev20260713+nightly
codegen_flags: <defaults>
</compile_context>

<pallas_src>
import functools

import jax
import jax.numpy as jnp
from jax import lax
from jax.experimental import pallas as pl
from jax.experimental.pallas import tpu as pltpu
from jax.experimental.pallas import tpu_sc as plsc

N = 100000
D_EMB = 32
D_CBO = 16
D_ENC = 80
D_OUT = D_EMB + D_CBO + D_ENC
V = 256

BLK = 128
SPAN = 3200
NBLK_MAIN = SPAN // BLK
LAST_MAIN = 768
NBLK_LAST = LAST_MAIN // BLK
N_ALIGNED = SPAN * 31 + LAST_MAIN
TAIL = N - N_ALIGNED

_info = plsc.get_sparse_core_info()
NC = _info.num_cores
NS = _info.num_subcores
NW = NC * NS

_mesh = plsc.VectorSubcoreMesh(core_axis_name="c", subcore_axis_name="s")


@functools.partial(
    pl.kernel,
    mesh=_mesh,
    out_type=jax.ShapeDtypeStruct((D_OUT, N), jnp.float32),
    scratch_types=[
        pltpu.VMEM((SPAN,), jnp.int32),
        pltpu.VMEM((D_EMB, V), jnp.float32),
        pltpu.VMEM((D_OUT, BLK), jnp.float32),
        pltpu.VMEM((D_OUT, BLK), jnp.float32),
        pltpu.VMEM((D_OUT, BLK), jnp.float32),
        pltpu.SemaphoreType.DMA,
        pltpu.SemaphoreType.DMA,
        pltpu.SemaphoreType.DMA,
        pltpu.SemaphoreType.DMA,
        pltpu.SemaphoreType.DMA,
        pltpu.SemaphoreType.DMA,
        pltpu.SemaphoreType.DMA,
        pltpu.SemaphoreType.DMA,
        pltpu.SemaphoreType.DMA,
    ],
    compiler_params=pltpu.CompilerParams(needs_layout_passes=False),
)
def _embed(gid, cboT, encT, tableT, outT,
           idx_all, tab_v, blk0, blk1, blk2,
           cs0, cs1, cs2, es0, es1, es2, os0, os1, os2):
    wid = lax.axis_index("s") * NC + lax.axis_index("c")
    base_w = pl.multiple_of(wid * SPAN, 128)
    last = wid == NW - 1
    nblk = jnp.where(last, NBLK_LAST, NBLK_MAIN)
    blks = (blk0, blk1, blk2)
    css = (cs0, cs1, cs2)
    ess = (es0, es1, es2)
    oss = (os0, os1, os2)

    def col_of(t):
        return pl.multiple_of(base_w + t * BLK, 128)

    def issue_in(t, p):
        col = col_of(t)
        pltpu.async_copy(cboT.at[:, pl.ds(col, BLK)],
                         blks[p].at[pl.ds(D_EMB, D_CBO), :], css[p])
        pltpu.async_copy(encT.at[:, pl.ds(col, BLK)],
                         blks[p].at[pl.ds(D_EMB + D_CBO, D_ENC), :], ess[p])

    def wait_in(t, p):
        col = col_of(t)
        pltpu.make_async_copy(cboT.at[:, pl.ds(col, BLK)],
                              blks[p].at[pl.ds(D_EMB, D_CBO), :],
                              css[p]).wait()
        pltpu.make_async_copy(encT.at[:, pl.ds(col, BLK)],
                              blks[p].at[pl.ds(D_EMB + D_CBO, D_ENC), :],
                              ess[p]).wait()

    def issue_out(t, p):
        pltpu.async_copy(blks[p], outT.at[:, pl.ds(col_of(t), BLK)], oss[p])

    def wait_out(t, p):
        pltpu.make_async_copy(blks[p], outT.at[:, pl.ds(col_of(t), BLK)],
                              oss[p]).wait()

    issue_in(0, 0)
    issue_in(1, 1)
    pltpu.sync_copy(tableT, tab_v)
    pltpu.sync_copy(gid.at[pl.ds(base_w, LAST_MAIN)],
                    idx_all.at[pl.ds(0, LAST_MAIN)])

    @pl.when(jnp.logical_not(last))
    def _():
        pltpu.sync_copy(gid.at[pl.ds(base_w + LAST_MAIN, SPAN - LAST_MAIN)],
                        idx_all.at[pl.ds(LAST_MAIN, SPAN - LAST_MAIN)])

    def emb_block(t, p):
        blk_v = blks[p]

        def group(g, _):
            off = g * 16
            idx16 = idx_all[pl.ds(t * BLK + off, 16)]
            for c in range(D_EMB):
                v = plsc.load_gather(
                    tab_v, [jnp.full((16,), c, jnp.int32), idx16])
                blk_v[c, pl.ds(off, 16)] = v
            return _

        lax.fori_loop(0, BLK // 16, group, None)

    def triple(u, _):
        for h in (0, 1, 2):
            t = u * 3 + h

            @pl.when(t < nblk)
            def _():
                emb_block(t, h)
                wait_in(t, h)
                issue_out(t, h)

                @pl.when(t >= 1)
                def _():
                    wait_out(t - 1, (h + 2) % 3)

                @pl.when(t + 2 < nblk)
                def _():
                    issue_in(t + 2, (h + 2) % 3)

        return _

    lax.fori_loop(0, (NBLK_MAIN + 2) // 3, triple, None)

    @pl.when(jnp.logical_not(last))
    def _():
        wait_out(NBLK_MAIN - 1, (NBLK_MAIN - 1) % 3)

    @pl.when(last)
    def _():
        wait_out(NBLK_LAST - 1, (NBLK_LAST - 1) % 3)


def _tc_tail(gid_tail, cboT_tail, encT_tail, tableT, outT):

    def body(gid_ref, cbo_ref, enc_ref, tab_ref, alias_ref, out_ref):
        del alias_ref
        ids = gid_ref[0, :]
        iot = lax.broadcasted_iota(jnp.int32, (V, TAIL), 0)
        onehot = jnp.where(iot == ids[None, :], 1.0, 0.0)
        embT = jnp.dot(tab_ref[...], onehot,
                       preferred_element_type=jnp.float32,
                       precision=lax.Precision.HIGHEST)
        out_ref[pl.ds(0, D_EMB), pl.ds(0, TAIL)] = embT
        out_ref[pl.ds(D_EMB, D_CBO), pl.ds(0, TAIL)] = cbo_ref[...]
        out_ref[pl.ds(D_EMB + D_CBO, D_ENC), pl.ds(0, TAIL)] = enc_ref[...]

    return pl.pallas_call(
        body,
        grid=(1,),
        in_specs=[
            pl.BlockSpec((1, TAIL), lambda i: (0, 0)),
            pl.BlockSpec((D_CBO, TAIL), lambda i: (0, 0)),
            pl.BlockSpec((D_ENC, TAIL), lambda i: (0, 0)),
            pl.BlockSpec((D_EMB, V), lambda i: (0, 0)),
            pl.BlockSpec(memory_space=pl.ANY),
        ],
        out_specs=pl.BlockSpec((D_OUT, 128), lambda i: (0, N_ALIGNED // 128)),
        out_shape=jax.ShapeDtypeStruct((D_OUT, N), jnp.float32),
        input_output_aliases={4: 0},
    )(gid_tail, cboT_tail, encT_tail, tableT, outT)


def kernel(op_gid, cbo, enc, op_table):
    gid32 = op_gid.astype(jnp.int32)
    cboT = cbo.T
    encT = enc.T
    tableT = op_table.T
    outT = _embed(gid32, cboT, encT, tableT)
    outT = _tc_tail(gid32[N_ALIGNED:].reshape(1, TAIL),
                    cboT[:, N_ALIGNED:], encT[:, N_ALIGNED:], tableT, outT)
    return outT.T

# --- scband reference (transcript-rebuilt; emitter-appended) ---
"""Pipeline reference for scband-base-embedder-69836168232983 (READ-ONLY COPY).

The authoritative reference and input builder live on the scoring server;
editing this copy changes nothing except your own understanding.
"""

import jax, jax.numpy as jnp
import numpy as np

N_NODES = 100000
N_OP_TYPES = 256
TYPE_EMB_DIM = 32
CBO_DIM = 16
ENC_DIM = 80


def setup_inputs(seed: int = 0) -> dict:
    key = jax.random.key(seed)
    k1, k2, k3, k4 = jax.random.split(key, 4)
    op_gid = jax.random.randint(k1, (N_NODES,), 0, N_OP_TYPES, dtype=jnp.int64 if jax.config.jax_enable_x64 else jnp.int32)
    cbo = jax.random.normal(k2, (N_NODES, CBO_DIM), dtype=jnp.float32)
    enc = jax.random.normal(k3, (N_NODES, ENC_DIM), dtype=jnp.float32)
    # learned parameter: op type embedding table (nn.Embedding(n_op_types, type_embedding_dim))
    op_table = jax.random.normal(k4, (N_OP_TYPES, TYPE_EMB_DIM), dtype=jnp.float32)
    return {"op_gid": op_gid, "cbo": cbo, "enc": enc, "op_table": op_table}


def reference(op_gid, cbo, enc, op_table):
    # BaseEmbedder.concatenate_op_features with op_type, op_cbo, op_enc all enabled:
    #   op_list = [op_embedder(op_gid), cbo, enc]; return th.cat(op_list, dim=1)
    op_emb = jnp.take(op_table, op_gid, axis=0)  # embedding lookup (gather)
    out = jnp.concatenate([op_emb, cbo, enc], axis=1)  # [N, 32+16+80] = [N, 128]
    # embedding_normalizer is None -> normalize_embedding is identity
    return out

if __name__ == "__main__":
    import jax
    _d = setup_inputs()
    print(jax.jit(kernel)(*tuple(_d.values())))

</pallas_src>

<mosaic_0001>
#map = affine_map<(d0, d1) -> (0)>
#map1 = affine_map<(d0, d1) -> (0, 0)>
module attributes {stable_mosaic.version = 14 : i64} {
  func.func @_embed(%arg0: i32, %arg1: i32, %arg2: memref<100000xi32, #tpu.memory_space<hbm>>, %arg3: memref<16x100000xf32, #tpu.memory_space<hbm>>, %arg4: memref<80x100000xf32, #tpu.memory_space<hbm>>, %arg5: memref<32x256xf32, #tpu.memory_space<hbm>>, %arg6: memref<128x100000xf32, #tpu.memory_space<hbm>>, %arg7: memref<3200xi32, #tpu.memory_space<vmem>>, %arg8: memref<32x256xf32, #tpu.memory_space<vmem>>, %arg9: memref<128x128xf32, #tpu.memory_space<vmem>>, %arg10: memref<128x128xf32, #tpu.memory_space<vmem>>, %arg11: memref<128x128xf32, #tpu.memory_space<vmem>>, %arg12: memref<!tpu.dma_semaphore, #tpu.memory_space<semaphore_mem>>, %arg13: memref<!tpu.dma_semaphore, #tpu.memory_space<semaphore_mem>>, %arg14: memref<!tpu.dma_semaphore, #tpu.memory_space<semaphore_mem>>, %arg15: memref<!tpu.dma_semaphore, #tpu.memory_space<semaphore_mem>>, %arg16: memref<!tpu.dma_semaphore, #tpu.memory_space<semaphore_mem>>, %arg17: memref<!tpu.dma_semaphore, #tpu.memory_space<semaphore_mem>>, %arg18: memref<!tpu.dma_semaphore, #tpu.memory_space<semaphore_mem>>, %arg19: memref<!tpu.dma_semaphore, #tpu.memory_space<semaphore_mem>>, %arg20: memref<!tpu.dma_semaphore, #tpu.memory_space<semaphore_mem>>) attributes {dimension_semantics = [#tpu.dimension_semantics<core_parallel>, #tpu.dimension_semantics<subcore_parallel>], iteration_bounds = array<i64: 2, 16>, scalar_prefetch = 0 : i64, scratch_operands = 14 : i64, tpu.core_type = #tpu.core_type<sc_vector_subcore>, window_params = [{transform_indices = #map}, {transform_indices = #map1}, {transform_indices = #map1}, {transform_indices = #map1}, {transform_indices = #map1}]} {
    %mul3A = arith.constant 2 : i32
    %mul3A_0 = arith.muli %arg1, %mul3A : i32
    %add3A = arith.addi %mul3A_0, %arg0 : i32
    %mul3A_1 = arith.constant 3200 : i32
    %mul3A_2 = arith.muli %add3A, %mul3A_1 : i32
    %multiple_of3A = tpu.assume_multiple %mul3A_2, 128 : i32
    %eq3A = arith.constant 31 : i32
    %eq3A_3 = arith.cmpi eq, %add3A, %eq3A : i32
    %jit3A = arith.constant 6 : i32
    %jit3A_4 = arith.constant 25 : i32
    %select_n3A = arith.select %eq3A_3, %jit3A, %jit3A_4 : i32
    %add3A_5 = arith.constant 0 : i32
    %add3A_6 = arith.addi %multiple_of3A, %add3A_5 : i32
    %multiple_of3A_7 = tpu.assume_multiple %add3A_6, 128 : i32
    %dma_start3A = arith.constant 32 : i32
    %dma_start3A_8 = arith.constant 0 : i32
    %dma_start3A_9 = tpu.memref_slice %arg9[%dma_start3A, %dma_start3A_8] : memref<128x128xf32, #tpu.memory_space<vmem>> -> memref<16x128xf32, #tpu.memory_space<vmem>>
    %dma_start3A_10 = arith.constant 0 : i32
    %dma_start3A_11 = tpu.memref_slice %arg3[%dma_start3A_10, %multiple_of3A_7] : memref<16x100000xf32, #tpu.memory_space<hbm>> -> memref<16x128xf32, #tpu.memory_space<hbm>>
    %dma_start3A_12 = arith.constant 32 : i32
    %dma_start3A_13 = arith.constant 0 : i32
    %dma_start3A_14 = tpu.memref_slice %arg9[%dma_start3A_12, %dma_start3A_13] : memref<128x128xf32, #tpu.memory_space<vmem>> -> memref<16x128xf32, #tpu.memory_space<vmem>>
    %dma_start3A_15 = arith.constant 0 : i32
    %dma_start3A_16 = tpu.memref_slice %arg3[%dma_start3A_15, %multiple_of3A_7] : memref<16x100000xf32, #tpu.memory_space<hbm>> -> memref<16x128xf32, #tpu.memory_space<hbm>>
    tpu.enqueue_dma source(%dma_start3A_16 : memref<16x128xf32, #tpu.memory_space<hbm>>) target(%dma_start3A_14 : memref<16x128xf32, #tpu.memory_space<vmem>>) target_semaphore(%arg12 : memref<!tpu.dma_semaphore, #tpu.memory_space<semaphore_mem>>)
    %dma_start3A_17 = arith.constant 48 : i32
    %dma_start3A_18 = arith.constant 0 : i32
    %dma_start3A_19 = tpu.memref_slice %arg9[%dma_start3A_17, %dma_start3A_18] : memref<128x128xf32, #tpu.memory_space<vmem>> -> memref<80x128xf32, #tpu.memory_space<vmem>>
    %dma_start3A_20 = arith.constant 0 : i32
    %dma_start3A_21 = tpu.memref_slice %arg4[%dma_start3A_20, %multiple_of3A_7] : memref<80x100000xf32, #tpu.memory_space<hbm>> -> memref<80x128xf32, #tpu.memory_space<hbm>>
    %dma_start3A_22 = arith.constant 48 : i32
    %dma_start3A_23 = arith.constant 0 : i32
    %dma_start3A_24 = tpu.memref_slice %arg9[%dma_start3A_22, %dma_start3A_23] : memref<128x128xf32, #tpu.memory_space<vmem>> -> memref<80x128xf32, #tpu.memory_space<vmem>>
    %dma_start3A_25 = arith.constant 0 : i32
    %dma_start3A_26 = tpu.memref_slice %arg4[%dma_start3A_25, %multiple_of3A_7] : memref<80x100000xf32, #tpu.memory_space<hbm>> -> memref<80x128xf32, #tpu.memory_space<hbm>>
    tpu.enqueue_dma source(%dma_start3A_26 : memref<80x128xf32, #tpu.memory_space<hbm>>) target(%dma_start3A_24 : memref<80x128xf32, #tpu.memory_space<vmem>>) target_semaphore(%arg15 : memref<!tpu.dma_semaphore, #tpu.memory_space<semaphore_mem>>)
    %add3A_27 = arith.constant 128 : i32
    %add3A_28 = arith.addi %multiple_of3A, %add3A_27 : i32
    %multiple_of3A_29 = tpu.assume_multiple %add3A_28, 128 : i32
    %dma_start3A_30 = arith.constant 32 : i32
    %dma_start3A_31 = arith.constant 0 : i32
    %dma_start3A_32 = tpu.memref_slice %arg10[%dma_start3A_30, %dma_start3A_31] : memref<128x128xf32, #tpu.memory_space<vmem>> -> memref<16x128xf32, #tpu.memory_space<vmem>>
    %dma_start3A_33 = arith.constant 0 : i32
    %dma_start3A_34 = tpu.memref_slice %arg3[%dma_start3A_33, %multiple_of3A_29] : memref<16x100000xf32, #tpu.memory_space<hbm>> -> memref<16x128xf32, #tpu.memory_space<hbm>>
    %dma_start3A_35 = arith.constant 32 : i32
    %dma_start3A_36 = arith.constant 0 : i32
    %dma_start3A_37 = tpu.memref_slice %arg10[%dma_start3A_35, %dma_start3A_36] : memref<128x128xf32, #tpu.memory_space<vmem>> -> memref<16x128xf32, #tpu.memory_space<vmem>>
    %dma_start3A_38 = arith.constant 0 : i32
    %dma_start3A_39 = tpu.memref_slice %arg3[%dma_start3A_38, %multiple_of3A_29] : memref<16x100000xf32, #tpu.memory_space<hbm>> -> memref<16x128xf32, #tpu.memory_space<hbm>>
    tpu.enqueue_dma source(%dma_start3A_39 : memref<16x128xf32, #tpu.memory_space<hbm>>) target(%dma_start3A_37 : memref<16x128xf32, #tpu.memory_space<vmem>>) target_semaphore(%arg13 : memref<!tpu.dma_semaphore, #tpu.memory_space<semaphore_mem>>)
    %dma_start3A_40 = arith.constant 48 : i32
    %dma_start3A_41 = arith.constant 0 : i32
    %dma_start3A_42 = tpu.memref_slice %arg10[%dma_start3A_40, %dma_start3A_41] : memref<128x128xf32, #tpu.memory_space<vmem>> -> memref<80x128xf32, #tpu.memory_space<vmem>>
    %dma_start3A_43 = arith.constant 0 : i32
    %dma_start3A_44 = tpu.memref_slice %arg4[%dma_start3A_43, %multiple_of3A_29] : memref<80x100000xf32, #tpu.memory_space<hbm>> -> memref<80x128xf32, #tpu.memory_space<hbm>>
    %dma_start3A_45 = arith.constant 48 : i32
    %dma_start3A_46 = arith.constant 0 : i32
    %dma_start3A_47 = tpu.memref_slice %arg10[%dma_start3A_45, %dma_start3A_46] : memref<128x128xf32, #tpu.memory_space<vmem>> -> memref<80x128xf32, #tpu.memory_space<vmem>>
    %dma_start3A_48 = arith.constant 0 : i32
    %dma_start3A_49 = tpu.memref_slice %arg4[%dma_start3A_48, %multiple_of3A_29] : memref<80x100000xf32, #tpu.memory_space<hbm>> -> memref<80x128xf32, #tpu.memory_space<hbm>>
    tpu.enqueue_dma source(%dma_start3A_49 : memref<80x128xf32, #tpu.memory_space<hbm>>) target(%dma_start3A_47 : memref<80x128xf32, #tpu.memory_space<vmem>>) target_semaphore(%arg16 : memref<!tpu.dma_semaphore, #tpu.memory_space<semaphore_mem>>)
    "tpu.region"() ({
      %run_scoped3A = tpu.sem_alloc : memref<!tpu.dma_semaphore, #tpu.memory_space<semaphore_mem>>
      tpu.enqueue_dma source(%arg5 : memref<32x256xf32, #tpu.memory_space<hbm>>) target(%arg8 : memref<32x256xf32, #tpu.memory_space<vmem>>) target_semaphore(%run_scoped3A : memref<!tpu.dma_semaphore, #tpu.memory_space<semaphore_mem>>)
      tpu.wait_dma2 semaphore(%run_scoped3A : memref<!tpu.dma_semaphore, #tpu.memory_space<semaphore_mem>>) src(%arg5 : memref<32x256xf32, #tpu.memory_space<hbm>>) dst(%arg8 : memref<32x256xf32, #tpu.memory_space<vmem>>)
      tpu.yield
    }) : () -> ()
    "tpu.region"() ({
      %run_scoped3A = tpu.sem_alloc : memref<!tpu.dma_semaphore, #tpu.memory_space<semaphore_mem>>
      %dma_start3A_64 = arith.constant 0 : i32
      %dma_start3A_65 = tpu.memref_slice %arg7[%dma_start3A_64] : memref<3200xi32, #tpu.memory_space<vmem>> -> memref<768xi32, #tpu.memory_space<vmem>>
      %dma_start3A_66 = tpu.memref_slice %arg2[%multiple_of3A] : memref<100000xi32, #tpu.memory_space<hbm>> -> memref<768xi32, #tpu.memory_space<hbm>>
      %dma_start3A_67 = arith.constant 0 : i32
      %dma_start3A_68 = tpu.memref_slice %arg7[%dma_start3A_67] : memref<3200xi32, #tpu.memory_space<vmem>> -> memref<768xi32, #tpu.memory_space<vmem>>
      %dma_start3A_69 = tpu.memref_slice %arg2[%multiple_of3A] : memref<100000xi32, #tpu.memory_space<hbm>> -> memref<768xi32, #tpu.memory_space<hbm>>
      tpu.enqueue_dma source(%dma_start3A_69 : memref<768xi32, #tpu.memory_space<hbm>>) target(%dma_start3A_68 : memref<768xi32, #tpu.memory_space<vmem>>) target_semaphore(%run_scoped3A : memref<!tpu.dma_semaphore, #tpu.memory_space<semaphore_mem>>)
      %dma_wait3A = arith.constant 0 : i32
      %dma_wait3A_70 = tpu.memref_slice %arg7[%dma_wait3A] : memref<3200xi32, #tpu.memory_space<vmem>> -> memref<768xi32, #tpu.memory_space<vmem>>
      %dma_wait3A_71 = tpu.memref_slice %arg2[%multiple_of3A] : memref<100000xi32, #tpu.memory_space<hbm>> -> memref<768xi32, #tpu.memory_space<hbm>>
      %dma_wait3A_72 = arith.constant 0 : i32
      %dma_wait3A_73 = tpu.memref_slice %arg7[%dma_wait3A_72] : memref<3200xi32, #tpu.memory_space<vmem>> -> memref<768xi32, #tpu.memory_space<vmem>>
      %dma_wait3A_74 = tpu.memref_slice %arg2[%multiple_of3A] : memref<100000xi32, #tpu.memory_space<hbm>> -> memref<768xi32, #tpu.memory_space<hbm>>
      tpu.wait_dma2 semaphore(%run_scoped3A : memref<!tpu.dma_semaphore, #tpu.memory_space<semaphore_mem>>) src(%dma_wait3A_74 : memref<768xi32, #tpu.memory_space<hbm>>) dst(%dma_wait3A_73 : memref<768xi32, #tpu.memory_space<vmem>>)
      tpu.yield
    }) : () -> ()
    %not3A = arith.constant true
    %not3A_50 = arith.xori %eq3A_3, %not3A : i1
    %convert_element_type3A = arith.extui %not3A_50 : i1 to i32
    %cond3A = arith.constant 0 : i32
    %cond3A_51 = arith.cmpi ne, %convert_element_type3A, %cond3A : i32
    scf.if %cond3A_51 {
      %add3A_64 = arith.constant 768 : i32
      %add3A_65 = arith.addi %multiple_of3A, %add3A_64 : i32
      "tpu.region"() ({
        %run_scoped3A = tpu.sem_alloc : memref<!tpu.dma_semaphore, #tpu.memory_space<semaphore_mem>>
        %dma_start3A_66 = arith.constant 768 : i32
        %dma_start3A_67 = tpu.memref_slice %arg7[%dma_start3A_66] : memref<3200xi32, #tpu.memory_space<vmem>> -> memref<2432xi32, #tpu.memory_space<vmem>>
        %dma_start3A_68 = tpu.memref_slice %arg2[%add3A_65] : memref<100000xi32, #tpu.memory_space<hbm>> -> memref<2432xi32, #tpu.memory_space<hbm>>
        %dma_start3A_69 = arith.constant 768 : i32
        %dma_start3A_70 = tpu.memref_slice %arg7[%dma_start3A_69] : memref<3200xi32, #tpu.memory_space<vmem>> -> memref<2432xi32, #tpu.memory_space<vmem>>
        %dma_start3A_71 = tpu.memref_slice %arg2[%add3A_65] : memref<100000xi32, #tpu.memory_space<hbm>> -> memref<2432xi32, #tpu.memory_space<hbm>>
        tpu.enqueue_dma source(%dma_start3A_71 : memref<2432xi32, #tpu.memory_space<hbm>>) target(%dma_start3A_70 : memref<2432xi32, #tpu.memory_space<vmem>>) target_semaphore(%run_scoped3A : memref<!tpu.dma_semaphore, #tpu.memory_space<semaphore_mem>>)
        %dma_wait3A = arith.constant 768 : i32
        %dma_wait3A_72 = tpu.memref_slice %arg7[%dma_wait3A] : memref<3200xi32, #tpu.memory_space<vmem>> -> memref<2432xi32, #tpu.memory_space<vmem>>
        %dma_wait3A_73 = tpu.memref_slice %arg2[%add3A_65] : memref<100000xi32, #tpu.memory_space<hbm>> -> memref<2432xi32, #tpu.memory_space<hbm>>
        %dma_wait3A_74 = arith.constant 768 : i32
        %dma_wait3A_75 = tpu.memref_slice %arg7[%dma_wait3A_74] : memref<3200xi32, #tpu.memory_space<vmem>> -> memref<2432xi32, #tpu.memory_space<vmem>>
        %dma_wait3A_76 = tpu.memref_slice %arg2[%add3A_65] : memref<100000xi32, #tpu.memory_space<hbm>> -> memref<2432xi32, #tpu.memory_space<hbm>>
        tpu.wait_dma2 semaphore(%run_scoped3A : memref<!tpu.dma_semaphore, #tpu.memory_space<semaphore_mem>>) src(%dma_wait3A_76 : memref<2432xi32, #tpu.memory_space<hbm>>) dst(%dma_wait3A_75 : memref<2432xi32, #tpu.memory_space<vmem>>)
        tpu.yield
      }) : () -> ()
    } else {
    }
    %scan3A = arith.constant 0 : i32
    %scan3A_52 = arith.constant 9 : i32
    %scan3A_53 = arith.addi %scan3A, %scan3A_52 : i32
    %scan3A_54 = arith.constant 1 : i32
    scf.for %scan3A_64 = %scan3A to %scan3A_53 step %scan3A_54  : i32 {
      %mul3A_65 = arith.constant 3 : i32
      %mul3A_66 = arith.muli %scan3A_64, %mul3A_65 : i32
      %add3A_67 = arith.constant 0 : i32
      %add3A_68 = arith.addi %mul3A_66, %add3A_67 : i32
      %lt3A = arith.cmpi slt, %add3A_68, %select_n3A : i32
      %convert_element_type3A_69 = arith.extui %lt3A : i1 to i32
      %cond3A_70 = arith.constant 0 : i32
      %cond3A_71 = arith.cmpi ne, %convert_element_type3A_69, %cond3A_70 : i32
      scf.if %cond3A_71 {
        %scan3A_88 = arith.constant 0 : i32
        %scan3A_89 = arith.constant 8 : i32
        %scan3A_90 = arith.addi %scan3A_88, %scan3A_89 : i32
        %scan3A_91 = arith.constant 1 : i32
        scf.for %scan3A_134 = %scan3A_88 to %scan3A_90 step %scan3A_91  : i32 {
          %mul3A_135 = arith.constant 16 : i32
          %mul3A_136 = arith.muli %scan3A_134, %mul3A_135 : i32
          %mul3A_137 = arith.constant 128 : i32
          %mul3A_138 = arith.muli %add3A_68, %mul3A_137 : i32
          %add3A_139 = arith.addi %mul3A_138, %mul3A_136 : i32
          %get3A = arith.index_cast %add3A_139 : i32 to index
          %get3A_140 = tpu.vector_load %arg7[%get3A] {strides = array<i32>} : memref<3200xi32, #tpu.memory_space<vmem>>, vector<16xi32>,
          %broadcast_in_dim3A = arith.constant 0 : i32
          %broadcast_in_dim3A_141 = vector.broadcast %broadcast_in_dim3A : i32 to vector<16xi32>
          %gather3A = tpu.vector_load_idx %arg8[%broadcast_in_dim3A_141, %get3A_140] : memref<32x256xf32, #tpu.memory_space<vmem>>[vector<16xi32>, vector<16xi32>], vector<16xf32>,
          %swap3A = arith.constant 0 : i32
          %swap3A_142 = arith.index_cast %swap3A : i32 to index
          %swap3A_143 = arith.index_cast %mul3A_136 : i32 to index
          %swap3A_144 = tpu.vector_load %arg9[%swap3A_142, %swap3A_143] {strides = array<i32>} : memref<128x128xf32, #tpu.memory_space<vmem>>, vector<16xf32>,
          tpu.vector_store %arg9[%swap3A_142, %swap3A_143], %gather3A {strides = array<i32>} : memref<128x128xf32, #tpu.memory_space<vmem>>, vector<16xf32>,
          %broadcast_in_dim3A_145 = arith.constant 1 : i32
          %broadcast_in_dim3A_146 = vector.broadcast %broadcast_in_dim3A_145 : i32 to vector<16xi32>
          %gather3A_147 = tpu.vector_load_idx %arg8[%broadcast_in_dim3A_146, %get3A_140] : memref<32x256xf32, #tpu.memory_space<vmem>>[vector<16xi32>, vector<16xi32>], vector<16xf32>,
          %swap3A_148 = arith.constant 1 : i32
          %swap3A_149 = arith.index_cast %swap3A_148 : i32 to index
          %swap3A_150 = arith.index_cast %mul3A_136 : i32 to index
          %swap3A_151 = tpu.vector_load %arg9[%swap3A_149, %swap3A_150] {strides = array<i32>} : memref<128x128xf32, #tpu.memory_space<vmem>>, vector<16xf32>,
          tpu.vector_store %arg9[%swap3A_149, %swap3A_150], %gather3A_147 {strides = array<i32>} : memref<128x128xf32, #tpu.memory_space<vmem>>, vector<16xf32>,
          %broadcast_in_dim3A_152 = arith.constant 2 : i32
          %broadcast_in_dim3A_153 = vector.broadcast %broadcast_in_dim3A_152 : i32 to vector<16xi32>
          %gather3A_154 = tpu.vector_load_idx %arg8[%broadcast_in_dim3A_153, %get3A_140] : memref<32x256xf32, #tpu.memory_space<vmem>>[vector<16xi32>, vector<16xi32>], vector<16xf32>,
          %swap3A_155 = arith.constant 2 : i32
          %swap3A_156 = arith.index_cast %swap3A_155 : i32 to index
          %swap3A_157 = arith.index_cast %mul3A_136 : i32 to index
          %swap3A_158 = tpu.vector_load %arg9[%swap3A_156, %swap3A_157] {strides = array<i32>} : memref<128x128xf32, #tpu.memory_space<vmem>>, vector<16xf32>,
          tpu.vector_store %arg9[%swap3A_156, %swap3A_157], %gather3A_154 {strides = array<i32>} : memref<128x128xf32, #tpu.memory_space<vmem>>, vector<16xf32>,
          %broadcast_in_dim3A_159 = arith.constant 3 : i32
          %broadcast_in_dim3A_160 = vector.broadcast %broadcast_in_dim3A_159 : i32 to vector<16xi32>
          %gather3A_161 = tpu.vector_load_idx %arg8[%broadcast_in_dim3A_160, %get3A_140] : memref<32x256xf32, #tpu.memory_space<vmem>>[vector<16xi32>, vector<16xi32>], vector<16xf32>,
          %swap3A_162 = arith.constant 3 : i32
          %swap3A_163 = arith.index_cast %swap3A_162 : i32 to index
          %swap3A_164 = arith.index_cast %mul3A_136 : i32 to index
          %swap3A_165 = tpu.vector_load %arg9[%swap3A_163, %swap3A_164] {strides = array<i32>} : memref<128x128xf32, #tpu.memory_space<vmem>>, vector<16xf32>,
          tpu.vector_store %arg9[%swap3A_163, %swap3A_164], %gather3A_161 {strides = array<i32>} : memref<128x128xf32, #tpu.memory_space<vmem>>, vector<16xf32>,
          %broadcast_in_dim3A_166 = arith.constant 4 : i32
          %broadcast_in_dim3A_167 = vector.broadcast %broadcast_in_dim3A_166 : i32 to vector<16xi32>
          %gather3A_168 = tpu.vector_load_idx %arg8[%broadcast_in_dim3A_167, %get3A_140] : memref<32x256xf32, #tpu.memory_space<vmem>>[vector<16xi32>, vector<16xi32>], vector<16xf32>,
          %swap3A_169 = arith.constant 4 : i32
          %swap3A_170 = arith.index_cast %swap3A_169 : i32 to index
          %swap3A_171 = arith.index_cast %mul3A_136 : i32 to index
          %swap3A_172 = tpu.vector_load %arg9[%swap3A_170, %swap3A_171] {strides = array<i32>} : memref<128x128xf32, #tpu.memory_space<vmem>>, vector<16xf32>,
          tpu.vector_store %arg9[%swap3A_170, %swap3A_171], %gather3A_168 {strides = array<i32>} : memref<128x128xf32, #tpu.memory_space<vmem>>, vector<16xf32>,
          %broadcast_in_dim3A_173 = arith.constant 5 : i32
          %broadcast_in_dim3A_174 = vector.broadcast %broadcast_in_dim3A_173 : i32 to vector<16xi32>
          %gather3A_175 = tpu.vector_load_idx %arg8[%broadcast_in_dim3A_174, %get3A_140] : memref<32x256xf32, #tpu.memory_space<vmem>>[vector<16xi32>, vector<16xi32>], vector<16xf32>,
          %swap3A_176 = arith.constant 5 : i32
          %swap3A_177 = arith.index_cast %swap3A_176 : i32 to index
          %swap3A_178 = arith.index_cast %mul3A_136 : i32 to index
          %swap3A_179 = tpu.vector_load %arg9[%swap3A_177, %swap3A_178] {strides = array<i32>} : memref<128x128xf32, #tpu.memory_space<vmem>>, vector<16xf32>,
          tpu.vector_store %arg9[%swap3A_177, %swap3A_178], %gather3A_175 {strides = array<i32>} : memref<128x128xf32, #tpu.memory_space<vmem>>, vector<16xf32>,
          %broadcast_in_dim3A_180 = arith.constant 6 : i32
          %broadcast_in_dim3A_181 = vector.broadcast %broadcast_in_dim3A_180 : i32 to vector<16xi32>
          %gather3A_182 = tpu.vector_load_idx %arg8[%broadcast_in_dim3A_181, %get3A_140] : memref<32x256xf32, #tpu.memory_space<vmem>>[vector<16xi32>, vector<16xi32>], vector<16xf32>,
          %swap3A_183 = arith.constant 6 : i32
          %swap3A_184 = arith.index_cast %swap3A_183 : i32 to index
          %swap3A_185 = arith.index_cast %mul3A_136 : i32 to index
          %swap3A_186 = tpu.vector_load %arg9[%swap3A_184, %swap3A_185] {strides = array<i32>} : memref<128x128xf32, #tpu.memory_space<vmem>>, vector<16xf32>,
          tpu.vector_store %arg9[%swap3A_184, %swap3A_185], %gather3A_182 {strides = array<i32>} : memref<128x128xf32, #tpu.memory_space<vmem>>, vector<16xf32>,
          %broadcast_in_dim3A_187 = arith.constant 7 : i32
          %broadcast_in_dim3A_188 = vector.broadcast %broadcast_in_dim3A_187 : i32 to vector<16xi32>
          %gather3A_189 = tpu.vector_load_idx %arg8[%broadcast_in_dim3A_188, %get3A_140] : memref<32x256xf32, #tpu.memory_space<vmem>>[vector<16xi32>, vector<16xi32>], vector<16xf32>,
          %swap3A_190 = arith.constant 7 : i32
          %swap3A_191 = arith.index_cast %swap3A_190 : i32 to index
          %swap3A_192 = arith.index_cast %mul3A_136 : i32 to index
          %swap3A_193 = tpu.vector_load %arg9[%swap3A_191, %swap3A_192] {strides = array<i32>} : memref<128x128xf32, #tpu.memory_space<vmem>>, vector<16xf32>,
          tpu.vector_store %arg9[%swap3A_191, %swap3A_192], %gather3A_189 {strides = array<i32>} : memref<128x128xf32, #tpu.memory_space<vmem>>, vector<16xf32>,
          %broadcast_in_dim3A_194 = arith.constant 8 : i32
          %broadcast_in_dim3A_195 = vector.broadcast %broadcast_in_dim3A_194 : i32 to vector<16xi32>
          %gather3A_196 = tpu.vector_load_idx %arg8[%broadcast_in_dim3A_195, %get3A_140] : memref<32x256xf32, #tpu.memory_space<vmem>>[vector<16xi32>, vector<16xi32>], vector<16xf32>,
          %swap3A_197 = arith.constant 8 : i32
          %swap3A_198 = arith.index_cast %swap3A_197 : i32 to index
          %swap3A_199 = arith.index_cast %mul3A_136 : i32 to index
          %swap3A_200 = tpu.vector_load %arg9[%swap3A_198, %swap3A_199] {strides = array<i32>} : memref<128x128xf32, #tpu.memory_space<vmem>>, vector<16xf32>,
          tpu.vector_store %arg9[%swap3A_198, %swap3A_199], %gather3A_196 {strides = array<i32>} : memref<128x128xf32, #tpu.memory_space<vmem>>, vector<16xf32>,
          %broadcast_in_dim3A_201 = arith.constant 9 : i32
          %broadcast_in_dim3A_202 = vector.broadcast %broadcast_in_dim3A_201 : i32 to vector<16xi32>
          %gather3A_203 = tpu.vector_load_idx %arg8[%broadcast_in_dim3A_202, %get3A_140] : memref<32x256xf32, #tpu.memory_space<vmem>>[vector<16xi32>, vector<16xi32>], vector<16xf32>,
          %swap3A_204 = arith.constant 9 : i32
          %swap3A_205 = arith.index_cast %swap3A_204 : i32 to index
          %swap3A_206 = arith.index_cast %mul3A_136 : i32 to index
          %swap3A_207 = tpu.vector_load %arg9[%swap3A_205, %swap3A_206] {strides = array<i32>} : memref<128x128xf32, #tpu.memory_space<vmem>>, vector<16xf32>,
          tpu.vector_store %arg9[%swap3A_205, %swap3A_206], %gather3A_203 {strides = array<i32>} : memref<128x128xf32, #tpu.memory_space<vmem>>, vector<16xf32>,
          %broadcast_in_dim3A_208 = arith.constant 10 : i32
          %broadcast_in_dim3A_209 = vector.broadcast %broadcast_in_dim3A_208 : i32 to vector<16xi32>
          %gather3A_210 = tpu.vector_load_idx %arg8[%broadcast_in_dim3A_209, %get3A_140] : memref<32x256xf32, #tpu.memory_space<vmem>>[vector<16xi32>, vector<16xi32>], vector<16xf32>,
          %swap3A_211 = arith.constant 10 : i32
          %swap3A_212 = arith.index_cast %swap3A_211 : i32 to index
          %swap3A_213 = arith.index_cast %mul3A_136 : i32 to index
          %swap3A_214 = tpu.vector_load %arg9[%swap3A_212, %swap3A_213] {strides = array<i32>} : memref<128x128xf32, #tpu.memory_space<vmem>>, vector<16xf32>,
          tpu.vector_store %arg9[%swap3A_212, %swap3A_213], %gather3A_210 {strides = array<i32>} : memref<128x128xf32, #tpu.memory_space<vmem>>, vector<16xf32>,
          %broadcast_in_dim3A_215 = arith.constant 11 : i32
          %broadcast_in_dim3A_216 = vector.broadcast %broadcast_in_dim3A_215 : i32 to vector<16xi32>
          %gather3A_217 = tpu.vector_load_idx %arg8[%broadcast_in_dim3A_216, %get3A_140] : memref<32x256xf32, #tpu.memory_space<vmem>>[vector<16xi32>, vector<16xi32>], vector<16xf32>,
          %swap3A_218 = arith.constant 11 : i32
          %swap3A_219 = arith.index_cast %swap3A_218 : i32 to index
          %swap3A_220 = arith.index_cast %mul3A_136 : i32 to index
          %swap3A_221 = tpu.vector_load %arg9[%swap3A_219, %swap3A_220] {strides = array<i32>} : memref<128x128xf32, #tpu.memory_space<vmem>>, vector<16xf32>,
          tpu.vector_store %arg9[%swap3A_219, %swap3A_220], %gather3A_217 {strides = array<i32>} : memref<128x128xf32, #tpu.memory_space<vmem>>, vector<16xf32>,
          %broadcast_in_dim3A_222 = arith.constant 12 : i32
          %broadcast_in_dim3A_223 = vector.broadcast %broadcast_in_dim3A_222 : i32 to vector<16xi32>
          %gather3A_224 = tpu.vector_load_idx %arg8[%broadcast_in_dim3A_223, %get3A_140] : memref<32x256xf32, #tpu.memory_space<vmem>>[vector<16xi32>, vector<16xi32>], vector<16xf32>,
          %swap3A_225 = arith.constant 12 : i32
          %swap3A_226 = arith.index_cast %swap3A_225 : i32 to index
          %swap3A_227 = arith.index_cast %mul3A_136 : i32 to index
          %swap3A_228 = tpu.vector_load %arg9[%swap3A_226, %swap3A_227] {strides = array<i32>} : memref<128x128xf32, #tpu.memory_space<vmem>>, vector<16xf32>,
          tpu.vector_store %arg9[%swap3A_226, %swap3A_227], %gather3A_224 {strides = array<i32>} : memref<128x128xf32, #tpu.memory_space<vmem>>, vector<16xf32>,
          %broadcast_in_dim3A_229 = arith.constant 13 : i32
          %broadcast_in_dim3A_230 = vector.broadcast %broadcast_in_dim3A_229 : i32 to vector<16xi32>
          %gather3A_231 = tpu.vector_load_idx %arg8[%broadcast_in_dim3A_230, %get3A_140] : memref<32x256xf32, #tpu.memory_space<vmem>>[vector<16xi32>, vector<16xi32>], vector<16xf32>,
          %swap3A_232 = arith.constant 13 : i32
          %swap3A_233 = arith.index_cast %swap3A_232 : i32 to index
          %swap3A_234 = arith.index_cast %mul3A_136 : i32 to index
          %swap3A_235 = tpu.vector_load %arg9[%swap3A_233, %swap3A_234] {strides = array<i32>} : memref<128x128xf32, #tpu.memory_space<vmem>>, vector<16xf32>,
          tpu.vector_store %arg9[%swap3A_233, %swap3A_234], %gather3A_231 {strides = array<i32>} : memref<128x128xf32, #tpu.memory_space<vmem>>, vector<16xf32>,
          %broadcast_in_dim3A_236 = arith.constant 14 : i32
          %broadcast_in_dim3A_237 = vector.broadcast %broadcast_in_dim3A_236 : i32 to vector<16xi32>
          %gather3A_238 = tpu.vector_load_idx %arg8[%broadcast_in_dim3A_237, %get3A_140] : memref<32x256xf32, #tpu.memory_space<vmem>>[vector<16xi32>, vector<16xi32>], vector<16xf32>,
          %swap3A_239 = arith.constant 14 : i32
          %swap3A_240 = arith.index_cast %swap3A_239 : i32 to index
          %swap3A_241 = arith.index_cast %mul3A_136 : i32 to index
          %swap3A_242 = tpu.vector_load %arg9[%swap3A_240, %swap3A_241] {strides = array<i32>} : memref<128x128xf32, #tpu.memory_space<vmem>>, vector<16xf32>,
          tpu.vector_store %arg9[%swap3A_240, %swap3A_241], %gather3A_238 {strides = array<i32>} : memref<128x128xf32, #tpu.memory_space<vmem>>, vector<16xf32>,
          %broadcast_in_dim3A_243 = arith.constant 15 : i32
          %broadcast_in_dim3A_244 = vector.broadcast %broadcast_in_dim3A_243 : i32 to vector<16xi32>
          %gather3A_245 = tpu.vector_load_idx %arg8[%broadcast_in_dim3A_244, %get3A_140] : memref<32x256xf32, #tpu.memory_space<vmem>>[vector<16xi32>, vector<16xi32>], vector<16xf32>,
          %swap3A_246 = arith.constant 15 : i32
          %swap3A_247 = arith.index_cast %swap3A_246 : i32 to index
          %swap3A_248 = arith.index_cast %mul3A_136 : i32 to index
          %swap3A_249 = tpu.vector_load %arg9[%swap3A_247, %swap3A_248] {strides = array<i32>} : memref<128x128xf32, #tpu.memory_space<vmem>>, vector<16xf32>,
          tpu.vector_store %arg9[%swap3A_247, %swap3A_248], %gather3A_245 {strides = array<i32>} : memref<128x128xf32, #tpu.memory_space<vmem>>, vector<16xf32>,
          %broadcast_in_dim3A_250 = arith.constant 16 : i32
          %broadcast_in_dim3A_251 = vector.broadcast %broadcast_in_dim3A_250 : i32 to vector<16xi32>
          %gather3A_252 = tpu.vector_load_idx %arg8[%broadcast_in_dim3A_251, %get3A_140] : memref<32x256xf32, #tpu.memory_space<vmem>>[vector<16xi32>, vector<16xi32>], vector<16xf32>,
          %swap3A_253 = arith.constant 16 : i32
          %swap3A_254 = arith.index_cast %swap3A_253 : i32 to index
          %swap3A_255 = arith.index_cast %mul3A_136 : i32 to index
          %swap3A_256 = tpu.vector_load %arg9[%swap3A_254, %swap3A_255] {strides = array<i32>} : memref<128x128xf32, #tpu.memory_space<vmem>>, vector<16xf32>,
          tpu.vector_store %arg9[%swap3A_254, %swap3A_255], %gather3A_252 {strides = array<i32>} : memref<128x128xf32, #tpu.memory_space<vmem>>, vector<16xf32>,
          %broadcast_in_dim3A_257 = arith.constant 17 : i32
          %broadcast_in_dim3A_258 = vector.broadcast %broadcast_in_dim3A_257 : i32 to vector<16xi32>
          %gather3A_259 = tpu.vector_load_idx %arg8[%broadcast_in_dim3A_258, %get3A_140] : memref<32x256xf32, #tpu.memory_space<vmem>>[vector<16xi32>, vector<16xi32>], vector<16xf32>,
          %swap3A_260 = arith.constant 17 : i32
          %swap3A_261 = arith.index_cast %swap3A_260 : i32 to index
          %swap3A_262 = arith.index_cast %mul3A_136 : i32 to index
          %swap3A_263 = tpu.vector_load %arg9[%swap3A_261, %swap3A_262] {strides = array<i32>} : memref<128x128xf32, #tpu.memory_space<vmem>>, vector<16xf32>,
          tpu.vector_store %arg9[%swap3A_261, %swap3A_262], %gather3A_259 {strides = array<i32>} : memref<128x128xf32, #tpu.memory_space<vmem>>, vector<16xf32>,
          %broadcast_in_dim3A_264 = arith.constant 18 : i32
          %broadcast_in_dim3A_265 = vector.broadcast %broadcast_in_dim3A_264 : i32 to vector<16xi32>
          %gather3A_266 = tpu.vector_load_idx %arg8[%broadcast_in_dim3A_265, %get3A_140] : memref<32x256xf32, #tpu.memory_space<vmem>>[vector<16xi32>, vector<16xi32>], vector<16xf32>,
          %swap3A_267 = arith.constant 18 : i32
          %swap3A_268 = arith.index_cast %swap3A_267 : i32 to index
          %swap3A_269 = arith.index_cast %mul3A_136 : i32 to index
          %swap3A_270 = tpu.vector_load %arg9[%swap3A_268, %swap3A_269] {strides = array<i32>} : memref<128x128xf32, #tpu.memory_space<vmem>>, vector<16xf32>,
          tpu.vector_store %arg9[%swap3A_268, %swap3A_269], %gather3A_266 {strides = array<i32>} : memref<128x128xf32, #tpu.memory_space<vmem>>, vector<16xf32>,
          %broadcast_in_dim3A_271 = arith.constant 19 : i32
          %broadcast_in_dim3A_272 = vector.broadcast %broadcast_in_dim3A_271 : i32 to vector<16xi32>
          %gather3A_273 = tpu.vector_load_idx %arg8[%broadcast_in_dim3A_272, %get3A_140] : memref<32x256xf32, #tpu.memory_space<vmem>>[vector<16xi32>, vector<16xi32>], vector<16xf32>,
          %swap3A_274 = arith.constant 19 : i32
          %swap3A_275 = arith.index_cast %swap3A_274 : i32 to index
          %swap3A_276 = arith.index_cast %mul3A_136 : i32 to index
          %swap3A_277 = tpu.vector_load %arg9[%swap3A_275, %swap3A_276] {strides = array<i32>} : memref<128x128xf32, #tpu.memory_space<vmem>>, vector<16xf32>,
          tpu.vector_store %arg9[%swap3A_275, %swap3A_276], %gather3A_273 {strides = array<i32>} : memref<128x128xf32, #tpu.memory_space<vmem>>, vector<16xf32>,
          %broadcast_in_dim3A_278 = arith.constant 20 : i32
          %broadcast_in_dim3A_279 = vector.broadcast %broadcast_in_dim3A_278 : i32 to vector<16xi32>
          %gather3A_280 = tpu.vector_load_idx %arg8[%broadcast_in_dim3A_279, %get3A_140] : memref<32x256xf32, #tpu.memory_space<vmem>>[vector<16xi32>, vector<16xi32>], vector<16xf32>,
          %swap3A_281 = arith.constant 20 : i32
          %swap3A_282 = arith.index_cast %swap3A_281 : i32 to index
          %swap3A_283 = arith.index_cast %mul3A_136 : i32 to index
          %swap3A_284 = tpu.vector_load %arg9[%swap3A_282, %swap3A_283] {strides = array<i32>} : memref<128x128xf32, #tpu.memory_space<vmem>>, vector<16xf32>,
          tpu.vector_store %arg9[%swap3A_282, %swap3A_283], %gather3A_280 {strides = array<i32>} : memref<128x128xf32, #tpu.memory_space<vmem>>, vector<16xf32>,
          %broadcast_in_dim3A_285 = arith.constant 21 : i32
          %broadcast_in_dim3A_286 = vector.broadcast %broadcast_in_dim3A_285 : i32 to vector<16xi32>
          %gather3A_287 = tpu.vector_load_idx %arg8[%broadcast_in_dim3A_286, %get3A_140] : memref<32x256xf32, #tpu.memory_space<vmem>>[vector<16xi32>, vector<16xi32>], vector<16xf32>,
          %swap3A_288 = arith.constant 21 : i32
          %swap3A_289 = arith.index_cast %swap3A_288 : i32 to index
          %swap3A_290 = arith.index_cast %mul3A_136 : i32 to index
          %swap3A_291 = tpu.vector_load %arg9[%swap3A_289, %swap3A_290] {strides = array<i32>} : memref<128x128xf32, #tpu.memory_space<vmem>>, vector<16xf32>,
          tpu.vector_store %arg9[%swap3A_289, %swap3A_290], %gather3A_287 {strides = array<i32>} : memref<128x128xf32, #tpu.memory_space<vmem>>, vector<16xf32>,
          %broadcast_in_dim3A_292 = arith.constant 22 : i32
          %broadcast_in_dim3A_293 = vector.broadcast %broadcast_in_dim3A_292 : i32 to vector<16xi32>
          %gather3A_294 = tpu.vector_load_idx %arg8[%broadcast_in_dim3A_293, %get3A_140] : memref<32x256xf32, #tpu.memory_space<vmem>>[vector<16xi32>, vector<16xi32>], vector<16xf32>,
          %swap3A_295 = arith.constant 22 : i32
          %swap3A_296 = arith.index_cast %swap3A_295 : i32 to index
          %swap3A_297 = arith.index_cast %mul3A_136 : i32 to index
          %swap3A_298 = tpu.vector_load %arg9[%swap3A_296, %swap3A_297] {strides = array<i32>} : memref<128x128xf32, #tpu.memory_space<vmem>>, vector<16xf32>,
          tpu.vector_store %arg9[%swap3A_296, %swap3A_297], %gather3A_294 {strides = array<i32>} : memref<128x128xf32, #tpu.memory_space<vmem>>, vector<16xf32>,
          %broadcast_in_dim3A_299 = arith.constant 23 : i32
          %broadcast_in_dim3A_300 = vector.broadcast %broadcast_in_dim3A_299 : i32 to vector<16xi32>
          %gather3A_301 = tpu.vector_load_idx %arg8[%broadcast_in_dim3A_300, %get3A_140] : memref<32x256xf32, #tpu.memory_space<vmem>>[vector<16xi32>, vector<16xi32>], vector<16xf32>,
          %swap3A_302 = arith.constant 23 : i32
          %swap3A_303 = arith.index_cast %swap3A_302 : i32 to index
          %swap3A_304 = arith.index_cast %mul3A_136 : i32 to index
          %swap3A_305 = tpu.vector_load %arg9[%swap3A_303, %swap3A_304] {strides = array<i32>} : memref<128x128xf32, #tpu.memory_space<vmem>>, vector<16xf32>,
          tpu.vector_store %arg9[%swap3A_303, %swap3A_304], %gather3A_301 {strides = array<i32>} : memref<128x128xf32, #tpu.memory_space<vmem>>, vector<16xf32>,
          %broadcast_in_dim3A_306 = arith.constant 24 : i32
          %broadcast_in_dim3A_307 = vector.broadcast %broadcast_in_dim3A_306 : i32 to vector<16xi32>
          %gather3A_308 = tpu.vector_load_idx %arg8[%broadcast_in_dim3A_307, %get3A_140] : memref<32x256xf32, #tpu.memory_space<vmem>>[vector<16xi32>, vector<16xi32>], vector<16xf32>,
          %swap3A_309 = arith.constant 24 : i32
          %swap3A_310 = arith.index_cast %swap3A_309 : i32 to index
          %swap3A_311 = arith.index_cast %mul3A_136 : i32 to index
          %swap3A_312 = tpu.vector_load %arg9[%swap3A_310, %swap3A_311] {strides = array<i32>} : memref<128x128xf32, #tpu.memory_space<vmem>>, vector<16xf32>,
          tpu.vector_store %arg9[%swap3A_310, %swap3A_311], %gather3A_308 {strides = array<i32>} : memref<128x128xf32, #tpu.memory_space<vmem>>, vector<16xf32>,
          %broadcast_in_dim3A_313 = arith.constant 25 : i32
          %broadcast_in_dim3A_314 = vector.broadcast %broadcast_in_dim3A_313 : i32 to vector<16xi32>
          %gather3A_315 = tpu.vector_load_idx %arg8[%broadcast_in_dim3A_314, %get3A_140] : memref<32x256xf32, #tpu.memory_space<vmem>>[vector<16xi32>, vector<16xi32>], vector<16xf32>,
          %swap3A_316 = arith.constant 25 : i32
          %swap3A_317 = arith.index_cast %swap3A_316 : i32 to index
          %swap3A_318 = arith.index_cast %mul3A_136 : i32 to index
          %swap3A_319 = tpu.vector_load %arg9[%swap3A_317, %swap3A_318] {strides = array<i32>} : memref<128x128xf32, #tpu.memory_space<vmem>>, vector<16xf32>,
          tpu.vector_store %arg9[%swap3A_317, %swap3A_318], %gather3A_315 {strides = array<i32>} : memref<128x128xf32, #tpu.memory_space<vmem>>, vector<16xf32>,
          %broadcast_in_dim3A_320 = arith.constant 26 : i32
          %broadcast_in_dim3A_321 = vector.broadcast %broadcast_in_dim3A_320 : i32 to vector<16xi32>
          %gather3A_322 = tpu.vector_load_idx %arg8[%broadcast_in_dim3A_321, %get3A_140] : memref<32x256xf32, #tpu.memory_space<vmem>>[vector<16xi32>, vector<16xi32>], vector<16xf32>,
          %swap3A_323 = arith.constant 26 : i32
          %swap3A_324 = arith.index_cast %swap3A_323 : i32 to index
          %swap3A_325 = arith.index_cast %mul3A_136 : i32 to index
          %swap3A_326 = tpu.vector_load %arg9[%swap3A_324, %swap3A_325] {strides = array<i32>} : memref<128x128xf32, #tpu.memory_space<vmem>>, vector<16xf32>,
          tpu.vector_store %arg9[%swap3A_324, %swap3A_325], %gather3A_322 {strides = array<i32>} : memref<128x128xf32, #tpu.memory_space<vmem>>, vector<16xf32>,
          %broadcast_in_dim3A_327 = arith.constant 27 : i32
          %broadcast_in_dim3A_328 = vector.broadcast %broadcast_in_dim3A_327 : i32 to vector<16xi32>
          %gather3A_329 = tpu.vector_load_idx %arg8[%broadcast_in_dim3A_328, %get3A_140] : memref<32x256xf32, #tpu.memory_space<vmem>>[vector<16xi32>, vector<16xi32>], vector<16xf32>,
          %swap3A_330 = arith.constant 27 : i32
          %swap3A_331 = arith.index_cast %swap3A_330 : i32 to index
          %swap3A_332 = arith.index_cast %mul3A_136 : i32 to index
          %swap3A_333 = tpu.vector_load %arg9[%swap3A_331, %swap3A_332] {strides = array<i32>} : memref<128x128xf32, #tpu.memory_space<vmem>>, vector<16xf32>,
          tpu.vector_store %arg9[%swap3A_331, %swap3A_332], %gather3A_329 {strides = array<i32>} : memref<128x128xf32, #tpu.memory_space<vmem>>, vector<16xf32>,
          %broadcast_in_dim3A_334 = arith.constant 28 : i32
          %broadcast_in_dim3A_335 = vector.broadcast %broadcast_in_dim3A_334 : i32 to vector<16xi32>
          %gather3A_336 = tpu.vector_load_idx %arg8[%broadcast_in_dim3A_335, %get3A_140] : memref<32x256xf32, #tpu.memory_space<vmem>>[vector<16xi32>, vector<16xi32>], vector<16xf32>,
          %swap3A_337 = arith.constant 28 : i32
          %swap3A_338 = arith.index_cast %swap3A_337 : i32 to index
          %swap3A_339 = arith.index_cast %mul3A_136 : i32 to index
          %swap3A_340 = tpu.vector_load %arg9[%swap3A_338, %swap3A_339] {strides = array<i32>} : memref<128x128xf32, #tpu.memory_space<vmem>>, vector<16xf32>,
          tpu.vector_store %arg9[%swap3A_338, %swap3A_339], %gather3A_336 {strides = array<i32>} : memref<128x128xf32, #tpu.memory_space<vmem>>, vector<16xf32>,
          %broadcast_in_dim3A_341 = arith.constant 29 : i32
          %broadcast_in_dim3A_342 = vector.broadcast %broadcast_in_dim3A_341 : i32 to vector<16xi32>
          %gather3A_343 = tpu.vector_load_idx %arg8[%broadcast_in_dim3A_342, %get3A_140] : memref<32x256xf32, #tpu.memory_space<vmem>>[vector<16xi32>, vector<16xi32>], vector<16xf32>,
          %swap3A_344 = arith.constant 29 : i32
          %swap3A_345 = arith.index_cast %swap3A_344 : i32 to index
          %swap3A_346 = arith.index_cast %mul3A_136 : i32 to index
          %swap3A_347 = tpu.vector_load %arg9[%swap3A_345, %swap3A_346] {strides = array<i32>} : memref<128x128xf32, #tpu.memory_space<vmem>>, vector<16xf32>,
          tpu.vector_store %arg9[%swap3A_345, %swap3A_346], %gather3A_343 {strides = array<i32>} : memref<128x128xf32, #tpu.memory_space<vmem>>, vector<16xf32>,
          %broadcast_in_dim3A_348 = arith.constant 30 : i32
          %broadcast_in_dim3A_349 = vector.broadcast %broadcast_in_dim3A_348 : i32 to vector<16xi32>
          %gather3A_350 = tpu.vector_load_idx %arg8[%broadcast_in_dim3A_349, %get3A_140] : memref<32x256xf32, #tpu.memory_space<vmem>>[vector<16xi32>, vector<16xi32>], vector<16xf32>,
          %swap3A_351 = arith.constant 30 : i32
          %swap3A_352 = arith.index_cast %swap3A_351 : i32 to index
          %swap3A_353 = arith.index_cast %mul3A_136 : i32 to index
          %swap3A_354 = tpu.vector_load %arg9[%swap3A_352, %swap3A_353] {strides = array<i32>} : memref<128x128xf32, #tpu.memory_space<vmem>>, vector<16xf32>,
          tpu.vector_store %arg9[%swap3A_352, %swap3A_353], %gather3A_350 {strides = array<i32>} : memref<128x128xf32, #tpu.memory_space<vmem>>, vector<16xf32>,
          %broadcast_in_dim3A_355 = arith.constant 31 : i32
          %broadcast_in_dim3A_356 = vector.broadcast %broadcast_in_dim3A_355 : i32 to vector<16xi32>
          %gather3A_357 = tpu.vector_load_idx %arg8[%broadcast_in_dim3A_356, %get3A_140] : memref<32x256xf32, #tpu.memory_space<vmem>>[vector<16xi32>, vector<16xi32>], vector<16xf32>,
          %swap3A_358 = arith.constant 31 : i32
          %swap3A_359 = arith.index_cast %swap3A_358 : i32 to index
          %swap3A_360 = arith.index_cast %mul3A_136 : i32 to index
          %swap3A_361 = tpu.vector_load %arg9[%swap3A_359, %swap3A_360] {strides = array<i32>} : memref<128x128xf32, #tpu.memory_space<vmem>>, vector<16xf32>,
          tpu.vector_store %arg9[%swap3A_359, %swap3A_360], %gather3A_357 {strides = array<i32>} : memref<128x128xf32, #tpu.memory_space<vmem>>, vector<16xf32>,
        }
        %scan3A_92 = arith.constant 8 : i32
        %mul3A_93 = arith.constant 128 : i32
        %mul3A_94 = arith.muli %add3A_68, %mul3A_93 : i32
        %add3A_95 = arith.addi %multiple_of3A, %mul3A_94 : i32
        %multiple_of3A_96 = tpu.assume_multiple %add3A_95, 128 : i32
        %dma_wait3A = arith.constant 32 : i32
        %dma_wait3A_97 = arith.constant 0 : i32
        %dma_wait3A_98 = tpu.memref_slice %arg9[%dma_wait3A, %dma_wait3A_97] : memref<128x128xf32, #tpu.memory_space<vmem>> -> memref<16x128xf32, #tpu.memory_space<vmem>>
        %dma_wait3A_99 = arith.constant 0 : i32
        %dma_wait3A_100 = tpu.memref_slice %arg3[%dma_wait3A_99, %multiple_of3A_96] : memref<16x100000xf32, #tpu.memory_space<hbm>> -> memref<16x128xf32, #tpu.memory_space<hbm>>
        %dma_wait3A_101 = arith.constant 32 : i32
        %dma_wait3A_102 = arith.constant 0 : i32
        %dma_wait3A_103 = tpu.memref_slice %arg9[%dma_wait3A_101, %dma_wait3A_102] : memref<128x128xf32, #tpu.memory_space<vmem>> -> memref<16x128xf32, #tpu.memory_space<vmem>>
        %dma_wait3A_104 = arith.constant 0 : i32
        %dma_wait3A_105 = tpu.memref_slice %arg3[%dma_wait3A_104, %multiple_of3A_96] : memref<16x100000xf32, #tpu.memory_space<hbm>> -> memref<16x128xf32, #tpu.memory_space<hbm>>
        tpu.wait_dma2 semaphore(%arg12 : memref<!tpu.dma_semaphore, #tpu.memory_space<semaphore_mem>>) src(%dma_wait3A_105 : memref<16x128xf32, #tpu.memory_space<hbm>>) dst(%dma_wait3A_103 : memref<16x128xf32, #tpu.memory_space<vmem>>)
        %dma_wait3A_106 = arith.constant 48 : i32
        %dma_wait3A_107 = arith.constant 0 : i32
        %dma_wait3A_108 = tpu.memref_slice %arg9[%dma_wait3A_106, %dma_wait3A_107] : memref<128x128xf32, #tpu.memory_space<vmem>> -> memref<80x128xf32, #tpu.memory_space<vmem>>
        %dma_wait3A_109 = arith.constant 0 : i32
        %dma_wait3A_110 = tpu.memref_slice %arg4[%dma_wait3A_109, %multiple_of3A_96] : memref<80x100000xf32, #tpu.memory_space<hbm>> -> memref<80x128xf32, #tpu.memory_space<hbm>>
        %dma_wait3A_111 = arith.constant 48 : i32
        %dma_wait3A_112 = arith.constant 0 : i32
        %dma_wait3A_113 = tpu.memref_slice %arg9[%dma_wait3A_111, %dma_wait3A_112] : memref<128x128xf32, #tpu.memory_space<vmem>> -> memref<80x128xf32, #tpu.memory_space<vmem>>
        %dma_wait3A_114 = arith.constant 0 : i32
        %dma_wait3A_115 = tpu.memref_slice %arg4[%dma_wait3A_114, %multiple_of3A_96] : memref<80x100000xf32, #tpu.memory_space<hbm>> -> memref<80x128xf32, #tpu.memory_space<hbm>>
        tpu.wait_dma2 semaphore(%arg15 : memref<!tpu.dma_semaphore, #tpu.memory_space<semaphore_mem>>) src(%dma_wait3A_115 : memref<80x128xf32, #tpu.memory_space<hbm>>) dst(%dma_wait3A_113 : memref<80x128xf32, #tpu.memory_space<vmem>>)
        %mul3A_116 = arith.constant 128 : i32
        %mul3A_117 = arith.muli %add3A_68, %mul3A_116 : i32
        %add3A_118 = arith.addi %multiple_of3A, %mul3A_117 : i32
        %multiple_of3A_119 = tpu.assume_multiple %add3A_118, 128 : i32
        %dma_start3A_120 = arith.constant 0 : i32
        %dma_start3A_121 = tpu.memref_slice %arg6[%dma_start3A_120, %multiple_of3A_119] : memref<128x100000xf32, #tpu.memory_space<hbm>> -> memref<128x128xf32, #tpu.memory_space<hbm>>
        %dma_start3A_122 = arith.constant 0 : i32
        %dma_start3A_123 = tpu.memref_slice %arg6[%dma_start3A_122, %multiple_of3A_119] : memref<128x100000xf32, #tpu.memory_space<hbm>> -> memref<128x128xf32, #tpu.memory_space<hbm>>
        tpu.enqueue_dma source(%arg9 : memref<128x128xf32, #tpu.memory_space<vmem>>) target(%dma_start3A_123 : memref<128x128xf32, #tpu.memory_space<hbm>>) target_semaphore(%arg18 : memref<!tpu.dma_semaphore, #tpu.memory_space<semaphore_mem>>)
        %ge3A = arith.constant 1 : i32
        %ge3A_124 = arith.cmpi sge, %add3A_68, %ge3A : i32
        %convert_element_type3A_125 = arith.extui %ge3A_124 : i1 to i32
        %cond3A_126 = arith.constant 0 : i32
        %cond3A_127 = arith.cmpi ne, %convert_element_type3A_125, %cond3A_126 : i32
        scf.if %cond3A_127 {
          %sub3A = arith.constant 1 : i32
          %sub3A_134 = arith.subi %add3A_68, %sub3A : i32
          %mul3A_135 = arith.constant 128 : i32
          %mul3A_136 = arith.muli %sub3A_134, %mul3A_135 : i32
          %add3A_137 = arith.addi %multiple_of3A, %mul3A_136 : i32
          %multiple_of3A_138 = tpu.assume_multiple %add3A_137, 128 : i32
          %dma_wait3A_139 = arith.constant 0 : i32
          %dma_wait3A_140 = tpu.memref_slice %arg6[%dma_wait3A_139, %multiple_of3A_138] : memref<128x100000xf32, #tpu.memory_space<hbm>> -> memref<128x128xf32, #tpu.memory_space<hbm>>
          %dma_wait3A_141 = arith.constant 0 : i32
          %dma_wait3A_142 = tpu.memref_slice %arg6[%dma_wait3A_141, %multiple_of3A_138] : memref<128x100000xf32, #tpu.memory_space<hbm>> -> memref<128x128xf32, #tpu.memory_space<hbm>>
          tpu.wait_dma2 semaphore(%arg20 : memref<!tpu.dma_semaphore, #tpu.memory_space<semaphore_mem>>) src(%arg11 : memref<128x128xf32, #tpu.memory_space<vmem>>) dst(%dma_wait3A_142 : memref<128x128xf32, #tpu.memory_space<hbm>>)
        } else {
        }
        %add3A_128 = arith.constant 2 : i32
        %add3A_129 = arith.addi %add3A_68, %add3A_128 : i32
        %lt3A_130 = arith.cmpi slt, %add3A_129, %select_n3A : i32
        %convert_element_type3A_131 = arith.extui %lt3A_130 : i1 to i32
        %cond3A_132 = arith.constant 0 : i32
        %cond3A_133 = arith.cmpi ne, %convert_element_type3A_131, %cond3A_132 : i32
        scf.if %cond3A_133 {
          %add3A_134 = arith.constant 2 : i32
          %add3A_135 = arith.addi %add3A_68, %add3A_134 : i32
          %mul3A_136 = arith.constant 128 : i32
          %mul3A_137 = arith.muli %add3A_135, %mul3A_136 : i32
          %add3A_138 = arith.addi %multiple_of3A, %mul3A_137 : i32
          %multiple_of3A_139 = tpu.assume_multiple %add3A_138, 128 : i32
          %dma_start3A_140 = arith.constant 32 : i32
          %dma_start3A_141 = arith.constant 0 : i32
          %dma_start3A_142 = tpu.memref_slice %arg11[%dma_start3A_140, %dma_start3A_141] : memref<128x128xf32, #tpu.memory_space<vmem>> -> memref<16x128xf32, #tpu.memory_space<vmem>>
          %dma_start3A_143 = arith.constant 0 : i32
          %dma_start3A_144 = tpu.memref_slice %arg3[%dma_start3A_143, %multiple_of3A_139] : memref<16x100000xf32, #tpu.memory_space<hbm>> -> memref<16x128xf32, #tpu.memory_space<hbm>>
          %dma_start3A_145 = arith.constant 32 : i32
          %dma_start3A_146 = arith.constant 0 : i32
          %dma_start3A_147 = tpu.memref_slice %arg11[%dma_start3A_145, %dma_start3A_146] : memref<128x128xf32, #tpu.memory_space<vmem>> -> memref<16x128xf32, #tpu.memory_space<vmem>>
          %dma_start3A_148 = arith.constant 0 : i32
          %dma_start3A_149 = tpu.memref_slice %arg3[%dma_start3A_148, %multiple_of3A_139] : memref<16x100000xf32, #tpu.memory_space<hbm>> -> memref<16x128xf32, #tpu.memory_space<hbm>>
          tpu.enqueue_dma source(%dma_start3A_149 : memref<16x128xf32, #tpu.memory_space<hbm>>) target(%dma_start3A_147 : memref<16x128xf32, #tpu.memory_space<vmem>>) target_semaphore(%arg14 : memref<!tpu.dma_semaphore, #tpu.memory_space<semaphore_mem>>)
          %dma_start3A_150 = arith.constant 48 : i32
          %dma_start3A_151 = arith.constant 0 : i32
          %dma_start3A_152 = tpu.memref_slice %arg11[%dma_start3A_150, %dma_start3A_151] : memref<128x128xf32, #tpu.memory_space<vmem>> -> memref<80x128xf32, #tpu.memory_space<vmem>>
          %dma_start3A_153 = arith.constant 0 : i32
          %dma_start3A_154 = tpu.memref_slice %arg4[%dma_start3A_153, %multiple_of3A_139] : memref<80x100000xf32, #tpu.memory_space<hbm>> -> memref<80x128xf32, #tpu.memory_space<hbm>>
          %dma_start3A_155 = arith.constant 48 : i32
          %dma_start3A_156 = arith.constant 0 : i32
          %dma_start3A_157 = tpu.memref_slice %arg11[%dma_start3A_155, %dma_start3A_156] : memref<128x128xf32, #tpu.memory_space<vmem>> -> memref<80x128xf32, #tpu.memory_space<vmem>>
          %dma_start3A_158 = arith.constant 0 : i32
          %dma_start3A_159 = tpu.memref_slice %arg4[%dma_start3A_158, %multiple_of3A_139] : memref<80x100000xf32, #tpu.memory_space<hbm>> -> memref<80x128xf32, #tpu.memory_space<hbm>>
          tpu.enqueue_dma source(%dma_start3A_159 : memref<80x128xf32, #tpu.memory_space<hbm>>) target(%dma_start3A_157 : memref<80x128xf32, #tpu.memory_space<vmem>>) target_semaphore(%arg17 : memref<!tpu.dma_semaphore, #tpu.memory_space<semaphore_mem>>)
        } else {
        }
      } else {
      }
      %mul3A_72 = arith.constant 3 : i32
      %mul3A_73 = arith.muli %scan3A_64, %mul3A_72 : i32
      %add3A_74 = arith.constant 1 : i32
      %add3A_75 = arith.addi %mul3A_73, %add3A_74 : i32
      %lt3A_76 = arith.cmpi slt, %add3A_75, %select_n3A : i32
      %convert_element_type3A_77 = arith.extui %lt3A_76 : i1 to i32
      %cond3A_78 = arith.constant 0 : i32
      %cond3A_79 = arith.cmpi ne, %convert_element_type3A_77, %cond3A_78 : i32
      scf.if %cond3A_79 {
        %scan3A_88 = arith.constant 0 : i32
        %scan3A_89 = arith.constant 8 : i32
        %scan3A_90 = arith.addi %scan3A_88, %scan3A_89 : i32
        %scan3A_91 = arith.constant 1 : i32
        scf.for %scan3A_134 = %scan3A_88 to %scan3A_90 step %scan3A_91  : i32 {
          %mul3A_135 = arith.constant 16 : i32
          %mul3A_136 = arith.muli %scan3A_134, %mul3A_135 : i32
          %mul3A_137 = arith.constant 128 : i32
          %mul3A_138 = arith.muli %add3A_75, %mul3A_137 : i32
          %add3A_139 = arith.addi %mul3A_138, %mul3A_136 : i32
          %get3A = arith.index_cast %add3A_139 : i32 to index
          %get3A_140 = tpu.vector_load %arg7[%get3A] {strides = array<i32>} : memref<3200xi32, #tpu.memory_space<vmem>>, vector<16xi32>,
          %broadcast_in_dim3A = arith.constant 0 : i32
          %broadcast_in_dim3A_141 = vector.broadcast %broadcast_in_dim3A : i32 to vector<16xi32>
          %gather3A = tpu.vector_load_idx %arg8[%broadcast_in_dim3A_141, %get3A_140] : memref<32x256xf32, #tpu.memory_space<vmem>>[vector<16xi32>, vector<16xi32>], vector<16xf32>,
          %swap3A = arith.constant 0 : i32
          %swap3A_142 = arith.index_cast %swap3A : i32 to index
          %swap3A_143 = arith.index_cast %mul3A_136 : i32 to index
          %swap3A_144 = tpu.vector_load %arg10[%swap3A_142, %swap3A_143] {strides = array<i32>} : memref<128x128xf32, #tpu.memory_space<vmem>>, vector<16xf32>,
          tpu.vector_store %arg10[%swap3A_142, %swap3A_143], %gather3A {strides = array<i32>} : memref<128x128xf32, #tpu.memory_space<vmem>>, vector<16xf32>,
          %broadcast_in_dim3A_145 = arith.constant 1 : i32
          %broadcast_in_dim3A_146 = vector.broadcast %broadcast_in_dim3A_145 : i32 to vector<16xi32>
          %gather3A_147 = tpu.vector_load_idx %arg8[%broadcast_in_dim3A_146, %get3A_140] : memref<32x256xf32, #tpu.memory_space<vmem>>[vector<16xi32>, vector<16xi32>], vector<16xf32>,
          %swap3A_148 = arith.constant 1 : i32
          %swap3A_149 = arith.index_cast %swap3A_148 : i32 to index
          %swap3A_150 = arith.index_cast %mul3A_136 : i32 to index
          %swap3A_151 = tpu.vector_load %arg10[%swap3A_149, %swap3A_150] {strides = array<i32>} : memref<128x128xf32, #tpu.memory_space<vmem>>, vector<16xf32>,
          tpu.vector_store %arg10[%swap3A_149, %swap3A_150], %gather3A_147 {strides = array<i32>} : memref<128x128xf32, #tpu.memory_space<vmem>>, vector<16xf32>,
          %broadcast_in_dim3A_152 = arith.constant 2 : i32
          %broadcast_in_dim3A_153 = vector.broadcast %broadcast_in_dim3A_152 : i32 to vector<16xi32>
          %gather3A_154 = tpu.vector_load_idx %arg8[%broadcast_in_dim3A_153, %get3A_140] : memref<32x256xf32, #tpu.memory_space<vmem>>[vector<16xi32>, vector<16xi32>], vector<16xf32>,
          %swap3A_155 = arith.constant 2 : i32
          %swap3A_156 = arith.index_cast %swap3A_155 : i32 to index
          %swap3A_157 = arith.index_cast %mul3A_136 : i32 to index
          %swap3A_158 = tpu.vector_load %arg10[%swap3A_156, %swap3A_157] {strides = array<i32>} : memref<128x128xf32, #tpu.memory_space<vmem>>, vector<16xf32>,
          tpu.vector_store %arg10[%swap3A_156, %swap3A_157], %gather3A_154 {strides = array<i32>} : memref<128x128xf32, #tpu.memory_space<vmem>>, vector<16xf32>,
          %broadcast_in_dim3A_159 = arith.constant 3 : i32
          %broadcast_in_dim3A_160 = vector.broadcast %broadcast_in_dim3A_159 : i32 to vector<16xi32>
          %gather3A_161 = tpu.vector_load_idx %arg8[%broadcast_in_dim3A_160, %get3A_140] : memref<32x256xf32, #tpu.memory_space<vmem>>[vector<16xi32>, vector<16xi32>], vector<16xf32>,
          %swap3A_162 = arith.constant 3 : i32
          %swap3A_163 = arith.index_cast %swap3A_162 : i32 to index
          %swap3A_164 = arith.index_cast %mul3A_136 : i32 to index
          %swap3A_165 = tpu.vector_load %arg10[%swap3A_163, %swap3A_164] {strides = array<i32>} : memref<128x128xf32, #tpu.memory_space<vmem>>, vector<16xf32>,
          tpu.vector_store %arg10[%swap3A_163, %swap3A_164], %gather3A_161 {strides = array<i32>} : memref<128x128xf32, #tpu.memory_space<vmem>>, vector<16xf32>,
          %broadcast_in_dim3A_166 = arith.constant 4 : i32
          %broadcast_in_dim3A_167 = vector.broadcast %broadcast_in_dim3A_166 : i32 to vector<16xi32>
          %gather3A_168 = tpu.vector_load_idx %arg8[%broadcast_in_dim3A_167, %get3A_140] : memref<32x256xf32, #tpu.memory_space<vmem>>[vector<16xi32>, vector<16xi32>], vector<16xf32>,
          %swap3A_169 = arith.constant 4 : i32
          %swap3A_170 = arith.index_cast %swap3A_169 : i32 to index
          %swap3A_171 = arith.index_cast %mul3A_136 : i32 to index
          %swap3A_172 = tpu.vector_load %arg10[%swap3A_170, %swap3A_171] {strides = array<i32>} : memref<128x128xf32, #tpu.memory_space<vmem>>, vector<16xf32>,
          tpu.vector_store %arg10[%swap3A_170, %swap3A_171], %gather3A_168 {strides = array<i32>} : memref<128x128xf32, #tpu.memory_space<vmem>>, vector<16xf32>,
          %broadcast_in_dim3A_173 = arith.constant 5 : i32
          %broadcast_in_dim3A_174 = vector.broadcast %broadcast_in_dim3A_173 : i32 to vector<16xi32>
          %gather3A_175 = tpu.vector_load_idx %arg8[%broadcast_in_dim3A_174, %get3A_140] : memref<32x256xf32, #tpu.memory_space<vmem>>[vector<16xi32>, vector<16xi32>], vector<16xf32>,
          %swap3A_176 = arith.constant 5 : i32
          %swap3A_177 = arith.index_cast %swap3A_176 : i32 to index
          %swap3A_178 = arith.index_cast %mul3A_136 : i32 to index
          %swap3A_179 = tpu.vector_load %arg10[%swap3A_177, %swap3A_178] {strides = array<i32>} : memref<128x128xf32, #tpu.memory_space<vmem>>, vector<16xf32>,
          tpu.vector_store %arg10[%swap3A_177, %swap3A_178], %gather3A_175 {strides = array<i32>} : memref<128x128xf32, #tpu.memory_space<vmem>>, vector<16xf32>,
          %broadcast_in_dim3A_180 = arith.constant 6 : i32
          %broadcast_in_dim3A_181 = vector.broadcast %broadcast_in_dim3A_180 : i32 to vector<16xi32>
          %gather3A_182 = tpu.vector_load_idx %arg8[%broadcast_in_dim3A_181, %get3A_140] : memref<32x256xf32, #tpu.memory_space<vmem>>[vector<16xi32>, vector<16xi32>], vector<16xf32>,
          %swap3A_183 = arith.constant 6 : i32
          %swap3A_184 = arith.index_cast %swap3A_183 : i32 to index
          %swap3A_185 = arith.index_cast %mul3A_136 : i32 to index
          %swap3A_186 = tpu.vector_load %arg10[%swap3A_184, %swap3A_185] {strides = array<i32>} : memref<128x128xf32, #tpu.memory_space<vmem>>, vector<16xf32>,
          tpu.vector_store %arg10[%swap3A_184, %swap3A_185], %gather3A_182 {strides = array<i32>} : memref<128x128xf32, #tpu.memory_space<vmem>>, vector<16xf32>,
          %broadcast_in_dim3A_187 = arith.constant 7 : i32
          %broadcast_in_dim3A_188 = vector.broadcast %broadcast_in_dim3A_187 : i32 to vector<16xi32>
          %gather3A_189 = tpu.vector_load_idx %arg8[%broadcast_in_dim3A_188, %get3A_140] : memref<32x256xf32, #tpu.memory_space<vmem>>[vector<16xi32>, vector<16xi32>], vector<16xf32>,
          %swap3A_190 = arith.constant 7 : i32
          %swap3A_191 = arith.index_cast %swap3A_190 : i32 to index
          %swap3A_192 = arith.index_cast %mul3A_136 : i32 to index
          %swap3A_193 = tpu.vector_load %arg10[%swap3A_191, %swap3A_192] {strides = array<i32>} : memref<128x128xf32, #tpu.memory_space<vmem>>, vector<16xf32>,
          tpu.vector_store %arg10[%swap3A_191, %swap3A_192], %gather3A_189 {strides = array<i32>} : memref<128x128xf32, #tpu.memory_space<vmem>>, vector<16xf32>,
          %broadcast_in_dim3A_194 = arith.constant 8 : i32
          %broadcast_in_dim3A_195 = vector.broadcast %broadcast_in_dim3A_194 : i32 to vector<16xi32>
          %gather3A_196 = tpu.vector_load_idx %arg8[%broadcast_in_dim3A_195, %get3A_140] : memref<32x256xf32, #tpu.memory_space<vmem>>[vector<16xi32>, vector<16xi32>], vector<16xf32>,
          %swap3A_197 = arith.constant 8 : i32
          %swap3A_198 = arith.index_cast %swap3A_197 : i32 to index
          %swap3A_199 = arith.index_cast %mul3A_136 : i32 to index
          %swap3A_200 = tpu.vector_load %arg10[%swap3A_198, %swap3A_199] {strides = array<i32>} : memref<128x128xf32, #tpu.memory_space<vmem>>, vector<16xf32>,
          tpu.vector_store %arg10[%swap3A_198, %swap3A_199], %gather3A_196 {strides = array<i32>} : memref<128x128xf32, #tpu.memory_space<vmem>>, vector<16xf32>,
          %broadcast_in_dim3A_201 = arith.constant 9 : i32
          %broadcast_in_dim3A_202 = vector.broadcast %broadcast_in_dim3A_201 : i32 to vector<16xi32>
          %gather3A_203 = tpu.vector_load_idx %arg8[%broadcast_in_dim3A_202, %get3A_140] : memref<32x256xf32, #tpu.memory_space<vmem>>[vector<16xi32>, vector<16xi32>], vector<16xf32>,
          %swap3A_204 = arith.constant 9 : i32
          %swap3A_205 = arith.index_cast %swap3A_204 : i32 to index
          %swap3A_206 = arith.index_cast %mul3A_136 : i32 to index
          %swap3A_207 = tpu.vector_load %arg10[%swap3A_205, %swap3A_206] {strides = array<i32>} : memref<128x128xf32, #tpu.memory_space<vmem>>, vector<16xf32>,
          tpu.vector_store %arg10[%swap3A_205, %swap3A_206], %gather3A_203 {strides = array<i32>} : memref<128x128xf32, #tpu.memory_space<vmem>>, vector<16xf32>,
          %broadcast_in_dim3A_208 = arith.constant 10 : i32
          %broadcast_in_dim3A_209 = vector.broadcast %broadcast_in_dim3A_208 : i32 to vector<16xi32>
          %gather3A_210 = tpu.vector_load_idx %arg8[%broadcast_in_dim3A_209, %get3A_140] : memref<32x256xf32, #tpu.memory_space<vmem>>[vector<16xi32>, vector<16xi32>], vector<16xf32>,
          %swap3A_211 = arith.constant 10 : i32
          %swap3A_212 = arith.index_cast %swap3A_211 : i32 to index
          %swap3A_213 = arith.index_cast %mul3A_136 : i32 to index
          %swap3A_214 = tpu.vector_load %arg10[%swap3A_212, %swap3A_213] {strides = array<i32>} : memref<128x128xf32, #tpu.memory_space<vmem>>, vector<16xf32>,
          tpu.vector_store %arg10[%swap3A_212, %swap3A_213], %gather3A_210 {strides = array<i32>} : memref<128x128xf32, #tpu.memory_space<vmem>>, vector<16xf32>,
          %broadcast_in_dim3A_215 = arith.constant 11 : i32
          %broadcast_in_dim3A_216 = vector.broadcast %broadcast_in_dim3A_215 : i32 to vector<16xi32>
          %gather3A_217 = tpu.vector_load_idx %arg8[%broadcast_in_dim3A_216, %get3A_140] : memref<32x256xf32, #tpu.memory_space<vmem>>[vector<16xi32>, vector<16xi32>], vector<16xf32>,
          %swap3A_218 = arith.constant 11 : i32
          %swap3A_219 = arith.index_cast %swap3A_218 : i32 to index
          %swap3A_220 = arith.index_cast %mul3A_136 : i32 to index
          %swap3A_221 = tpu.vector_load %arg10[%swap3A_219, %swap3A_220] {strides = array<i32>} : memref<128x128xf32, #tpu.memory_space<vmem>>, vector<16xf32>,
          tpu.vector_store %arg10[%swap3A_219, %swap3A_220], %gather3A_217 {strides = array<i32>} : memref<128x128xf32, #tpu.memory_space<vmem>>, vector<16xf32>,
          %broadcast_in_dim3A_222 = arith.constant 12 : i32
          %broadcast_in_dim3A_223 = vector.broadcast %broadcast_in_dim3A_222 : i32 to vector<16xi32>
          %gather3A_224 = tpu.vector_load_idx %arg8[%broadcast_in_dim3A_223, %get3A_140] : memref<32x256xf32, #tpu.memory_space<vmem>>[vector<16xi32>, vector<16xi32>], vector<16xf32>,
          %swap3A_225 = arith.constant 12 : i32
          %swap3A_226 = arith.index_cast %swap3A_225 : i32 to index
          %swap3A_227 = arith.index_cast %mul3A_136 : i32 to index
          %swap3A_228 = tpu.vector_load %arg10[%swap3A_226, %swap3A_227] {strides = array<i32>} : memref<128x128xf32, #tpu.memory_space<vmem>>, vector<16xf32>,
          tpu.vector_store %arg10[%swap3A_226, %swap3A_227], %gather3A_224 {strides = array<i32>} : memref<128x128xf32, #tpu.memory_space<vmem>>, vector<16xf32>,
          %broadcast_in_dim3A_229 = arith.constant 13 : i32
          %broadcast_in_dim3A_230 = vector.broadcast %broadcast_in_dim3A_229 : i32 to vector<16xi32>
          %gather3A_231 = tpu.vector_load_idx %arg8[%broadcast_in_dim3A_230, %get3A_140] : memref<32x256xf32, #tpu.memory_space<vmem>>[vector<16xi32>, vector<16xi32>], vector<16xf32>,
          %swap3A_232 = arith.constant 13 : i32
          %swap3A_233 = arith.index_cast %swap3A_232 : i32 to index
          %swap3A_234 = arith.index_cast %mul3A_136 : i32 to index
          %swap3A_235 = tpu.vector_load %arg10[%swap3A_233, %swap3A_234] {strides = array<i32>} : memref<128x128xf32, #tpu.memory_space<vmem>>, vector<16xf32>,
          tpu.vector_store %arg10[%swap3A_233, %swap3A_234], %gather3A_231 {strides = array<i32>} : memref<128x128xf32, #tpu.memory_space<vmem>>, vector<16xf32>,
          %broadcast_in_dim3A_236 = arith.constant 14 : i32
          %broadcast_in_dim3A_237 = vector.broadcast %broadcast_in_dim3A_236 : i32 to vector<16xi32>
          %gather3A_238 = tpu.vector_load_idx %arg8[%broadcast_in_dim3A_237, %get3A_140] : memref<32x256xf32, #tpu.memory_space<vmem>>[vector<16xi32>, vector<16xi32>], vector<16xf32>,
          %swap3A_239 = arith.constant 14 : i32
          %swap3A_240 = arith.index_cast %swap3A_239 : i32 to index
          %swap3A_241 = arith.index_cast %mul3A_136 : i32 to index
          %swap3A_242 = tpu.vector_load %arg10[%swap3A_240, %swap3A_241] {strides = array<i32>} : memref<128x128xf32, #tpu.memory_space<vmem>>, vector<16xf32>,
          tpu.vector_store %arg10[%swap3A_240, %swap3A_241], %gather3A_238 {strides = array<i32>} : memref<128x128xf32, #tpu.memory_space<vmem>>, vector<16xf32>,
          %broadcast_in_dim3A_243 = arith.constant 15 : i32
          %broadcast_in_dim3A_244 = vector.broadcast %broadcast_in_dim3A_243 : i32 to vector<16xi32>
          %gather3A_245 = tpu.vector_load_idx %arg8[%broadcast_in_dim3A_244, %get3A_140] : memref<32x256xf32, #tpu.memory_space<vmem>>[vector<16xi32>, vector<16xi32>], vector<16xf32>,
          %swap3A_246 = arith.constant 15 : i32
          %swap3A_247 = arith.index_cast %swap3A_246 : i32 to index
          %swap3A_248 = arith.index_cast %mul3A_136 : i32 to index
          %swap3A_249 = tpu.vector_load %arg10[%swap3A_247, %swap3A_248] {strides = array<i32>} : memref<128x128xf32, #tpu.memory_space<vmem>>, vector<16xf32>,
          tpu.vector_store %arg10[%swap3A_247, %swap3A_248], %gather3A_245 {strides = array<i32>} : memref<128x128xf32, #tpu.memory_space<vmem>>, vector<16xf32>,
          %broadcast_in_dim3A_250 = arith.constant 16 : i32
          %broadcast_in_dim3A_251 = vector.broadcast %broadcast_in_dim3A_250 : i32 to vector<16xi32>
          %gather3A_252 = tpu.vector_load_idx %arg8[%broadcast_in_dim3A_251, %get3A_140] : memref<32x256xf32, #tpu.memory_space<vmem>>[vector<16xi32>, vector<16xi32>], vector<16xf32>,
          %swap3A_253 = arith.constant 16 : i32
          %swap3A_254 = arith.index_cast %swap3A_253 : i32 to index
          %swap3A_255 = arith.index_cast %mul3A_136 : i32 to index
          %swap3A_256 = tpu.vector_load %arg10[%swap3A_254, %swap3A_255] {strides = array<i32>} : memref<128x128xf32, #tpu.memory_space<vmem>>, vector<16xf32>,
          tpu.vector_store %arg10[%swap3A_254, %swap3A_255], %gather3A_252 {strides = array<i32>} : memref<128x128xf32, #tpu.memory_space<vmem>>, vector<16xf32>,
          %broadcast_in_dim3A_257 = arith.constant 17 : i32
          %broadcast_in_dim3A_258 = vector.broadcast %broadcast_in_dim3A_257 : i32 to vector<16xi32>
          %gather3A_259 = tpu.vector_load_idx %arg8[%broadcast_in_dim3A_258, %get3A_140] : memref<32x256xf32, #tpu.memory_space<vmem>>[vector<16xi32>, vector<16xi32>], vector<16xf32>,
          %swap3A_260 = arith.constant 17 : i32
          %swap3A_261 = arith.index_cast %swap3A_260 : i32 to index
          %swap3A_262 = arith.index_cast %mul3A_136 : i32 to index
          %swap3A_263 = tpu.vector_load %arg10[%swap3A_261, %swap3A_262] {strides = array<i32>} : memref<128x128xf32, #tpu.memory_space<vmem>>, vector<16xf32>,
          tpu.vector_store %arg10[%swap3A_261, %swap3A_262], %gather3A_259 {strides = array<i32>} : memref<128x128xf32, #tpu.memory_space<vmem>>, vector<16xf32>,
          %broadcast_in_dim3A_264 = arith.constant 18 : i32
          %broadcast_in_dim3A_265 = vector.broadcast %broadcast_in_dim3A_264 : i32 to vector<16xi32>
          %gather3A_266 = tpu.vector_load_idx %arg8[%broadcast_in_dim3A_265, %get3A_140] : memref<32x256xf32, #tpu.memory_space<vmem>>[vector<16xi32>, vector<16xi32>], vector<16xf32>,
          %swap3A_267 = arith.constant 18 : i32
          %swap3A_268 = arith.index_cast %swap3A_267 : i32 to index
          %swap3A_269 = arith.index_cast %mul3A_136 : i32 to index
          %swap3A_270 = tpu.vector_load %arg10[%swap3A_268, %swap3A_269] {strides = array<i32>} : memref<128x128xf32, #tpu.memory_space<vmem>>, vector<16xf32>,
          tpu.vector_store %arg10[%swap3A_268, %swap3A_269], %gather3A_266 {strides = array<i32>} : memref<128x128xf32, #tpu.memory_space<vmem>>, vector<16xf32>,
          %broadcast_in_dim3A_271 = arith.constant 19 : i32
          %broadcast_in_dim3A_272 = vector.broadcast %broadcast_in_dim3A_271 : i32 to vector<16xi32>
          %gather3A_273 = tpu.vector_load_idx %arg8[%broadcast_in_dim3A_272, %get3A_140] : memref<32x256xf32, #tpu.memory_space<vmem>>[vector<16xi32>, vector<16xi32>], vector<16xf32>,
          %swap3A_274 = arith.constant 19 : i32
          %swap3A_275 = arith.index_cast %swap3A_274 : i32 to index
          %swap3A_276 = arith.index_cast %mul3A_136 : i32 to index
          %swap3A_277 = tpu.vector_load %arg10[%swap3A_275, %swap3A_276] {strides = array<i32>} : memref<128x128xf32, #tpu.memory_space<vmem>>, vector<16xf32>,
          tpu.vector_store %arg10[%swap3A_275, %swap3A_276], %gather3A_273 {strides = array<i32>} : memref<128x128xf32, #tpu.memory_space<vmem>>, vector<16xf32>,
          %broadcast_in_dim3A_278 = arith.constant 20 : i32
          %broadcast_in_dim3A_279 = vector.broadcast %broadcast_in_dim3A_278 : i32 to vector<16xi32>
          %gather3A_280 = tpu.vector_load_idx %arg8[%broadcast_in_dim3A_279, %get3A_140] : memref<32x256xf32, #tpu.memory_space<vmem>>[vector<16xi32>, vector<16xi32>], vector<16xf32>,
          %swap3A_281 = arith.constant 20 : i32
          %swap3A_282 = arith.index_cast %swap3A_281 : i32 to index
          %swap3A_283 = arith.index_cast %mul3A_136 : i32 to index
          %swap3A_284 = tpu.vector_load %arg10[%swap3A_282, %swap3A_283] {strides = array<i32>} : memref<128x128xf32, #tpu.memory_space<vmem>>, vector<16xf32>,
          tpu.vector_store %arg10[%swap3A_282, %swap3A_283], %gather3A_280 {strides = array<i32>} : memref<128x128xf32, #tpu.memory_space<vmem>>, vector<16xf32>,
          %broadcast_in_dim3A_285 = arith.constant 21 : i32
          %broadcast_in_dim3A_286 = vector.broadcast %broadcast_in_dim3A_285 : i32 to vector<16xi32>
          %gather3A_287 = tpu.vector_load_idx %arg8[%broadcast_in_dim3A_286, %get3A_140] : memref<32x256xf32, #tpu.memory_space<vmem>>[vector<16xi32>, vector<16xi32>], vector<16xf32>,
          %swap3A_288 = arith.constant 21 : i32
          %swap3A_289 = arith.index_cast %swap3A_288 : i32 to index
          %swap3A_290 = arith.index_cast %mul3A_136 : i32 to index
          %swap3A_291 = tpu.vector_load %arg10[%swap3A_289, %swap3A_290] {strides = array<i32>} : memref<128x128xf32, #tpu.memory_space<vmem>>, vector<16xf32>,
          tpu.vector_store %arg10[%swap3A_289, %swap3A_290], %gather3A_287 {strides = array<i32>} : memref<128x128xf32, #tpu.memory_space<vmem>>, vector<16xf32>,
          %broadcast_in_dim3A_292 = arith.constant 22 : i32
          %broadcast_in_dim3A_293 = vector.broadcast %broadcast_in_dim3A_292 : i32 to vector<16xi32>
          %gather3A_294 = tpu.vector_load_idx %arg8[%broadcast_in_dim3A_293, %get3A_140] : memref<32x256xf32, #tpu.memory_space<vmem>>[vector<16xi32>, vector<16xi32>], vector<16xf32>,
          %swap3A_295 = arith.constant 22 : i32
          %swap3A_296 = arith.index_cast %swap3A_295 : i32 to index
          %swap3A_297 = arith.index_cast %mul3A_136 : i32 to index
          %swap3A_298 = tpu.vector_load %arg10[%swap3A_296, %swap3A_297] {strides = array<i32>} : memref<128x128xf32, #tpu.memory_space<vmem>>, vector<16xf32>,
          tpu.vector_store %arg10[%swap3A_296, %swap3A_297], %gather3A_294 {strides = array<i32>} : memref<128x128xf32, #tpu.memory_space<vmem>>, vector<16xf32>,
          %broadcast_in_dim3A_299 = arith.constant 23 : i32
          %broadcast_in_dim3A_300 = vector.broadcast %broadcast_in_dim3A_299 : i32 to vector<16xi32>
          %gather3A_301 = tpu.vector_load_idx %arg8[%broadcast_in_dim3A_300, %get3A_140] : memref<32x256xf32, #tpu.memory_space<vmem>>[vector<16xi32>, vector<16xi32>], vector<16xf32>,
          %swap3A_302 = arith.constant 23 : i32
          %swap3A_303 = arith.index_cast %swap3A_302 : i32 to index
          %swap3A_304 = arith.index_cast %mul3A_136 : i32 to index
          %swap3A_305 = tpu.vector_load %arg10[%swap3A_303, %swap3A_304] {strides = array<i32>} : memref<128x128xf32, #tpu.memory_space<vmem>>, vector<16xf32>,
          tpu.vector_store %arg10[%swap3A_303, %swap3A_304], %gather3A_301 {strides = array<i32>} : memref<128x128xf32, #tpu.memory_space<vmem>>, vector<16xf32>,
          %broadcast_in_dim3A_306 = arith.constant 24 : i32
          %broadcast_in_dim3A_307 = vector.broadcast %broadcast_in_dim3A_306 : i32 to vector<16xi32>
          %gather3A_308 = tpu.vector_load_idx %arg8[%broadcast_in_dim3A_307, %get3A_140] : memref<32x256xf32, #tpu.memory_space<vmem>>[vector<16xi32>, vector<16xi32>], vector<16xf32>,
          %swap3A_309 = arith.constant 24 : i32
          %swap3A_310 = arith.index_cast %swap3A_309 : i32 to index
          %swap3A_311 = arith.index_cast %mul3A_136 : i32 to index
          %swap3A_312 = tpu.vector_load %arg10[%swap3A_310, %swap3A_311] {strides = array<i32>} : memref<128x128xf32, #tpu.memory_space<vmem>>, vector<16xf32>,
          tpu.vector_store %arg10[%swap3A_310, %swap3A_311], %gather3A_308 {strides = array<i32>} : memref<128x128xf32, #tpu.memory_space<vmem>>, vector<16xf32>,
          %broadcast_in_dim3A_313 = arith.constant 25 : i32
          %broadcast_in_dim3A_314 = vector.broadcast %broadcast_in_dim3A_313 : i32 to vector<16xi32>
          %gather3A_315 = tpu.vector_load_idx %arg8[%broadcast_in_dim3A_314, %get3A_140] : memref<32x256xf32, #tpu.memory_space<vmem>>[vector<16xi32>, vector<16xi32>], vector<16xf32>,
          %swap3A_316 = arith.constant 25 : i32
          %swap3A_317 = arith.index_cast %swap3A_316 : i32 to index
          %swap3A_318 = arith.index_cast %mul3A_136 : i32 to index
          %swap3A_319 = tpu.vector_load %arg10[%swap3A_317, %swap3A_318] {strides = array<i32>} : memref<128x128xf32, #tpu.memory_space<vmem>>, vector<16xf32>,
          tpu.vector_store %arg10[%swap3A_317, %swap3A_318], %gather3A_315 {strides = array<i32>} : memref<128x128xf32, #tpu.memory_space<vmem>>, vector<16xf32>,
          %broadcast_in_dim3A_320 = arith.constant 26 : i32
          %broadcast_in_dim3A_321 = vector.broadcast %broadcast_in_dim3A_320 : i32 to vector<16xi32>
          %gather3A_322 = tpu.vector_load_idx %arg8[%broadcast_in_dim3A_321, %get3A_140] : memref<32x256xf32, #tpu.memory_space<vmem>>[vector<16xi32>, vector<16xi32>], vector<16xf32>,
          %swap3A_323 = arith.constant 26 : i32
          %swap3A_324 = arith.index_cast %swap3A_323 : i32 to index
          %swap3A_325 = arith.index_cast %mul3A_136 : i32 to index
          %swap3A_326 = tpu.vector_load %arg10[%swap3A_324, %swap3A_325] {strides = array<i32>} : memref<128x128xf32, #tpu.memory_space<vmem>>, vector<16xf32>,
          tpu.vector_store %arg10[%swap3A_324, %swap3A_325], %gather3A_322 {strides = array<i32>} : memref<128x128xf32, #tpu.memory_space<vmem>>, vector<16xf32>,
          %broadcast_in_dim3A_327 = arith.constant 27 : i32
          %broadcast_in_dim3A_328 = vector.broadcast %broadcast_in_dim3A_327 : i32 to vector<16xi32>
          %gather3A_329 = tpu.vector_load_idx %arg8[%broadcast_in_dim3A_328, %get3A_140] : memref<32x256xf32, #tpu.memory_space<vmem>>[vector<16xi32>, vector<16xi32>], vector<16xf32>,
          %swap3A_330 = arith.constant 27 : i32
          %swap3A_331 = arith.index_cast %swap3A_330 : i32 to index
          %swap3A_332 = arith.index_cast %mul3A_136 : i32 to index
          %swap3A_333 = tpu.vector_load %arg10[%swap3A_331, %swap3A_332] {strides = array<i32>} : memref<128x128xf32, #tpu.memory_space<vmem>>, vector<16xf32>,
          tpu.vector_store %arg10[%swap3A_331, %swap3A_332], %gather3A_329 {strides = array<i32>} : memref<128x128xf32, #tpu.memory_space<vmem>>, vector<16xf32>,
          %broadcast_in_dim3A_334 = arith.constant 28 : i32
          %broadcast_in_dim3A_335 = vector.broadcast %broadcast_in_dim3A_334 : i32 to vector<16xi32>
          %gather3A_336 = tpu.vector_load_idx %arg8[%broadcast_in_dim3A_335, %get3A_140] : memref<32x256xf32, #tpu.memory_space<vmem>>[vector<16xi32>, vector<16xi32>], vector<16xf32>,
          %swap3A_337 = arith.constant 28 : i32
          %swap3A_338 = arith.index_cast %swap3A_337 : i32 to index
          %swap3A_339 = arith.index_cast %mul3A_136 : i32 to index
          %swap3A_340 = tpu.vector_load %arg10[%swap3A_338, %swap3A_339] {strides = array<i32>} : memref<128x128xf32, #tpu.memory_space<vmem>>, vector<16xf32>,
          tpu.vector_store %arg10[%swap3A_338, %swap3A_339], %gather3A_336 {strides = array<i32>} : memref<128x128xf32, #tpu.memory_space<vmem>>, vector<16xf32>,
          %broadcast_in_dim3A_341 = arith.constant 29 : i32
          %broadcast_in_dim3A_342 = vector.broadcast %broadcast_in_dim3A_341 : i32 to vector<16xi32>
          %gather3A_343 = tpu.vector_load_idx %arg8[%broadcast_in_dim3A_342, %get3A_140] : memref<32x256xf32, #tpu.memory_space<vmem>>[vector<16xi32>, vector<16xi32>], vector<16xf32>,
          %swap3A_344 = arith.constant 29 : i32
          %swap3A_345 = arith.index_cast %swap3A_344 : i32 to index
          %swap3A_346 = arith.index_cast %mul3A_136 : i32 to index
          %swap3A_347 = tpu.vector_load %arg10[%swap3A_345, %swap3A_346] {strides = array<i32>} : memref<128x128xf32, #tpu.memory_space<vmem>>, vector<16xf32>,
          tpu.vector_store %arg10[%swap3A_345, %swap3A_346], %gather3A_343 {strides = array<i32>} : memref<128x128xf32, #tpu.memory_space<vmem>>, vector<16xf32>,
          %broadcast_in_dim3A_348 = arith.constant 30 : i32
          %broadcast_in_dim3A_349 = vector.broadcast %broadcast_in_dim3A_348 : i32 to vector<16xi32>
          %gather3A_350 = tpu.vector_load_idx %arg8[%broadcast_in_dim3A_349, %get3A_140] : memref<32x256xf32, #tpu.memory_space<vmem>>[vector<16xi32>, vector<16xi32>], vector<16xf32>,
          %swap3A_351 = arith.constant 30 : i32
          %swap3A_352 = arith.index_cast %swap3A_351 : i32 to index
          %swap3A_353 = arith.index_cast %mul3A_136 : i32 to index
          %swap3A_354 = tpu.vector_load %arg10[%swap3A_352, %swap3A_353] {strides = array<i32>} : memref<128x128xf32, #tpu.memory_space<vmem>>, vector<16xf32>,
          tpu.vector_store %arg10[%swap3A_352, %swap3A_353], %gather3A_350 {strides = array<i32>} : memref<128x128xf32, #tpu.memory_space<vmem>>, vector<16xf32>,
          %broadcast_in_dim3A_355 = arith.constant 31 : i32
          %broadcast_in_dim3A_356 = vector.broadcast %broadcast_in_dim3A_355 : i32 to vector<16xi32>
          %gather3A_357 = tpu.vector_load_idx %arg8[%broadcast_in_dim3A_356, %get3A_140] : memref<32x256xf32, #tpu.memory_space<vmem>>[vector<16xi32>, vector<16xi32>], vector<16xf32>,
          %swap3A_358 = arith.constant 31 : i32
          %swap3A_359 = arith.index_cast %swap3A_358 : i32 to index
          %swap3A_360 = arith.index_cast %mul3A_136 : i32 to index
          %swap3A_361 = tpu.vector_load %arg10[%swap3A_359, %swap3A_360] {strides = array<i32>} : memref<128x128xf32, #tpu.memory_space<vmem>>, vector<16xf32>,
          tpu.vector_store %arg10[%swap3A_359, %swap3A_360], %gather3A_357 {strides = array<i32>} : memref<128x128xf32, #tpu.memory_space<vmem>>, vector<16xf32>,
        }
        %scan3A_92 = arith.constant 8 : i32
        %mul3A_93 = arith.constant 128 : i32
        %mul3A_94 = arith.muli %add3A_75, %mul3A_93 : i32
        %add3A_95 = arith.addi %multiple_of3A, %mul3A_94 : i32
        %multiple_of3A_96 = tpu.assume_multiple %add3A_95, 128 : i32
        %dma_wait3A = arith.constant 32 : i32
        %dma_wait3A_97 = arith.constant 0 : i32
        %dma_wait3A_98 = tpu.memref_slice %arg10[%dma_wait3A, %dma_wait3A_97] : memref<128x128xf32, #tpu.memory_space<vmem>> -> memref<16x128xf32, #tpu.memory_space<vmem>>
        %dma_wait3A_99 = arith.constant 0 : i32
        %dma_wait3A_100 = tpu.memref_slice %arg3[%dma_wait3A_99, %multiple_of3A_96] : memref<16x100000xf32, #tpu.memory_space<hbm>> -> memref<16x128xf32, #tpu.memory_space<hbm>>
        %dma_wait3A_101 = arith.constant 32 : i32
        %dma_wait3A_102 = arith.constant 0 : i32
        %dma_wait3A_103 = tpu.memref_slice %arg10[%dma_wait3A_101, %dma_wait3A_102] : memref<128x128xf32, #tpu.memory_space<vmem>> -> memref<16x128xf32, #tpu.memory_space<vmem>>
        %dma_wait3A_104 = arith.constant 0 : i32
        %dma_wait3A_105 = tpu.memref_slice %arg3[%dma_wait3A_104, %multiple_of3A_96] : memref<16x100000xf32, #tpu.memory_space<hbm>> -> memref<16x128xf32, #tpu.memory_space<hbm>>
        tpu.wait_dma2 semaphore(%arg13 : memref<!tpu.dma_semaphore, #tpu.memory_space<semaphore_mem>>) src(%dma_wait3A_105 : memref<16x128xf32, #tpu.memory_space<hbm>>) dst(%dma_wait3A_103 : memref<16x128xf32, #tpu.memory_space<vmem>>)
        %dma_wait3A_106 = arith.constant 48 : i32
        %dma_wait3A_107 = arith.constant 0 : i32
        %dma_wait3A_108 = tpu.memref_slice %arg10[%dma_wait3A_106, %dma_wait3A_107] : memref<128x128xf32, #tpu.memory_space<vmem>> -> memref<80x128xf32, #tpu.memory_space<vmem>>
        %dma_wait3A_109 = arith.constant 0 : i32
        %dma_wait3A_110 = tpu.memref_slice %arg4[%dma_wait3A_109, %multiple_of3A_96] : memref<80x100000xf32, #tpu.memory_space<hbm>> -> memref<80x128xf32, #tpu.memory_space<hbm>>
        %dma_wait3A_111 = arith.constant 48 : i32
        %dma_wait3A_112 = arith.constant 0 : i32
        %dma_wait3A_113 = tpu.memref_slice %arg10[%dma_wait3A_111, %dma_wait3A_112] : memref<128x128xf32, #tpu.memory_space<vmem>> -> memref<80x128xf32, #tpu.memory_space<vmem>>
        %dma_wait3A_114 = arith.constant 0 : i32
        %dma_wait3A_115 = tpu.memref_slice %arg4[%dma_wait3A_114, %multiple_of3A_96] : memref<80x100000xf32, #tpu.memory_space<hbm>> -> memref<80x128xf32, #tpu.memory_space<hbm>>
        tpu.wait_dma2 semaphore(%arg16 : memref<!tpu.dma_semaphore, #tpu.memory_space<semaphore_mem>>) src(%dma_wait3A_115 : memref<80x128xf32, #tpu.memory_space<hbm>>) dst(%dma_wait3A_113 : memref<80x128xf32, #tpu.memory_space<vmem>>)
        %mul3A_116 = arith.constant 128 : i32
        %mul3A_117 = arith.muli %add3A_75, %mul3A_116 : i32
        %add3A_118 = arith.addi %multiple_of3A, %mul3A_117 : i32
        %multiple_of3A_119 = tpu.assume_multiple %add3A_118, 128 : i32
        %dma_start3A_120 = arith.constant 0 : i32
        %dma_start3A_121 = tpu.memref_slice %arg6[%dma_start3A_120, %multiple_of3A_119] : memref<128x100000xf32, #tpu.memory_space<hbm>> -> memref<128x128xf32, #tpu.memory_space<hbm>>
        %dma_start3A_122 = arith.constant 0 : i32
        %dma_start3A_123 = tpu.memref_slice %arg6[%dma_start3A_122, %multiple_of3A_119] : memref<128x100000xf32, #tpu.memory_space<hbm>> -> memref<128x128xf32, #tpu.memory_space<hbm>>
        tpu.enqueue_dma source(%arg10 : memref<128x128xf32, #tpu.memory_space<vmem>>) target(%dma_start3A_123 : memref<128x128xf32, #tpu.memory_space<hbm>>) target_semaphore(%arg19 : memref<!tpu.dma_semaphore, #tpu.memory_space<semaphore_mem>>)
        %ge3A = arith.constant 1 : i32
        %ge3A_124 = arith.cmpi sge, %add3A_75, %ge3A : i32
        %convert_element_type3A_125 = arith.extui %ge3A_124 : i1 to i32
        %cond3A_126 = arith.constant 0 : i32
        %cond3A_127 = arith.cmpi ne, %convert_element_type3A_125, %cond3A_126 : i32
        scf.if %cond3A_127 {
          %sub3A = arith.constant 1 : i32
          %sub3A_134 = arith.subi %add3A_75, %sub3A : i32
          %mul3A_135 = arith.constant 128 : i32
          %mul3A_136 = arith.muli %sub3A_134, %mul3A_135 : i32
          %add3A_137 = arith.addi %multiple_of3A, %mul3A_136 : i32
          %multiple_of3A_138 = tpu.assume_multiple %add3A_137, 128 : i32
          %dma_wait3A_139 = arith.constant 0 : i32
          %dma_wait3A_140 = tpu.memref_slice %arg6[%dma_wait3A_139, %multiple_of3A_138] : memref<128x100000xf32, #tpu.memory_space<hbm>> -> memref<128x128xf32, #tpu.memory_space<hbm>>
          %dma_wait3A_141 = arith.constant 0 : i32
          %dma_wait3A_142 = tpu.memref_slice %arg6[%dma_wait3A_141, %multiple_of3A_138] : memref<128x100000xf32, #tpu.memory_space<hbm>> -> memref<128x128xf32, #tpu.memory_space<hbm>>
          tpu.wait_dma2 semaphore(%arg18 : memref<!tpu.dma_semaphore, #tpu.memory_space<semaphore_mem>>) src(%arg9 : memref<128x128xf32, #tpu.memory_space<vmem>>) dst(%dma_wait3A_142 : memref<128x128xf32, #tpu.memory_space<hbm>>)
        } else {
        }
        %add3A_128 = arith.constant 2 : i32
        %add3A_129 = arith.addi %add3A_75, %add3A_128 : i32
        %lt3A_130 = arith.cmpi slt, %add3A_129, %select_n3A : i32
        %convert_element_type3A_131 = arith.extui %lt3A_130 : i1 to i32
        %cond3A_132 = arith.constant 0 : i32
        %cond3A_133 = arith.cmpi ne, %convert_element_type3A_131, %cond3A_132 : i32
        scf.if %cond3A_133 {
          %add3A_134 = arith.constant 2 : i32
          %add3A_135 = arith.addi %add3A_75, %add3A_134 : i32
          %mul3A_136 = arith.constant 128 : i32
          %mul3A_137 = arith.muli %add3A_135, %mul3A_136 : i32
          %add3A_138 = arith.addi %multiple_of3A, %mul3A_137 : i32
          %multiple_of3A_139 = tpu.assume_multiple %add3A_138, 128 : i32
          %dma_start3A_140 = arith.constant 32 : i32
          %dma_start3A_141 = arith.constant 0 : i32
          %dma_start3A_142 = tpu.memref_slice %arg9[%dma_start3A_140, %dma_start3A_141] : memref<128x128xf32, #tpu.memory_space<vmem>> -> memref<16x128xf32, #tpu.memory_space<vmem>>
          %dma_start3A_143 = arith.constant 0 : i32
          %dma_start3A_144 = tpu.memref_slice %arg3[%dma_start3A_143, %multiple_of3A_139] : memref<16x100000xf32, #tpu.memory_space<hbm>> -> memref<16x128xf32, #tpu.memory_space<hbm>>
          %dma_start3A_145 = arith.constant 32 : i32
          %dma_start3A_146 = arith.constant 0 : i32
          %dma_start3A_147 = tpu.memref_slice %arg9[%dma_start3A_145, %dma_start3A_146] : memref<128x128xf32, #tpu.memory_space<vmem>> -> memref<16x128xf32, #tpu.memory_space<vmem>>
          %dma_start3A_148 = arith.constant 0 : i32
          %dma_start3A_149 = tpu.memref_slice %arg3[%dma_start3A_148, %multiple_of3A_139] : memref<16x100000xf32, #tpu.memory_space<hbm>> -> memref<16x128xf32, #tpu.memory_space<hbm>>
          tpu.enqueue_dma source(%dma_start3A_149 : memref<16x128xf32, #tpu.memory_space<hbm>>) target(%dma_start3A_147 : memref<16x128xf32, #tpu.memory_space<vmem>>) target_semaphore(%arg12 : memref<!tpu.dma_semaphore, #tpu.memory_space<semaphore_mem>>)
          %dma_start3A_150 = arith.constant 48 : i32
          %dma_start3A_151 = arith.constant 0 : i32
          %dma_start3A_152 = tpu.memref_slice %arg9[%dma_start3A_150, %dma_start3A_151] : memref<128x128xf32, #tpu.memory_space<vmem>> -> memref<80x128xf32, #tpu.memory_space<vmem>>
          %dma_start3A_153 = arith.constant 0 : i32
          %dma_start3A_154 = tpu.memref_slice %arg4[%dma_start3A_153, %multiple_of3A_139] : memref<80x100000xf32, #tpu.memory_space<hbm>> -> memref<80x128xf32, #tpu.memory_space<hbm>>
          %dma_start3A_155 = arith.constant 48 : i32
          %dma_start3A_156 = arith.constant 0 : i32
          %dma_start3A_157 = tpu.memref_slice %arg9[%dma_start3A_155, %dma_start3A_156] : memref<128x128xf32, #tpu.memory_space<vmem>> -> memref<80x128xf32, #tpu.memory_space<vmem>>
          %dma_start3A_158 = arith.constant 0 : i32
          %dma_start3A_159 = tpu.memref_slice %arg4[%dma_start3A_158, %multiple_of3A_139] : memref<80x100000xf32, #tpu.memory_space<hbm>> -> memref<80x128xf32, #tpu.memory_space<hbm>>
          tpu.enqueue_dma source(%dma_start3A_159 : memref<80x128xf32, #tpu.memory_space<hbm>>) target(%dma_start3A_157 : memref<80x128xf32, #tpu.memory_space<vmem>>) target_semaphore(%arg15 : memref<!tpu.dma_semaphore, #tpu.memory_space<semaphore_mem>>)
        } else {
        }
      } else {
      }
      %mul3A_80 = arith.constant 3 : i32
      %mul3A_81 = arith.muli %scan3A_64, %mul3A_80 : i32
      %add3A_82 = arith.constant 2 : i32
      %add3A_83 = arith.addi %mul3A_81, %add3A_82 : i32
      %lt3A_84 = arith.cmpi slt, %add3A_83, %select_n3A : i32
      %convert_element_type3A_85 = arith.extui %lt3A_84 : i1 to i32
      %cond3A_86 = arith.constant 0 : i32
      %cond3A_87 = arith.cmpi ne, %convert_element_type3A_85, %cond3A_86 : i32
      scf.if %cond3A_87 {
        %scan3A_88 = arith.constant 0 : i32
        %scan3A_89 = arith.constant 8 : i32
        %scan3A_90 = arith.addi %scan3A_88, %scan3A_89 : i32
        %scan3A_91 = arith.constant 1 : i32
        scf.for %scan3A_134 = %scan3A_88 to %scan3A_90 step %scan3A_91  : i32 {
          %mul3A_135 = arith.constant 16 : i32
          %mul3A_136 = arith.muli %scan3A_134, %mul3A_135 : i32
          %mul3A_137 = arith.constant 128 : i32
          %mul3A_138 = arith.muli %add3A_83, %mul3A_137 : i32
          %add3A_139 = arith.addi %mul3A_138, %mul3A_136 : i32
          %get3A = arith.index_cast %add3A_139 : i32 to index
          %get3A_140 = tpu.vector_load %arg7[%get3A] {strides = array<i32>} : memref<3200xi32, #tpu.memory_space<vmem>>, vector<16xi32>,
          %broadcast_in_dim3A = arith.constant 0 : i32
          %broadcast_in_dim3A_141 = vector.broadcast %broadcast_in_dim3A : i32 to vector<16xi32>
          %gather3A = tpu.vector_load_idx %arg8[%broadcast_in_dim3A_141, %get3A_140] : memref<32x256xf32, #tpu.memory_space<vmem>>[vector<16xi32>, vector<16xi32>], vector<16xf32>,
          %swap3A = arith.constant 0 : i32
          %swap3A_142 = arith.index_cast %swap3A : i32 to index
          %swap3A_143 = arith.index_cast %mul3A_136 : i32 to index
          %swap3A_144 = tpu.vector_load %arg11[%swap3A_142, %swap3A_143] {strides = array<i32>} : memref<128x128xf32, #tpu.memory_space<vmem>>, vector<16xf32>,
          tpu.vector_store %arg11[%swap3A_142, %swap3A_143], %gather3A {strides = array<i32>} : memref<128x128xf32, #tpu.memory_space<vmem>>, vector<16xf32>,
          %broadcast_in_dim3A_145 = arith.constant 1 : i32
          %broadcast_in_dim3A_146 = vector.broadcast %broadcast_in_dim3A_145 : i32 to vector<16xi32>
          %gather3A_147 = tpu.vector_load_idx %arg8[%broadcast_in_dim3A_146, %get3A_140] : memref<32x256xf32, #tpu.memory_space<vmem>>[vector<16xi32>, vector<16xi32>], vector<16xf32>,
          %swap3A_148 = arith.constant 1 : i32
          %swap3A_149 = arith.index_cast %swap3A_148 : i32 to index
          %swap3A_150 = arith.index_cast %mul3A_136 : i32 to index
          %swap3A_151 = tpu.vector_load %arg11[%swap3A_149, %swap3A_150] {strides = array<i32>} : memref<128x128xf32, #tpu.memory_space<vmem>>, vector<16xf32>,
          tpu.vector_store %arg11[%swap3A_149, %swap3A_150], %gather3A_147 {strides = array<i32>} : memref<128x128xf32, #tpu.memory_space<vmem>>, vector<16xf32>,
          %broadcast_in_dim3A_152 = arith.constant 2 : i32
          %broadcast_in_dim3A_153 = vector.broadcast %broadcast_in_dim3A_152 : i32 to vector<16xi32>
          %gather3A_154 = tpu.vector_load_idx %arg8[%broadcast_in_dim3A_153, %get3A_140] : memref<32x256xf32, #tpu.memory_space<vmem>>[vector<16xi32>, vector<16xi32>], vector<16xf32>,
          %swap3A_155 = arith.constant 2 : i32
          %swap3A_156 = arith.index_cast %swap3A_155 : i32 to index
          %swap3A_157 = arith.index_cast %mul3A_136 : i32 to index
          %swap3A_158 = tpu.vector_load %arg11[%swap3A_156, %swap3A_157] {strides = array<i32>} : memref<128x128xf32, #tpu.memory_space<vmem>>, vector<16xf32>,
          tpu.vector_store %arg11[%swap3A_156, %swap3A_157], %gather3A_154 {strides = array<i32>} : memref<128x128xf32, #tpu.memory_space<vmem>>, vector<16xf32>,
          %broadcast_in_dim3A_159 = arith.constant 3 : i32
          %broadcast_in_dim3A_160 = vector.broadcast %broadcast_in_dim3A_159 : i32 to vector<16xi32>
          %gather3A_161 = tpu.vector_load_idx %arg8[%broadcast_in_dim3A_160, %get3A_140] : memref<32x256xf32, #tpu.memory_space<vmem>>[vector<16xi32>, vector<16xi32>], vector<16xf32>,
          %swap3A_162 = arith.constant 3 : i32
          %swap3A_163 = arith.index_cast %swap3A_162 : i32 to index
          %swap3A_164 = arith.index_cast %mul3A_136 : i32 to index
          %swap3A_165 = tpu.vector_load %arg11[%swap3A_163, %swap3A_164] {strides = array<i32>} : memref<128x128xf32, #tpu.memory_space<vmem>>, vector<16xf32>,
          tpu.vector_store %arg11[%swap3A_163, %swap3A_164], %gather3A_161 {strides = array<i32>} : memref<128x128xf32, #tpu.memory_space<vmem>>, vector<16xf32>,
          %broadcast_in_dim3A_166 = arith.constant 4 : i32
          %broadcast_in_dim3A_167 = vector.broadcast %broadcast_in_dim3A_166 : i32 to vector<16xi32>
          %gather3A_168 = tpu.vector_load_idx %arg8[%broadcast_in_dim3A_167, %get3A_140] : memref<32x256xf32, #tpu.memory_space<vmem>>[vector<16xi32>, vector<16xi32>], vector<16xf32>,
          %swap3A_169 = arith.constant 4 : i32
          %swap3A_170 = arith.index_cast %swap3A_169 : i32 to index
          %swap3A_171 = arith.index_cast %mul3A_136 : i32 to index
          %swap3A_172 = tpu.vector_load %arg11[%swap3A_170, %swap3A_171] {strides = array<i32>} : memref<128x128xf32, #tpu.memory_space<vmem>>, vector<16xf32>,
          tpu.vector_store %arg11[%swap3A_170, %swap3A_171], %gather3A_168 {strides = array<i32>} : memref<128x128xf32, #tpu.memory_space<vmem>>, vector<16xf32>,
          %broadcast_in_dim3A_173 = arith.constant 5 : i32
          %broadcast_in_dim3A_174 = vector.broadcast %broadcast_in_dim3A_173 : i32 to vector<16xi32>
          %gather3A_175 = tpu.vector_load_idx %arg8[%broadcast_in_dim3A_174, %get3A_140] : memref<32x256xf32, #tpu.memory_space<vmem>>[vector<16xi32>, vector<16xi32>], vector<16xf32>,
          %swap3A_176 = arith.constant 5 : i32
          %swap3A_177 = arith.index_cast %swap3A_176 : i32 to index
          %swap3A_178 = arith.index_cast %mul3A_136 : i32 to index
          %swap3A_179 = tpu.vector_load %arg11[%swap3A_177, %swap3A_178] {strides = array<i32>} : memref<128x128xf32, #tpu.memory_space<vmem>>, vector<16xf32>,
          tpu.vector_store %arg11[%swap3A_177, %swap3A_178], %gather3A_175 {strides = array<i32>} : memref<128x128xf32, #tpu.memory_space<vmem>>, vector<16xf32>,
          %broadcast_in_dim3A_180 = arith.constant 6 : i32
          %broadcast_in_dim3A_181 = vector.broadcast %broadcast_in_dim3A_180 : i32 to vector<16xi32>
          %gather3A_182 = tpu.vector_load_idx %arg8[%broadcast_in_dim3A_181, %get3A_140] : memref<32x256xf32, #tpu.memory_space<vmem>>[vector<16xi32>, vector<16xi32>], vector<16xf32>,
          %swap3A_183 = arith.constant 6 : i32
          %swap3A_184 = arith.index_cast %swap3A_183 : i32 to index
          %swap3A_185 = arith.index_cast %mul3A_136 : i32 to index
          %swap3A_186 = tpu.vector_load %arg11[%swap3A_184, %swap3A_185] {strides = array<i32>} : memref<128x128xf32, #tpu.memory_space<vmem>>, vector<16xf32>,
          tpu.vector_store %arg11[%swap3A_184, %swap3A_185], %gather3A_182 {strides = array<i32>} : memref<128x128xf32, #tpu.memory_space<vmem>>, vector<16xf32>,
          %broadcast_in_dim3A_187 = arith.constant 7 : i32
          %broadcast_in_dim3A_188 = vector.broadcast %broadcast_in_dim3A_187 : i32 to vector<16xi32>
          %gather3A_189 = tpu.vector_load_idx %arg8[%broadcast_in_dim3A_188, %get3A_140] : memref<32x256xf32, #tpu.memory_space<vmem>>[vector<16xi32>, vector<16xi32>], vector<16xf32>,
          %swap3A_190 = arith.constant 7 : i32
          %swap3A_191 = arith.index_cast %swap3A_190 : i32 to index
          %swap3A_192 = arith.index_cast %mul3A_136 : i32 to index
          %swap3A_193 = tpu.vector_load %arg11[%swap3A_191, %swap3A_192] {strides = array<i32>} : memref<128x128xf32, #tpu.memory_space<vmem>>, vector<16xf32>,
          tpu.vector_store %arg11[%swap3A_191, %swap3A_192], %gather3A_189 {strides = array<i32>} : memref<128x128xf32, #tpu.memory_space<vmem>>, vector<16xf32>,
          %broadcast_in_dim3A_194 = arith.constant 8 : i32
          %broadcast_in_dim3A_195 = vector.broadcast %broadcast_in_dim3A_194 : i32 to vector<16xi32>
          %gather3A_196 = tpu.vector_load_idx %arg8[%broadcast_in_dim3A_195, %get3A_140] : memref<32x256xf32, #tpu.memory_space<vmem>>[vector<16xi32>, vector<16xi32>], vector<16xf32>,
          %swap3A_197 = arith.constant 8 : i32
          %swap3A_198 = arith.index_cast %swap3A_197 : i32 to index
          %swap3A_199 = arith.index_cast %mul3A_136 : i32 to index
          %swap3A_200 = tpu.vector_load %arg11[%swap3A_198, %swap3A_199] {strides = array<i32>} : memref<128x128xf32, #tpu.memory_space<vmem>>, vector<16xf32>,
          tpu.vector_store %arg11[%swap3A_198, %swap3A_199], %gather3A_196 {strides = array<i32>} : memref<128x128xf32, #tpu.memory_space<vmem>>, vector<16xf32>,
          %broadcast_in_dim3A_201 = arith.constant 9 : i32
          %broadcast_in_dim3A_202 = vector.broadcast %broadcast_in_dim3A_201 : i32 to vector<16xi32>
          %gather3A_203 = tpu.vector_load_idx %arg8[%broadcast_in_dim3A_202, %get3A_140] : memref<32x256xf32, #tpu.memory_space<vmem>>[vector<16xi32>, vector<16xi32>], vector<16xf32>,
          %swap3A_204 = arith.constant 9 : i32
          %swap3A_205 = arith.index_cast %swap3A_204 : i32 to index
          %swap3A_206 = arith.index_cast %mul3A_136 : i32 to index
          %swap3A_207 = tpu.vector_load %arg11[%swap3A_205, %swap3A_206] {strides = array<i32>} : memref<128x128xf32, #tpu.memory_space<vmem>>, vector<16xf32>,
          tpu.vector_store %arg11[%swap3A_205, %swap3A_206], %gather3A_203 {strides = array<i32>} : memref<128x128xf32, #tpu.memory_space<vmem>>, vector<16xf32>,
          %broadcast_in_dim3A_208 = arith.constant 10 : i32
          %broadcast_in_dim3A_209 = vector.broadcast %broadcast_in_dim3A_208 : i32 to vector<16xi32>
          %gather3A_210 = tpu.vector_load_idx %arg8[%broadcast_in_dim3A_209, %get3A_140] : memref<32x256xf32, #tpu.memory_space<vmem>>[vector<16xi32>, vector<16xi32>], vector<16xf32>,
          %swap3A_211 = arith.constant 10 : i32
          %swap3A_212 = arith.index_cast %swap3A_211 : i32 to index
          %swap3A_213 = arith.index_cast %mul3A_136 : i32 to index
          %swap3A_214 = tpu.vector_load %arg11[%swap3A_212, %swap3A_213] {strides = array<i32>} : memref<128x128xf32, #tpu.memory_space<vmem>>, vector<16xf32>,
          tpu.vector_store %arg11[%swap3A_212, %swap3A_213], %gather3A_210 {strides = array<i32>} : memref<128x128xf32, #tpu.memory_space<vmem>>, vector<16xf32>,
          %broadcast_in_dim3A_215 = arith.constant 11 : i32
          %broadcast_in_dim3A_216 = vector.broadcast %broadcast_in_dim3A_215 : i32 to vector<16xi32>
          %gather3A_217 = tpu.vector_load_idx %arg8[%broadcast_in_dim3A_216, %get3A_140] : memref<32x256xf32, #tpu.memory_space<vmem>>[vector<16xi32>, vector<16xi32>], vector<16xf32>,
          %swap3A_218 = arith.constant 11 : i32
          %swap3A_219 = arith.index_cast %swap3A_218 : i32 to index
          %swap3A_220 = arith.index_cast %mul3A_136 : i32 to index
          %swap3A_221 = tpu.vector_load %arg11[%swap3A_219, %swap3A_220] {strides = array<i32>} : memref<128x128xf32, #tpu.memory_space<vmem>>, vector<16xf32>,
          tpu.vector_store %arg11[%swap3A_219, %swap3A_220], %gather3A_217 {strides = array<i32>} : memref<128x128xf32, #tpu.memory_space<vmem>>, vector<16xf32>,
          %broadcast_in_dim3A_222 = arith.constant 12 : i32
          %broadcast_in_dim3A_223 = vector.broadcast %broadcast_in_dim3A_222 : i32 to vector<16xi32>
          %gather3A_224 = tpu.vector_load_idx %arg8[%broadcast_in_dim3A_223, %get3A_140] : memref<32x256xf32, #tpu.memory_space<vmem>>[vector<16xi32>, vector<16xi32>], vector<16xf32>,
          %swap3A_225 = arith.constant 12 : i32
          %swap3A_226 = arith.index_cast %swap3A_225 : i32 to index
          %swap3A_227 = arith.index_cast %mul3A_136 : i32 to index
          %swap3A_228 = tpu.vector_load %arg11[%swap3A_226, %swap3A_227] {strides = array<i32>} : memref<128x128xf32, #tpu.memory_space<vmem>>, vector<16xf32>,
          tpu.vector_store %arg11[%swap3A_226, %swap3A_227], %gather3A_224 {strides = array<i32>} : memref<128x128xf32, #tpu.memory_space<vmem>>, vector<16xf32>,
          %broadcast_in_dim3A_229 = arith.constant 13 : i32
          %broadcast_in_dim3A_230 = vector.broadcast %broadcast_in_dim3A_229 : i32 to vector<16xi32>
          %gather3A_231 = tpu.vector_load_idx %arg8[%broadcast_in_dim3A_230, %get3A_140] : memref<32x256xf32, #tpu.memory_space<vmem>>[vector<16xi32>, vector<16xi32>], vector<16xf32>,
          %swap3A_232 = arith.constant 13 : i32
          %swap3A_233 = arith.index_cast %swap3A_232 : i32 to index
          %swap3A_234 = arith.index_cast %mul3A_136 : i32 to index
          %swap3A_235 = tpu.vector_load %arg11[%swap3A_233, %swap3A_234] {strides = array<i32>} : memref<128x128xf32, #tpu.memory_space<vmem>>, vector<16xf32>,
          tpu.vector_store %arg11[%swap3A_233, %swap3A_234], %gather3A_231 {strides = array<i32>} : memref<128x128xf32, #tpu.memory_space<vmem>>, vector<16xf32>,
          %broadcast_in_dim3A_236 = arith.constant 14 : i32
          %broadcast_in_dim3A_237 = vector.broadcast %broadcast_in_dim3A_236 : i32 to vector<16xi32>
          %gather3A_238 = tpu.vector_load_idx %arg8[%broadcast_in_dim3A_237, %get3A_140] : memref<32x256xf32, #tpu.memory_space<vmem>>[vector<16xi32>, vector<16xi32>], vector<16xf32>,
          %swap3A_239 = arith.constant 14 : i32
          %swap3A_240 = arith.index_cast %swap3A_239 : i32 to index
          %swap3A_241 = arith.index_cast %mul3A_136 : i32 to index
          %swap3A_242 = tpu.vector_load %arg11[%swap3A_240, %swap3A_241] {strides = array<i32>} : memref<128x128xf32, #tpu.memory_space<vmem>>, vector<16xf32>,
          tpu.vector_store %arg11[%swap3A_240, %swap3A_241], %gather3A_238 {strides = array<i32>} : memref<128x128xf32, #tpu.memory_space<vmem>>, vector<16xf32>,
          %broadcast_in_dim3A_243 = arith.constant 15 : i32
          %broadcast_in_dim3A_244 = vector.broadcast %broadcast_in_dim3A_243 : i32 to vector<16xi32>
          %gather3A_245 = tpu.vector_load_idx %arg8[%broadcast_in_dim3A_244, %get3A_140] : memref<32x256xf32, #tpu.memory_space<vmem>>[vector<16xi32>, vector<16xi32>], vector<16xf32>,
          %swap3A_246 = arith.constant 15 : i32
          %swap3A_247 = arith.index_cast %swap3A_246 : i32 to index
          %swap3A_248 = arith.index_cast %mul3A_136 : i32 to index
          %swap3A_249 = tpu.vector_load %arg11[%swap3A_247, %swap3A_248] {strides = array<i32>} : memref<128x128xf32, #tpu.memory_space<vmem>>, vector<16xf32>,
          tpu.vector_store %arg11[%swap3A_247, %swap3A_248], %gather3A_245 {strides = array<i32>} : memref<128x128xf32, #tpu.memory_space<vmem>>, vector<16xf32>,
          %broadcast_in_dim3A_250 = arith.constant 16 : i32
          %broadcast_in_dim3A_251 = vector.broadcast %broadcast_in_dim3A_250 : i32 to vector<16xi32>
          %gather3A_252 = tpu.vector_load_idx %arg8[%broadcast_in_dim3A_251, %get3A_140] : memref<32x256xf32, #tpu.memory_space<vmem>>[vector<16xi32>, vector<16xi32>], vector<16xf32>,
          %swap3A_253 = arith.constant 16 : i32
          %swap3A_254 = arith.index_cast %swap3A_253 : i32 to index
          %swap3A_255 = arith.index_cast %mul3A_136 : i32 to index
          %swap3A_256 = tpu.vector_load %arg11[%swap3A_254, %swap3A_255] {strides = array<i32>} : memref<128x128xf32, #tpu.memory_space<vmem>>, vector<16xf32>,
          tpu.vector_store %arg11[%swap3A_254, %swap3A_255], %gather3A_252 {strides = array<i32>} : memref<128x128xf32, #tpu.memory_space<vmem>>, vector<16xf32>,
          %broadcast_in_dim3A_257 = arith.constant 17 : i32
          %broadcast_in_dim3A_258 = vector.broadcast %broadcast_in_dim3A_257 : i32 to vector<16xi32>
          %gather3A_259 = tpu.vector_load_idx %arg8[%broadcast_in_dim3A_258, %get3A_140] : memref<32x256xf32, #tpu.memory_space<vmem>>[vector<16xi32>, vector<16xi32>], vector<16xf32>,
          %swap3A_260 = arith.constant 17 : i32
          %swap3A_261 = arith.index_cast %swap3A_260 : i32 to index
          %swap3A_262 = arith.index_cast %mul3A_136 : i32 to index
          %swap3A_263 = tpu.vector_load %arg11[%swap3A_261, %swap3A_262] {strides = array<i32>} : memref<128x128xf32, #tpu.memory_space<vmem>>, vector<16xf32>,
          tpu.vector_store %arg11[%swap3A_261, %swap3A_262], %gather3A_259 {strides = array<i32>} : memref<128x128xf32, #tpu.memory_space<vmem>>, vector<16xf32>,
          %broadcast_in_dim3A_264 = arith.constant 18 : i32
          %broadcast_in_dim3A_265 = vector.broadcast %broadcast_in_dim3A_264 : i32 to vector<16xi32>
          %gather3A_266 = tpu.vector_load_idx %arg8[%broadcast_in_dim3A_265, %get3A_140] : memref<32x256xf32, #tpu.memory_space<vmem>>[vector<16xi32>, vector<16xi32>], vector<16xf32>,
          %swap3A_267 = arith.constant 18 : i32
          %swap3A_268 = arith.index_cast %swap3A_267 : i32 to index
          %swap3A_269 = arith.index_cast %mul3A_136 : i32 to index
          %swap3A_270 = tpu.vector_load %arg11[%swap3A_268, %swap3A_269] {strides = array<i32>} : memref<128x128xf32, #tpu.memory_space<vmem>>, vector<16xf32>,
          tpu.vector_store %arg11[%swap3A_268, %swap3A_269], %gather3A_266 {strides = array<i32>} : memref<128x128xf32, #tpu.memory_space<vmem>>, vector<16xf32>,
          %broadcast_in_dim3A_271 = arith.constant 19 : i32
          %broadcast_in_dim3A_272 = vector.broadcast %broadcast_in_dim3A_271 : i32 to vector<16xi32>
          %gather3A_273 = tpu.vector_load_idx %arg8[%broadcast_in_dim3A_272, %get3A_140] : memref<32x256xf32, #tpu.memory_space<vmem>>[vector<16xi32>, vector<16xi32>], vector<16xf32>,
          %swap3A_274 = arith.constant 19 : i32
          %swap3A_275 = arith.index_cast %swap3A_274 : i32 to index
          %swap3A_276 = arith.index_cast %mul3A_136 : i32 to index
          %swap3A_277 = tpu.vector_load %arg11[%swap3A_275, %swap3A_276] {strides = array<i32>} : memref<128x128xf32, #tpu.memory_space<vmem>>, vector<16xf32>,
          tpu.vector_store %arg11[%swap3A_275, %swap3A_276], %gather3A_273 {strides = array<i32>} : memref<128x128xf32, #tpu.memory_space<vmem>>, vector<16xf32>,
          %broadcast_in_dim3A_278 = arith.constant 20 : i32
          %broadcast_in_dim3A_279 = vector.broadcast %broadcast_in_dim3A_278 : i32 to vector<16xi32>
          %gather3A_280 = tpu.vector_load_idx %arg8[%broadcast_in_dim3A_279, %get3A_140] : memref<32x256xf32, #tpu.memory_space<vmem>>[vector<16xi32>, vector<16xi32>], vector<16xf32>,
          %swap3A_281 = arith.constant 20 : i32
          %swap3A_282 = arith.index_cast %swap3A_281 : i32 to index
          %swap3A_283 = arith.index_cast %mul3A_136 : i32 to index
          %swap3A_284 = tpu.vector_load %arg11[%swap3A_282, %swap3A_283] {strides = array<i32>} : memref<128x128xf32, #tpu.memory_space<vmem>>, vector<16xf32>,
          tpu.vector_store %arg11[%swap3A_282, %swap3A_283], %gather3A_280 {strides = array<i32>} : memref<128x128xf32, #tpu.memory_space<vmem>>, vector<16xf32>,
          %broadcast_in_dim3A_285 = arith.constant 21 : i32
          %broadcast_in_dim3A_286 = vector.broadcast %broadcast_in_dim3A_285 : i32 to vector<16xi32>
          %gather3A_287 = tpu.vector_load_idx %arg8[%broadcast_in_dim3A_286, %get3A_140] : memref<32x256xf32, #tpu.memory_space<vmem>>[vector<16xi32>, vector<16xi32>], vector<16xf32>,
          %swap3A_288 = arith.constant 21 : i32
          %swap3A_289 = arith.index_cast %swap3A_288 : i32 to index
          %swap3A_290 = arith.index_cast %mul3A_136 : i32 to index
          %swap3A_291 = tpu.vector_load %arg11[%swap3A_289, %swap3A_290] {strides = array<i32>} : memref<128x128xf32, #tpu.memory_space<vmem>>, vector<16xf32>,
          tpu.vector_store %arg11[%swap3A_289, %swap3A_290], %gather3A_287 {strides = array<i32>} : memref<128x128xf32, #tpu.memory_space<vmem>>, vector<16xf32>,
          %broadcast_in_dim3A_292 = arith.constant 22 : i32
          %broadcast_in_dim3A_293 = vector.broadcast %broadcast_in_dim3A_292 : i32 to vector<16xi32>
          %gather3A_294 = tpu.vector_load_idx %arg8[%broadcast_in_dim3A_293, %get3A_140] : memref<32x256xf32, #tpu.memory_space<vmem>>[vector<16xi32>, vector<16xi32>], vector<16xf32>,
          %swap3A_295 = arith.constant 22 : i32
          %swap3A_296 = arith.index_cast %swap3A_295 : i32 to index
          %swap3A_297 = arith.index_cast %mul3A_136 : i32 to index
          %swap3A_298 = tpu.vector_load %arg11[%swap3A_296, %swap3A_297] {strides = array<i32>} : memref<128x128xf32, #tpu.memory_space<vmem>>, vector<16xf32>,
          tpu.vector_store %arg11[%swap3A_296, %swap3A_297], %gather3A_294 {strides = array<i32>} : memref<128x128xf32, #tpu.memory_space<vmem>>, vector<16xf32>,
          %broadcast_in_dim3A_299 = arith.constant 23 : i32
          %broadcast_in_dim3A_300 = vector.broadcast %broadcast_in_dim3A_299 : i32 to vector<16xi32>
          %gather3A_301 = tpu.vector_load_idx %arg8[%broadcast_in_dim3A_300, %get3A_140] : memref<32x256xf32, #tpu.memory_space<vmem>>[vector<16xi32>, vector<16xi32>], vector<16xf32>,
          %swap3A_302 = arith.constant 23 : i32
          %swap3A_303 = arith.index_cast %swap3A_302 : i32 to index
          %swap3A_304 = arith.index_cast %mul3A_136 : i32 to index
          %swap3A_305 = tpu.vector_load %arg11[%swap3A_303, %swap3A_304] {strides = array<i32>} : memref<128x128xf32, #tpu.memory_space<vmem>>, vector<16xf32>,
          tpu.vector_store %arg11[%swap3A_303, %swap3A_304], %gather3A_301 {strides = array<i32>} : memref<128x128xf32, #tpu.memory_space<vmem>>, vector<16xf32>,
          %broadcast_in_dim3A_306 = arith.constant 24 : i32
          %broadcast_in_dim3A_307 = vector.broadcast %broadcast_in_dim3A_306 : i32 to vector<16xi32>
          %gather3A_308 = tpu.vector_load_idx %arg8[%broadcast_in_dim3A_307, %get3A_140] : memref<32x256xf32, #tpu.memory_space<vmem>>[vector<16xi32>, vector<16xi32>], vector<16xf32>,
          %swap3A_309 = arith.constant 24 : i32
          %swap3A_310 = arith.index_cast %swap3A_309 : i32 to index
          %swap3A_311 = arith.index_cast %mul3A_136 : i32 to index
          %swap3A_312 = tpu.vector_load %arg11[%swap3A_310, %swap3A_311] {strides = array<i32>} : memref<128x128xf32, #tpu.memory_space<vmem>>, vector<16xf32>,
          tpu.vector_store %arg11[%swap3A_310, %swap3A_311], %gather3A_308 {strides = array<i32>} : memref<128x128xf32, #tpu.memory_space<vmem>>, vector<16xf32>,
          %broadcast_in_dim3A_313 = arith.constant 25 : i32
          %broadcast_in_dim3A_314 = vector.broadcast %broadcast_in_dim3A_313 : i32 to vector<16xi32>
          %gather3A_315 = tpu.vector_load_idx %arg8[%broadcast_in_dim3A_314, %get3A_140] : memref<32x256xf32, #tpu.memory_space<vmem>>[vector<16xi32>, vector<16xi32>], vector<16xf32>,
          %swap3A_316 = arith.constant 25 : i32
          %swap3A_317 = arith.index_cast %swap3A_316 : i32 to index
          %swap3A_318 = arith.index_cast %mul3A_136 : i32 to index
          %swap3A_319 = tpu.vector_load %arg11[%swap3A_317, %swap3A_318] {strides = array<i32>} : memref<128x128xf32, #tpu.memory_space<vmem>>, vector<16xf32>,
          tpu.vector_store %arg11[%swap3A_317, %swap3A_318], %gather3A_315 {strides = array<i32>} : memref<128x128xf32, #tpu.memory_space<vmem>>, vector<16xf32>,
          %broadcast_in_dim3A_320 = arith.constant 26 : i32
          %broadcast_in_dim3A_321 = vector.broadcast %broadcast_in_dim3A_320 : i32 to vector<16xi32>
          %gather3A_322 = tpu.vector_load_idx %arg8[%broadcast_in_dim3A_321, %get3A_140] : memref<32x256xf32, #tpu.memory_space<vmem>>[vector<16xi32>, vector<16xi32>], vector<16xf32>,
          %swap3A_323 = arith.constant 26 : i32
          %swap3A_324 = arith.index_cast %swap3A_323 : i32 to index
          %swap3A_325 = arith.index_cast %mul3A_136 : i32 to index
          %swap3A_326 = tpu.vector_load %arg11[%swap3A_324, %swap3A_325] {strides = array<i32>} : memref<128x128xf32, #tpu.memory_space<vmem>>, vector<16xf32>,
          tpu.vector_store %arg11[%swap3A_324, %swap3A_325], %gather3A_322 {strides = array<i32>} : memref<128x128xf32, #tpu.memory_space<vmem>>, vector<16xf32>,
          %broadcast_in_dim3A_327 = arith.constant 27 : i32
          %broadcast_in_dim3A_328 = vector.broadcast %broadcast_in_dim3A_327 : i32 to vector<16xi32>
          %gather3A_329 = tpu.vector_load_idx %arg8[%broadcast_in_dim3A_328, %get3A_140] : memref<32x256xf32, #tpu.memory_space<vmem>>[vector<16xi32>, vector<16xi32>], vector<16xf32>,
          %swap3A_330 = arith.constant 27 : i32
          %swap3A_331 = arith.index_cast %swap3A_330 : i32 to index
          %swap3A_332 = arith.index_cast %mul3A_136 : i32 to index
          %swap3A_333 = tpu.vector_load %arg11[%swap3A_331, %swap3A_332] {strides = array<i32>} : memref<128x128xf32, #tpu.memory_space<vmem>>, vector<16xf32>,
          tpu.vector_store %arg11[%swap3A_331, %swap3A_332], %gather3A_329 {strides = array<i32>} : memref<128x128xf32, #tpu.memory_space<vmem>>, vector<16xf32>,
          %broadcast_in_dim3A_334 = arith.constant 28 : i32
          %broadcast_in_dim3A_335 = vector.broadcast %broadcast_in_dim3A_334 : i32 to vector<16xi32>
          %gather3A_336 = tpu.vector_load_idx %arg8[%broadcast_in_dim3A_335, %get3A_140] : memref<32x256xf32, #tpu.memory_space<vmem>>[vector<16xi32>, vector<16xi32>], vector<16xf32>,
          %swap3A_337 = arith.constant 28 : i32
          %swap3A_338 = arith.index_cast %swap3A_337 : i32 to index
          %swap3A_339 = arith.index_cast %mul3A_136 : i32 to index
          %swap3A_340 = tpu.vector_load %arg11[%swap3A_338, %swap3A_339] {strides = array<i32>} : memref<128x128xf32, #tpu.memory_space<vmem>>, vector<16xf32>,
          tpu.vector_store %arg11[%swap3A_338, %swap3A_339], %gather3A_336 {strides = array<i32>} : memref<128x128xf32, #tpu.memory_space<vmem>>, vector<16xf32>,
          %broadcast_in_dim3A_341 = arith.constant 29 : i32
          %broadcast_in_dim3A_342 = vector.broadcast %broadcast_in_dim3A_341 : i32 to vector<16xi32>
          %gather3A_343 = tpu.vector_load_idx %arg8[%broadcast_in_dim3A_342, %get3A_140] : memref<32x256xf32, #tpu.memory_space<vmem>>[vector<16xi32>, vector<16xi32>], vector<16xf32>,
          %swap3A_344 = arith.constant 29 : i32
          %swap3A_345 = arith.index_cast %swap3A_344 : i32 to index
          %swap3A_346 = arith.index_cast %mul3A_136 : i32 to index
          %swap3A_347 = tpu.vector_load %arg11[%swap3A_345, %swap3A_346] {strides = array<i32>} : memref<128x128xf32, #tpu.memory_space<vmem>>, vector<16xf32>,
          tpu.vector_store %arg11[%swap3A_345, %swap3A_346], %gather3A_343 {strides = array<i32>} : memref<128x128xf32, #tpu.memory_space<vmem>>, vector<16xf32>,
          %broadcast_in_dim3A_348 = arith.constant 30 : i32
          %broadcast_in_dim3A_349 = vector.broadcast %broadcast_in_dim3A_348 : i32 to vector<16xi32>
          %gather3A_350 = tpu.vector_load_idx %arg8[%broadcast_in_dim3A_349, %get3A_140] : memref<32x256xf32, #tpu.memory_space<vmem>>[vector<16xi32>, vector<16xi32>], vector<16xf32>,
          %swap3A_351 = arith.constant 30 : i32
          %swap3A_352 = arith.index_cast %swap3A_351 : i32 to index
          %swap3A_353 = arith.index_cast %mul3A_136 : i32 to index
          %swap3A_354 = tpu.vector_load %arg11[%swap3A_352, %swap3A_353] {strides = array<i32>} : memref<128x128xf32, #tpu.memory_space<vmem>>, vector<16xf32>,
          tpu.vector_store %arg11[%swap3A_352, %swap3A_353], %gather3A_350 {strides = array<i32>} : memref<128x128xf32, #tpu.memory_space<vmem>>, vector<16xf32>,
          %broadcast_in_dim3A_355 = arith.constant 31 : i32
          %broadcast_in_dim3A_356 = vector.broadcast %broadcast_in_dim3A_355 : i32 to vector<16xi32>
          %gather3A_357 = tpu.vector_load_idx %arg8[%broadcast_in_dim3A_356, %get3A_140] : memref<32x256xf32, #tpu.memory_space<vmem>>[vector<16xi32>, vector<16xi32>], vector<16xf32>,
          %swap3A_358 = arith.constant 31 : i32
          %swap3A_359 = arith.index_cast %swap3A_358 : i32 to index
          %swap3A_360 = arith.index_cast %mul3A_136 : i32 to index
          %swap3A_361 = tpu.vector_load %arg11[%swap3A_359, %swap3A_360] {strides = array<i32>} : memref<128x128xf32, #tpu.memory_space<vmem>>, vector<16xf32>,
          tpu.vector_store %arg11[%swap3A_359, %swap3A_360], %gather3A_357 {strides = array<i32>} : memref<128x128xf32, #tpu.memory_space<vmem>>, vector<16xf32>,
        }
        %scan3A_92 = arith.constant 8 : i32
        %mul3A_93 = arith.constant 128 : i32
        %mul3A_94 = arith.muli %add3A_83, %mul3A_93 : i32
        %add3A_95 = arith.addi %multiple_of3A, %mul3A_94 : i32
        %multiple_of3A_96 = tpu.assume_multiple %add3A_95, 128 : i32
        %dma_wait3A = arith.constant 32 : i32
        %dma_wait3A_97 = arith.constant 0 : i32
        %dma_wait3A_98 = tpu.memref_slice %arg11[%dma_wait3A, %dma_wait3A_97] : memref<128x128xf32, #tpu.memory_space<vmem>> -> memref<16x128xf32, #tpu.memory_space<vmem>>
        %dma_wait3A_99 = arith.constant 0 : i32
        %dma_wait3A_100 = tpu.memref_slice %arg3[%dma_wait3A_99, %multiple_of3A_96] : memref<16x100000xf32, #tpu.memory_space<hbm>> -> memref<16x128xf32, #tpu.memory_space<hbm>>
        %dma_wait3A_101 = arith.constant 32 : i32
        %dma_wait3A_102 = arith.constant 0 : i32
        %dma_wait3A_103 = tpu.memref_slice %arg11[%dma_wait3A_101, %dma_wait3A_102] : memref<128x128xf32, #tpu.memory_space<vmem>> -> memref<16x128xf32, #tpu.memory_space<vmem>>
        %dma_wait3A_104 = arith.constant 0 : i32
        %dma_wait3A_105 = tpu.memref_slice %arg3[%dma_wait3A_104, %multiple_of3A_96] : memref<16x100000xf32, #tpu.memory_space<hbm>> -> memref<16x128xf32, #tpu.memory_space<hbm>>
        tpu.wait_dma2 semaphore(%arg14 : memref<!tpu.dma_semaphore, #tpu.memory_space<semaphore_mem>>) src(%dma_wait3A_105 : memref<16x128xf32, #tpu.memory_space<hbm>>) dst(%dma_wait3A_103 : memref<16x128xf32, #tpu.memory_space<vmem>>)
        %dma_wait3A_106 = arith.constant 48 : i32
        %dma_wait3A_107 = arith.constant 0 : i32
        %dma_wait3A_108 = tpu.memref_slice %arg11[%dma_wait3A_106, %dma_wait3A_107] : memref<128x128xf32, #tpu.memory_space<vmem>> -> memref<80x128xf32, #tpu.memory_space<vmem>>
        %dma_wait3A_109 = arith.constant 0 : i32
        %dma_wait3A_110 = tpu.memref_slice %arg4[%dma_wait3A_109, %multiple_of3A_96] : memref<80x100000xf32, #tpu.memory_space<hbm>> -> memref<80x128xf32, #tpu.memory_space<hbm>>
        %dma_wait3A_111 = arith.constant 48 : i32
        %dma_wait3A_112 = arith.constant 0 : i32
        %dma_wait3A_113 = tpu.memref_slice %arg11[%dma_wait3A_111, %dma_wait3A_112] : memref<128x128xf32, #tpu.memory_space<vmem>> -> memref<80x128xf32, #tpu.memory_space<vmem>>
        %dma_wait3A_114 = arith.constant 0 : i32
        %dma_wait3A_115 = tpu.memref_slice %arg4[%dma_wait3A_114, %multiple_of3A_96] : memref<80x100000xf32, #tpu.memory_space<hbm>> -> memref<80x128xf32, #tpu.memory_space<hbm>>
        tpu.wait_dma2 semaphore(%arg17 : memref<!tpu.dma_semaphore, #tpu.memory_space<semaphore_mem>>) src(%dma_wait3A_115 : memref<80x128xf32, #tpu.memory_space<hbm>>) dst(%dma_wait3A_113 : memref<80x128xf32, #tpu.memory_space<vmem>>)
        %mul3A_116 = arith.constant 128 : i32
        %mul3A_117 = arith.muli %add3A_83, %mul3A_116 : i32
        %add3A_118 = arith.addi %multiple_of3A, %mul3A_117 : i32
        %multiple_of3A_119 = tpu.assume_multiple %add3A_118, 128 : i32
        %dma_start3A_120 = arith.constant 0 : i32
        %dma_start3A_121 = tpu.memref_slice %arg6[%dma_start3A_120, %multiple_of3A_119] : memref<128x100000xf32, #tpu.memory_space<hbm>> -> memref<128x128xf32, #tpu.memory_space<hbm>>
        %dma_start3A_122 = arith.constant 0 : i32
        %dma_start3A_123 = tpu.memref_slice %arg6[%dma_start3A_122, %multiple_of3A_119] : memref<128x100000xf32, #tpu.memory_space<hbm>> -> memref<128x128xf32, #tpu.memory_space<hbm>>
        tpu.enqueue_dma source(%arg11 : memref<128x128xf32, #tpu.memory_space<vmem>>) target(%dma_start3A_123 : memref<128x128xf32, #tpu.memory_space<hbm>>) target_semaphore(%arg20 : memref<!tpu.dma_semaphore, #tpu.memory_space<semaphore_mem>>)
        %ge3A = arith.constant 1 : i32
        %ge3A_124 = arith.cmpi sge, %add3A_83, %ge3A : i32
        %convert_element_type3A_125 = arith.extui %ge3A_124 : i1 to i32
        %cond3A_126 = arith.constant 0 : i32
        %cond3A_127 = arith.cmpi ne, %convert_element_type3A_125, %cond3A_126 : i32
        scf.if %cond3A_127 {
          %sub3A = arith.constant 1 : i32
          %sub3A_134 = arith.subi %add3A_83, %sub3A : i32
          %mul3A_135 = arith.constant 128 : i32
          %mul3A_136 = arith.muli %sub3A_134, %mul3A_135 : i32
          %add3A_137 = arith.addi %multiple_of3A, %mul3A_136 : i32
          %multiple_of3A_138 = tpu.assume_multiple %add3A_137, 128 : i32
          %dma_wait3A_139 = arith.constant 0 : i32
          %dma_wait3A_140 = tpu.memref_slice %arg6[%dma_wait3A_139, %multiple_of3A_138] : memref<128x100000xf32, #tpu.memory_space<hbm>> -> memref<128x128xf32, #tpu.memory_space<hbm>>
          %dma_wait3A_141 = arith.constant 0 : i32
          %dma_wait3A_142 = tpu.memref_slice %arg6[%dma_wait3A_141, %multiple_of3A_138] : memref<128x100000xf32, #tpu.memory_space<hbm>> -> memref<128x128xf32, #tpu.memory_space<hbm>>
          tpu.wait_dma2 semaphore(%arg19 : memref<!tpu.dma_semaphore, #tpu.memory_space<semaphore_mem>>) src(%arg10 : memref<128x128xf32, #tpu.memory_space<vmem>>) dst(%dma_wait3A_142 : memref<128x128xf32, #tpu.memory_space<hbm>>)
        } else {
        }
        %add3A_128 = arith.constant 2 : i32
        %add3A_129 = arith.addi %add3A_83, %add3A_128 : i32
        %lt3A_130 = arith.cmpi slt, %add3A_129, %select_n3A : i32
        %convert_element_type3A_131 = arith.extui %lt3A_130 : i1 to i32
        %cond3A_132 = arith.constant 0 : i32
        %cond3A_133 = arith.cmpi ne, %convert_element_type3A_131, %cond3A_132 : i32
        scf.if %cond3A_133 {
          %add3A_134 = arith.constant 2 : i32
          %add3A_135 = arith.addi %add3A_83, %add3A_134 : i32
          %mul3A_136 = arith.constant 128 : i32
          %mul3A_137 = arith.muli %add3A_135, %mul3A_136 : i32
          %add3A_138 = arith.addi %multiple_of3A, %mul3A_137 : i32
          %multiple_of3A_139 = tpu.assume_multiple %add3A_138, 128 : i32
          %dma_start3A_140 = arith.constant 32 : i32
          %dma_start3A_141 = arith.constant 0 : i32
          %dma_start3A_142 = tpu.memref_slice %arg10[%dma_start3A_140, %dma_start3A_141] : memref<128x128xf32, #tpu.memory_space<vmem>> -> memref<16x128xf32, #tpu.memory_space<vmem>>
          %dma_start3A_143 = arith.constant 0 : i32
          %dma_start3A_144 = tpu.memref_slice %arg3[%dma_start3A_143, %multiple_of3A_139] : memref<16x100000xf32, #tpu.memory_space<hbm>> -> memref<16x128xf32, #tpu.memory_space<hbm>>
          %dma_start3A_145 = arith.constant 32 : i32
          %dma_start3A_146 = arith.constant 0 : i32
          %dma_start3A_147 = tpu.memref_slice %arg10[%dma_start3A_145, %dma_start3A_146] : memref<128x128xf32, #tpu.memory_space<vmem>> -> memref<16x128xf32, #tpu.memory_space<vmem>>
          %dma_start3A_148 = arith.constant 0 : i32
          %dma_start3A_149 = tpu.memref_slice %arg3[%dma_start3A_148, %multiple_of3A_139] : memref<16x100000xf32, #tpu.memory_space<hbm>> -> memref<16x128xf32, #tpu.memory_space<hbm>>
          tpu.enqueue_dma source(%dma_start3A_149 : memref<16x128xf32, #tpu.memory_space<hbm>>) target(%dma_start3A_147 : memref<16x128xf32, #tpu.memory_space<vmem>>) target_semaphore(%arg13 : memref<!tpu.dma_semaphore, #tpu.memory_space<semaphore_mem>>)
          %dma_start3A_150 = arith.constant 48 : i32
          %dma_start3A_151 = arith.constant 0 : i32
          %dma_start3A_152 = tpu.memref_slice %arg10[%dma_start3A_150, %dma_start3A_151] : memref<128x128xf32, #tpu.memory_space<vmem>> -> memref<80x128xf32, #tpu.memory_space<vmem>>
          %dma_start3A_153 = arith.constant 0 : i32
          %dma_start3A_154 = tpu.memref_slice %arg4[%dma_start3A_153, %multiple_of3A_139] : memref<80x100000xf32, #tpu.memory_space<hbm>> -> memref<80x128xf32, #tpu.memory_space<hbm>>
          %dma_start3A_155 = arith.constant 48 : i32
          %dma_start3A_156 = arith.constant 0 : i32
          %dma_start3A_157 = tpu.memref_slice %arg10[%dma_start3A_155, %dma_start3A_156] : memref<128x128xf32, #tpu.memory_space<vmem>> -> memref<80x128xf32, #tpu.memory_space<vmem>>
          %dma_start3A_158 = arith.constant 0 : i32
          %dma_start3A_159 = tpu.memref_slice %arg4[%dma_start3A_158, %multiple_of3A_139] : memref<80x100000xf32, #tpu.memory_space<hbm>> -> memref<80x128xf32, #tpu.memory_space<hbm>>
          tpu.enqueue_dma source(%dma_start3A_159 : memref<80x128xf32, #tpu.memory_space<hbm>>) target(%dma_start3A_157 : memref<80x128xf32, #tpu.memory_space<vmem>>) target_semaphore(%arg16 : memref<!tpu.dma_semaphore, #tpu.memory_space<semaphore_mem>>)
        } else {
        }
      } else {
      }
    }
    %scan3A_55 = arith.constant 9 : i32
    %not3A_56 = arith.constant true
    %not3A_57 = arith.xori %eq3A_3, %not3A_56 : i1
    %convert_element_type3A_58 = arith.extui %not3A_57 : i1 to i32
    %cond3A_59 = arith.constant 0 : i32
    %cond3A_60 = arith.cmpi ne, %convert_element_type3A_58, %cond3A_59 : i32
    scf.if %cond3A_60 {
      %add3A_64 = arith.constant 3072 : i32
      %add3A_65 = arith.addi %multiple_of3A, %add3A_64 : i32
      %multiple_of3A_66 = tpu.assume_multiple %add3A_65, 128 : i32
      %dma_wait3A = arith.constant 0 : i32
      %dma_wait3A_67 = tpu.memref_slice %arg6[%dma_wait3A, %multiple_of3A_66] : memref<128x100000xf32, #tpu.memory_space<hbm>> -> memref<128x128xf32, #tpu.memory_space<hbm>>
      %dma_wait3A_68 = arith.constant 0 : i32
      %dma_wait3A_69 = tpu.memref_slice %arg6[%dma_wait3A_68, %multiple_of3A_66] : memref<128x100000xf32, #tpu.memory_space<hbm>> -> memref<128x128xf32, #tpu.memory_space<hbm>>
      tpu.wait_dma2 semaphore(%arg18 : memref<!tpu.dma_semaphore, #tpu.memory_space<semaphore_mem>>) src(%arg9 : memref<128x128xf32, #tpu.memory_space<vmem>>) dst(%dma_wait3A_69 : memref<128x128xf32, #tpu.memory_space<hbm>>)
    } else {
    }
    %convert_element_type3A_61 = arith.extui %eq3A_3 : i1 to i32
    %cond3A_62 = arith.constant 0 : i32
    %cond3A_63 = arith.cmpi ne, %convert_element_type3A_61, %cond3A_62 : i32
    scf.if %cond3A_63 {
      %add3A_64 = arith.constant 640 : i32
      %add3A_65 = arith.addi %multiple_of3A, %add3A_64 : i32
      %multiple_of3A_66 = tpu.assume_multiple %add3A_65, 128 : i32
      %dma_wait3A = arith.constant 0 : i32
      %dma_wait3A_67 = tpu.memref_slice %arg6[%dma_wait3A, %multiple_of3A_66] : memref<128x100000xf32, #tpu.memory_space<hbm>> -> memref<128x128xf32, #tpu.memory_space<hbm>>
      %dma_wait3A_68 = arith.constant 0 : i32
      %dma_wait3A_69 = tpu.memref_slice %arg6[%dma_wait3A_68, %multiple_of3A_66] : memref<128x100000xf32, #tpu.memory_space<hbm>> -> memref<128x128xf32, #tpu.memory_space<hbm>>
      tpu.wait_dma2 semaphore(%arg20 : memref<!tpu.dma_semaphore, #tpu.memory_space<semaphore_mem>>) src(%arg11 : memref<128x128xf32, #tpu.memory_space<vmem>>) dst(%dma_wait3A_69 : memref<128x128xf32, #tpu.memory_space<hbm>>)
    } else {
    }
    return
  }
}

module attributes {stable_mosaic.version = 14 : i64} {
  func.func @body(%arg0: i32, %arg1: memref<1x32xi32, #tpu.memory_space<vmem>>, %arg2: memref<16x32xf32, #tpu.memory_space<vmem>>, %arg3: memref<80x32xf32, #tpu.memory_space<vmem>>, %arg4: memref<32x256xf32, #tpu.memory_space<vmem>>, %arg5: memref<128x100000xf32, #tpu.memory_space<any>>, %arg6: memref<128x128xf32, #tpu.memory_space<vmem>>) attributes {dimension_semantics = [#tpu.dimension_semantics<arbitrary>], iteration_bounds = array<i64: 1>, scalar_prefetch = 0 : i64, scratch_operands = 0 : i64, tpu.core_type = #tpu.core_type<tc>, window_params = [{pipeline_mode = #tpu.pipeline_mode<synchronous>, transform_indices = @transform_0, window_bounds = array<i64: 1, 32>}, {pipeline_mode = #tpu.pipeline_mode<synchronous>, transform_indices = @transform_1, window_bounds = array<i64: 16, 32>}, {pipeline_mode = #tpu.pipeline_mode<synchronous>, transform_indices = @transform_2, window_bounds = array<i64: 80, 32>}, {pipeline_mode = #tpu.pipeline_mode<synchronous>, transform_indices = @transform_3, window_bounds = array<i64: 32, 256>}, {}, {transform_indices = @transform_5, window_bounds = array<i64: 128, 128>}]} {
    %get3A = arith.constant 0 : index
    %get3A_0 = arith.constant 0 : index
    %get3A_1 = vector.load %arg1[%get3A, %get3A_0] : memref<1x32xi32, #tpu.memory_space<vmem>>, vector<1x32xi32>
    %get3A_2 = vector.shape_cast %get3A_1 : vector<1x32xi32> to vector<32xi32>
    %iota3A = tpu.iota {dimensions = array<i32: 0>} : vector<256x32xi32>
    %broadcast_in_dim3A = vector.shape_cast %get3A_2 : vector<32xi32> to vector<1x32xi32>
    %eq3A = vector.broadcast %broadcast_in_dim3A : vector<1x32xi32> to vector<256x32xi32>
    %eq3A_3 = arith.cmpi eq, %iota3A, %eq3A : vector<256x32xi32>
    %jit3A = arith.constant 1.000000e+00 : f32
    %jit3A_4 = arith.constant 0.000000e+00 : f32
    %broadcast_in_dim3A_5 = vector.broadcast %jit3A : f32 to vector<256x32xf32>
    %broadcast_in_dim3A_6 = vector.broadcast %jit3A_4 : f32 to vector<256x32xf32>
    %select_n3A = arith.select %eq3A_3, %broadcast_in_dim3A_5, %broadcast_in_dim3A_6 : vector<256x32xi1>, vector<256x32xf32>
    %get3A_7 = arith.constant 0 : index
    %get3A_8 = arith.constant 0 : index
    %get3A_9 = vector.load %arg4[%get3A_7, %get3A_8] : memref<32x256xf32, #tpu.memory_space<vmem>>, vector<32x256xf32>
    %dot_general3A = arith.constant dense<0.000000e+00> : vector<32x32xf32>
    %dot_general3A_10 = tpu.matmul %get3A_9, %select_n3A, %dot_general3A {dimension_numbers = #tpu.dot_dimension_numbers<[1], [0], [0], [1], [0, 0, 1, 1], [], []>, precision = #tpu.contract_precision<fp32>, transpose_lhs_hint = false} : vector<32x256xf32>, vector<256x32xf32>, vector<32x32xf32> -> vector<32x32xf32>
    %swap3A = arith.constant 0 : index
    %swap3A_11 = arith.constant 0 : index
    %swap3A_12 = vector.load %arg6[%swap3A, %swap3A_11] : memref<128x128xf32, #tpu.memory_space<vmem>>, vector<32x32xf32>
    tpu.vector_store %arg6[%swap3A, %swap3A_11], %dot_general3A_10 {strides = array<i32>} : memref<128x128xf32, #tpu.memory_space<vmem>>, vector<32x32xf32>,
    %get3A_13 = arith.constant 0 : index
    %get3A_14 = arith.constant 0 : index
    %get3A_15 = vector.load %arg2[%get3A_13, %get3A_14] : memref<16x32xf32, #tpu.memory_space<vmem>>, vector<16x32xf32>
    %swap3A_16 = arith.constant 32 : index
    %swap3A_17 = arith.constant 0 : index
    %swap3A_18 = vector.load %arg6[%swap3A_16, %swap3A_17] : memref<128x128xf32, #tpu.memory_space<vmem>>, vector<16x32xf32>
    tpu.vector_store %arg6[%swap3A_16, %swap3A_17], %get3A_15 {strides = array<i32>} : memref<128x128xf32, #tpu.memory_space<vmem>>, vector<16x32xf32>,
    %get3A_19 = arith.constant 0 : index
    %get3A_20 = arith.constant 0 : index
    %get3A_21 = vector.load %arg3[%get3A_19, %get3A_20] : memref<80x32xf32, #tpu.memory_space<vmem>>, vector<80x32xf32>
    %swap3A_22 = arith.constant 48 : index
    %swap3A_23 = arith.constant 0 : index
    %swap3A_24 = vector.load %arg6[%swap3A_22, %swap3A_23] : memref<128x128xf32, #tpu.memory_space<vmem>>, vector<80x32xf32>
    tpu.vector_store %arg6[%swap3A_22, %swap3A_23], %get3A_21 {strides = array<i32>} : memref<128x128xf32, #tpu.memory_space<vmem>>, vector<80x32xf32>,
    return
  }
  func.func @transform_0(%arg0: i32) -> (i32, i32) {
    %c0_i32 = arith.constant 0 : i32
    %c0_i32_0 = arith.constant 0 : i32
    %c0_i32_1 = arith.constant 0 : i32
    return %c0_i32, %c0_i32_0 : i32, i32
  }
  func.func @transform_1(%arg0: i32) -> (i32, i32) {
    %c0_i32 = arith.constant 0 : i32
    %c0_i32_0 = arith.constant 0 : i32
    %c0_i32_1 = arith.constant 0 : i32
    return %c0_i32, %c0_i32_0 : i32, i32
  }
  func.func @transform_2(%arg0: i32) -> (i32, i32) {
    %c0_i32 = arith.constant 0 : i32
    %c0_i32_0 = arith.constant 0 : i32
    %c0_i32_1 = arith.constant 0 : i32
    return %c0_i32, %c0_i32_0 : i32, i32
  }
  func.func @transform_3(%arg0: i32) -> (i32, i32) {
    %c0_i32 = arith.constant 0 : i32
    %c0_i32_0 = arith.constant 0 : i32
    %c0_i32_1 = arith.constant 0 : i32
    return %c0_i32, %c0_i32_0 : i32, i32
  }
  func.func @transform_5(%arg0: i32) -> (i32, i32) {
    %c0_i32 = arith.constant 0 : i32
    %c781_i32 = arith.constant 781 : i32
    %c0_i32_0 = arith.constant 0 : i32
    return %c0_i32, %c781_i32 : i32, i32
  }
}

</mosaic_0001>

<sc_bundles>
// kernel: kernel.4.cloned.1.call-start
scs
__scs_entry_jumppad:
0x0: {  	(pc) =	sbr.rel $0x88, $3  }
0x1: {  	(tag) =	ssettag $0x0;
	lr =	simm.s32 $0x1  }
0x2: {  	[smem:$0x3F9D] =	sst lr;
	_ =	strace $0xD0000000  }
0x3: {  	_ = 	snop  }
0x4: {  	_ = 	snop  }
0x5: {  	_ = 	snop  }
0x6: {  	_ = 	snop  }
0x7: {  	_ = 	snop  }
__scs_overlays_trampoline_lowered:
0x8: {  	[smem:$0x3FAC] =	sst s0  }
0x9: {  	[smem:$0x3FAD] =	sst s1  }
0xa: {  	[smem:$0x3FAE] =	sst s2  }
0xb: {  	[smem:$0x3FAF] =	sst s3  }
0xc: {  	[smem:$0x3FB0] =	sst s4  }
0xd: {  	[smem:$0x3FB1] =	sst s5  }
0xe: {  	[smem:$0x3FB2] =	sst s6  }
0xf: {  	[smem:$0x3FB3] =	sst s7  }
0x10: {  	[smem:$0x3FB4] =	sst s8  }
0x11: {  	[smem:$0x3FB5] =	sst s9;
	s0 =	simm.s32 @!p0 $0x0  }
0x12: {  	s1 =	sld [smem:$0x3F9B];
	s0 =	simm.s32 @p0 $0x1  }
0x13: {  	[smem:$0x3FB6] =	sst s0;
	s0 =	simm.s32 @!p1 $0x0  }
0x14: {  	s2 =	sld [smem:$0x3F9A];
	s0 =	simm.s32 @p1 $0x1  }
0x15: {  	[smem:$0x3FB7] =	sst s0;
	s0 =	simm.s32 @!p2 $0x0  }
0x16: {  	s3 =	sld [smem:$0x3FDB];
	s0 =	simm.s32 @p2 $0x1  }
0x17: {  	s4 =	simm.s32 $0x1BF5;
	[smem:$0x3FB9] =	sst s0  }
0x18: {  	s0 =	sld [smem:$0x3F9C];
	_ =	swait.ge [sflag:s4], $0x0  }
0x19: {  	s7 =	sld [smem:$0x3F9D]  }
0x1a: {  	s8 =	sadd.s32 $0xFFFFE003, lr  }
0x1b: {  	s9 =	sadd.s32 $0xFFFFFEF7, lr;
	s5 =	simm.s32 $0xFFFFFFFF;
	p2 =	slt.u32 s8, $0xFFFFF086  }
0x1c: {  	p1 =	slt.u32 s9, $0xF7A;
	s5 =	simm.s32 @!p2 $0x0  }
0x1d: {  	s5 =	simm.s32 @p1 $0x1;
	p0 =	seq.s32 s7, s2  }
0x1e: {  	s7 =	smul.u32 @!p0 $0xF7A, s2;
	p2 =	seq.s32 @!p0 s5, $0x0  }
0x1f: {  	s9 =	smul.u32 $0xF7A, s1;
	s8 =	simm.s32 @!p0 $0x1BF5;
	p2 =	por !p2, p0  }
0x20: {  	[sflag:s8] =	ssyncset.s32 @!p0 $0xFFFFF086;
	s6 =	sadd.s32 @!p0 s3, s7;
	s7 =	simm.s32 @!p0 $0x108  }
0x21: {  	s3 =	sadd.s32 s3, s9;
	s6 =	sadd.s32 @!p0 $0x88, s6;
	s7 =	simm.s32 @p2 $0x1082  }
0x22: {  	[simem:s7], [sflag:s8] =	dma.local @!p0 [hbm:s6], $0xF7A  }
0x23: {  	s9 =	sor.u32 $0xD0000000, s2;
	s6 =	simm.s32 $0x108;
	_ =	swait.ge @!p0 [sflag:s8], $0x0  }
0x24: {  	s3 =	sadd.s32 $0x88, s3;
	s6 =	simm.s32 @!p1 $0x1082;
	[sflag:s4] =	ssyncset.s32 $0xFFFFF086  }
0x25: {  	[simem:s6], [sflag:s4] =	dma.local [hbm:s3], $0xF7A  }
0x26: {  	[smem:$0x3F9D] =	sst s1;
	(tag) =	ssettag s2;
	_ =	strace s9  }
0x27: {  	s1 =	sld [smem:$0x3FAD]  }
0x28: {  	s2 =	sld [smem:$0x3FAE]  }
0x29: {  	s4 =	sld [smem:$0x3FB0]  }
0x2a: {  	p0 =	seq.s32 s5, $0x0;
	s5 =	sld [smem:$0x3FB1]  }
0x2b: {  	s6 =	sld [smem:$0x3FB2]  }
0x2c: {  	s7 =	sld [smem:$0x3FB3]  }
0x2d: {  	s3 =	simm.s32 $0x108;
	s8 =	sld [smem:$0x3FB4]  }
0x2e: {  	s3 =	simm.s32 @!p0 $0x1082;
	s9 =	sld [smem:$0x3FB5]  }
0x2f: {  	lr =	sadd.s32 s0, s3;
	s0 =	sld [smem:$0x3FAC]  }
0x30: {  	s3 =	sld [smem:$0x3FAF]  }
0x31: {  	[smem:$0x3FB8] =	sst s10  }
0x32: {  	s10 =	sld [smem:$0x3FB6];
	_ =	sdelay $0x3  }
0x33: {  	p0 =	seq.s32 s10, $0x1;
	s10 =	sld [smem:$0x3FB8];
	_ =	sdelay $0x3  }
0x34: {  	[smem:$0x3FB8] =	sst s10  }
0x35: {  	s10 =	sld [smem:$0x3FB7];
	_ =	sdelay $0x3  }
0x36: {  	p1 =	seq.s32 s10, $0x1;
	s10 =	sld [smem:$0x3FB8];
	_ =	sdelay $0x3  }
0x37: {  	[smem:$0x3FB8] =	sst s10  }
0x38: {  	s10 =	sld [smem:$0x3FB9]  }
0x39: {  	_ = 	snop;
	(pc) =	sbr.ind lr, $3  }
0x3a: {  	_ = 	snop  }
0x3b: {  	_ = 	snop  }
0x3c: {  	p2 =	seq.s32 s10, $0x1;
	s10 =	sld [smem:$0x3FB8]  }
0x3d: {  	_ =	shalt  }
0x3e: {  	_ =	shalt  }
0x3f: {  	_ =	shalt  }
0x40: {  	_ =	shalt  }
0x41: {  	_ =	shalt  }
0x42: {  	_ =	shalt  }
0x43: {  	_ =	shalt  }
0x44: {  	_ =	shalt  }
0x45: {  	_ =	shalt  }
0x46: {  	_ =	shalt  }
0x47: {  	_ =	shalt  }
0x48: {  	_ =	shalt  }
0x49: {  	_ =	shalt  }
0x4a: {  	_ =	shalt  }
0x4b: {  	_ =	shalt  }
0x4c: {  	_ =	shalt  }
0x4d: {  	_ =	shalt  }
0x4e: {  	_ =	shalt  }
0x4f: {  	_ =	shalt  }
0x50: {  	_ =	shalt  }
0x51: {  	_ =	shalt  }
0x52: {  	_ =	shalt  }
0x53: {  	_ =	shalt  }
0x54: {  	_ =	shalt  }
0x55: {  	_ =	shalt  }
0x56: {  	_ =	shalt  }
0x57: {  	_ =	shalt  }
0x58: {  	_ =	shalt  }
0x59: {  	_ =	shalt  }
0x5a: {  	_ =	shalt  }
0x5b: {  	_ =	shalt  }
0x5c: {  	_ =	shalt  }
0x5d: {  	_ =	shalt  }
0x5e: {  	_ =	shalt  }
0x5f: {  	_ =	shalt  }
0x60: {  	_ =	shalt  }
0x61: {  	_ =	shalt  }
0x62: {  	_ =	shalt  }
0x63: {  	_ =	shalt  }
0x64: {  	_ =	shalt  }
0x65: {  	_ =	shalt  }
0x66: {  	_ =	shalt  }
0x67: {  	_ =	shalt  }
0x68: {  	_ =	shalt  }
0x69: {  	_ =	shalt  }
0x6a: {  	_ =	shalt  }
0x6b: {  	_ =	shalt  }
0x6c: {  	_ =	shalt  }
0x6d: {  	_ =	shalt  }
0x6e: {  	_ =	shalt  }
0x6f: {  	_ =	shalt  }
0x70: {  	_ =	shalt  }
0x71: {  	_ =	shalt  }
0x72: {  	_ =	shalt  }
0x73: {  	_ =	shalt  }
0x74: {  	_ =	shalt  }
0x75: {  	_ =	shalt  }
0x76: {  	_ =	shalt  }
0x77: {  	_ =	shalt  }
0x78: {  	_ =	shalt  }
0x79: {  	_ =	shalt  }
0x7a: {  	_ =	shalt  }
0x7b: {  	_ =	shalt  }
0x7c: {  	_ =	shalt  }
0x7d: {  	_ =	shalt  }
0x7e: {  	_ =	shalt  }
0x7f: {  	_ =	shalt  }
0x80: {  	_ =	shalt  }
0x81: {  	_ =	shalt  }
0x82: {  	_ =	shalt  }
0x83: {  	_ =	shalt  }
0x84: {  	_ =	shalt  }
0x85: {  	_ =	shalt  }
0x86: {  	_ =	shalt  }
0x87: {  	_ =	shalt  }
.Lfunc_end0:
.L_simem_size_0:
called_computation.1_lowered:
.L_overlay_start_0:
0x88: {  	s2 =	sld [smem:$0x3FD9]  }
0x89: {  	s3 =	sld [smem:$0x3FFE];
	_ =	sdelay $0x1  }
0x8a: {  	s1 =	srdreg.scid  }
0x8b: {  	s0 =	sand.u32 $0x1, s1  }
0x8c: {  	s17 =	sshll.u32 s0, $0xA;
	s2 =	sadd.s32 s3, s2  }
0x8d: {  	s2 =	sadd.s32 s2, s17  }
0x8e: {  	[smem:$0x3FC4] =	sst s2  }
0x8f: {  	_ = 	snop  }
0x90: {  	s2 =	sld [smem:$0x3FC9]  }
0x91: {  	s18 =	sld [smem:$0x3FC8]  }
0x92: {  	s4 =	sld [smem:$0x3FC7]  }
0x93: {  	s5 =	sld [smem:$0x3FC6];
	(tm) =	ssettm $0x1  }
0x94: {  	s6 =	sld [smem:$0x3FFB];
	_ =	sdelay $0x3  }
0x95: {  	_ =	strace s6  }
0x96: {  	s6 =	sld [smem:$0x3FFC];
	_ =	sdelay $0x3  }
0x97: {  	_ =	strace s6  }
0x98: {  	s6 =	sld [smem:$0x3FFD];
	_ =	sdelay $0x3  }
0x99: {  	_ =	strace s6  }
0x9a: {  	_ =	strace $0x8FFFFFFF  }
0x9b: {  	s19 =	sld [smem:$0x3FDB];
	_ =	sdelay $0x1  }
0x9c: {  	s7 =	simm.s32 $_scs_section_size  }
0x9d: {  	s8 =	simm.s32 $_size__tile_overlayer_lowered;
	s9 =	simm.s32 $_tile_overlayer_lowered  }
0x9e: {  	s22 =	simm.s32 $0x1BFF;
	s21 =	sshll.u32 s9, $0x1;
	s6 =	sadd.s32 s7, s19  }
0x9f: {  	s10 =	simm.s32 $0x0;
	s20 =	sshll.u32 s8, $0x1;
	s8 =	sadd.s32 s21, s6  }
0xa0: {  	[timem:s10], [sflag:s22] =	dma.local [hbm:s8], s20  }
0xa1: {  	_ =	swait.ge [sflag:s22], s20  }
0xa2: {  	s7 =	ssub.s32 $0x0, s20;
	[sflag:s22] =	ssyncset.done $0x0  }
0xa3: {  	[sflag:s22] =	ssyncadd.s32 s7;
	_ =	sdelay $0x1  }
0xa4: {  	s23 =	simm.s32 $0x1B8B  }
0xa5: {  	_ =	swait.ge [sflag:s23], $0x1  }
0xa6: {  	[sflag:s23] =	ssyncset.done $0x0  }
0xa7: {  	s25 =	simm.s32 $0x1B8E;
	s24 =	sld [smem:$0x3FFE];
	[sflag:s23] =	ssyncadd.s32 $0xFFFFFFFF  }
0xa8: {  	s26 =	simm.s32 $execute0_lowered;
	[smem:$0x3FD2] =	sst s25  }
0xa9: {  	s8 =	sshll.u32 s26, $0x1;
	_ =	strace $0x80000046;
	[dreg:$0x1] =	wrdreg $0xFFFFFFFF  }
0xaa: {  	s28 =	simm.s32 $_size_execute0_lowered;
	s6 =	sadd.s32 s6, s8;
	[dreg:$0x0] =	wrdreg $0x0  }
0xab: {  	s8 =	sshll.u32 s28, $0x1;
	[dreg:$0x2] =	wrdreg s6  }
0xac: {  	[dreg:$0x3] =	wrdreg s8  }
0xad: {  	[dreg:$0x4] =	wrdreg $0xC0  }
0xae: {  	_ =	task [dreg:s10], $0x5FFFF  }
0xaf: {  	[dreg:$0x1] =	wrdreg $0xFFFFFFFF  }
0xb0: {  	[dreg:$0x0] =	wrdreg $0x60  }
0xb1: {  	[dreg:$0x2] =	wrdreg s2  }
0xb2: {  	[dreg:$0x3] =	wrdreg s18  }
0xb3: {  	[dreg:$0x4] =	wrdreg s4  }
0xb4: {  	[dreg:$0x5] =	wrdreg s5  }
0xb5: {  	[dreg:$0x6] =	wrdreg s24  }
0xb6: {  	[dreg:$0x7] =	wrdreg $0x9  }
0xb7: {  	_ =	task.clear_ibuf [dreg:s10], $0x8FFFF;
	_ =	strace $0x90000046  }
0xb8: {  	s29 =	simm.s32 $0x9;
	_ =	strace $0x80000048  }
0xb9: {  	_ =	swait.ge [sflag:s29], $0x1  }
0xba: {  	[sflag:s29] =	ssyncadd.s32 $0xFFFFFFFF  }
0xbb: {  	_ =	strace $0x90000048  }
0xbc: {  	_ =	sfence  }
0xbd: {  	s30 =	sld [smem:$0x0];
	_ =	sdelay $0x2  }
0xbe: {  	s31 =	sshll.u32 s1, $0xD;
	s1 =	sshrl.u32 s1, $0x2  }
0xbf: {  	s3 =	sand.u32 $0x4000, s31;
	s1 =	sadd.s32 s1, s30  }
0xc0: {  	s0 =	sor.u32 s3, s0;
	s1 =	sshll.u32 s1, $0x11  }
0xc1: {  	s0 =	sor.u32 s1, s0  }
0xc2: {  	s0 =	sadd.s32 $0x8F2B, s0  }
0xc3: {  	[sflag:s0] =	ssyncadd.remote.s32 $0x1  }
0xc4: {  	_ =	sfence.sel $0xFFFF  }
0xc5: {  	[dreg:$0x0] =	wrdreg $0xFFFFFFFF;
	(pc) =	sbr.abs _section_cstart, $3  }
0xc6: {  	[dreg:$0x1] =	wrdreg $0xFFFFFFFF  }
0xc7: {  	_ =	task.clear_ibuf [dreg:s10], $0x2FFFF;
	_ =	strace $0x9FFFFFFF  }
0xc8: {  	(tm) =	ssettm $0x7FFFFFFF  }
0xc9: {  	_ =	shalt  }
tec
execute0_lowered:
.L_overlay_start_1:
0x0: {  	(tag) =	ssettag $0x1  }
0x1: {  	s0 =	rddreg [dreg:$0x0]  }
0x2: {  	s1 =	rddreg [dreg:$0x1]  }
0x3: {  	s2 =	rddreg [dreg:$0x2];
	s3 =	srdreg.scid  }
0x4: {  	s5 =	stileid.u32;
	s4 =	rddreg [dreg:$0x4];
	s6 =	simm.s32 $0x0  }
0x5: {  	s8 =	simm.s32 $0x6;
	s18 =	simm.s32 $0x400;
	s19 =	simm.s32 $0xC3800  }
0x6: {  	s28 =	simm.s32 $0x4;
	s29 =	simm.s32 $0x2C80;
	s30 =	simm.s32 $0x2  }
0x7: {  	s31 =	simm.s32 $0x5;
	s20 =	simm.s32 $0xAC80;
	s21 =	simm.s32 $0x8  }
0x8: {  	s22 =	simm.s32 $0x0;
	s3 =	sand.u32 $0x1, s3;
	s5 =	sshll.u32 s5, $0x1  }
0x9: {  	[smem:$0x7FF] =	sst s6;
	s5 =	sor.u32 s3, s5;
	s3 =	ssub.s32 $0x2, s3  }
0xa: {  	_ =	strace $0x80000047;
	s6 =	smul.u32 $0xC80, s5;
	s7 =	sshrl.u32 s3, $0x1  }
0xb: {  	s9 =	smul.u32 $0x6400, s5;
	p0 =	seq.s32 s5, $0x1F;
	s3 =	ssub.s32 s3, s7  }
0xc: {  	s7 =	simm.s32 $0x6;
	s8 =	simm.s32 @!p0 $0x19;
	s4 =	sadd.s32 s6, s4  }
0xd: {  	s23 =	sadd.s32 s1, s6;
	s24 =	sshrl.u32 s9, $0x3;
	s25 =	sadd.s32 s2, s6  }
0xe: {  	s26 =	sshrl.u32 s6, $0x3;
	s3 =	smax.u32 s3, $0x1;
	[dreg:$0x6] =	wrdreg s23  }
0xf: {  	[dreg:$0x7] =	wrdreg s25;
	s5 =	sadd.s32 $0x80, s24;
	s0 =	sadd.s32 s0, s26  }
0x10: {  	s15 =	sadd.s32 $0xA00, s4;
	[dreg:$0xd] =	wrdreg s3;
	s24 =	simm.s32 $0xC80  }
.Ltmp0:
0x11: {  	s10 =	sadd.s32 s1, s5;
	[dreg:$0xa] =	wrdreg s0;
	(pc) =	sbr.rel .LBB2_1-.Ltmp0, $4  }
0x12: {  	s26 =	simm.s32 $0x1;
	s0 =	sadd.s32 $0x60, s0;
	[dreg:$0x8] =	wrdreg s10  }
0x13: {  	s5 =	sadd.s32 s2, s5;
	[dreg:$0xb] =	wrdreg s0;
	s0 =	simm.s32 $0x9  }
0x14: {  	s3 =	simm.s32 $0x6C80;
	[dreg:$0x9] =	wrdreg s5;
	s0 =	simm.s32 @!p0 $0x7  }
0x15: {  	s4 =	simm.s32 $0x3;
	[dreg:$0xc] =	wrdreg s0;
	s0 =	simm.s32 $0x7  }
.LBB2_15:
0x16: {  	s5 =	rddreg [dreg:$0xc]  }
0x17: {  	_ =	swait.ge [sflag:s5], $0x4000  }
0x18: {  	s22 =	sadd.s32 $0x1, s22;
	s9 =	rddreg [dreg:$0xd]  }
0x19: {  	p1 =	sne.s32 s22, s9  }
.Ltmp1:
0x1a: {  	_ = 	snop;
	(pc) =	sbr.rel @!p1 .LBB2_16-.Ltmp1, $3  }
0x1b: {  	_ =	sdelay $0x1  }
0x1c: {  	[sflag:s5] =	ssyncset.done $0x0  }
0x1d: {  	[sflag:s5] =	ssyncadd.s32 $0xFFFFC000  }
.LBB2_1:
0x1e: {  	s5 =	rddreg [dreg:$0x6];
	s9 =	simm.s32 $0x3C80  }
0x1f: {  	[tilespmem:s9], [sflag:$0x1] =	stream.strided.gather [hbm4b:s5+s18], $0x800, s19, s18, $0x38;
	[tilespmem:$0xEC80] =	vst v63  }
0x20: {  	s10 =	rddreg [dreg:$0x7];
	s11 =	simm.s32 $0x4480  }
0x21: {  	[tilespmem:s11], [sflag:$0x4] =	stream.strided.gather [hbm4b:s10+s18], $0x2800, s19, s18, $0x38;
	[tilespmem:$0xEC80] =	vst v63  }
0x22: {  	s12 =	rddreg [dreg:$0x8];
	s13 =	simm.s32 $0x7C80  }
0x23: {  	[tilespmem:s13], [sflag:$0x2] =	stream.strided.gather [hbm4b:s12+s18], $0x800, s19, s18, $0x38;
	[tilespmem:$0xEC80] =	vst v63  }
0x24: {  	s14 =	rddreg [dreg:$0x9];
	s16 =	simm.s32 $0x8480  }
0x25: {  	[tilespmem:s16], [sflag:$0x5] =	stream.strided.gather [hbm4b:s14+s18], $0x2800, s19, s18, $0x38;
	[tilespmem:$0xEC80] =	vst v63  }
0x26: {  	s17 =	rddreg [dreg:$0x3];
	s23 =	simm.s32 $0x0;
	s10 =	simm.s32 $0xA  }
0x27: {  	[tilespmem:s24], [sflag:$0xA] =	stream.linear.gather [hbm4b:s17+s23], $0x2000, $0x38;
	[tilespmem:$0xEC80] =	vst v63  }
0x28: {  	_ =	swait.ge [sflag:s10], $0x2000  }
0x29: {  	[sflag:s10] =	ssyncset.done $0x0  }
0x2a: {  	s25 =	rddreg [dreg:$0xa];
	[sflag:s10] =	ssyncadd.s32 $0xFFFFE000  }
0x2b: {  	[tilespmem:s23], [sflag:$0xA] =	stream.linear.gather [hbm4b:s25+s23], $0x300, $0x38;
	[tilespmem:$0xEC80] =	vst v63  }
0x2c: {  	_ =	swait.ge [sflag:s10], $0x300  }
0x2d: {  	s5 =	simm.s32 @!p0 $0x0;
	[sflag:s10] =	ssyncset.done $0x0  }
0x2e: {  	s9 =	simm.s32 @!p0 $0x300;
	[sflag:s10] =	ssyncadd.s32 $0xFFFFFD00;
	s10 =	rddreg [dreg:$0xb]  }
0x2f: {  	[tilespmem:s9], [sflag:$0xA] =	stream.linear.gather @!p0 [hbm4b:s10+s5], $0x980, $0x38;
	[tilespmem:$0xEC80] =	vst v63  }
.Ltmp2:
0x30: {  	_ = 	snop;
	(pc) =	sbr.rel .LBB2_2-.Ltmp2, $4  }
0x31: {  	s5 =	simm.s32 @!p0 $0xA  }
0x32: {  	_ =	swait.ge @!p0 [sflag:s5], $0x980  }
0x33: {  	s23 =	simm.s32 $0x80;
	s9 =	simm.s32 $0x0;
	[sflag:s5] =	ssyncset.done @!p0 $0x0  }
0x34: {  	s10 =	simm.s32 $0x0;
	[sflag:s5] =	ssyncadd.s32 @!p0 $0xFFFFF680;
	s5 =	simm.s32 $0x100  }
.LBB2_14:
0x35: {  	s10 =	sadd.s32 $0x1, s10  }
0x36: {  	p1 =	sne.s32 s10, $0x9  }
.Ltmp3:
0x37: {  	_ = 	snop;
	(pc) =	sbr.rel @!p1 .LBB2_15-.Ltmp3, $2  }
0x38: {  	_ =	sdelay $0x2  }
0x39: {  	s9 =	sadd.s32 $0x180, s9;
	s23 =	sadd.s32 $0x180, s23;
	s5 =	sadd.s32 $0x180, s5  }
.LBB2_2:
0x3a: {  	s11 =	smul.u32 $0x3, s10;
	_ =	sdelay $0x1  }
0x3b: {  	p1 =	sge.u32 s11, s8  }
.Ltmp4:
0x3c: {  	_ = 	snop;
	(pc) =	sbr.rel @p1 .LBB2_6-.Ltmp4, $1  }
0x3d: {  	_ =	sdelay $0x3  }
0x3e: {  	s12 =	sadd.s32 $0x0, s9  }
0x3f: {  	v0 =	vld [tilespmem:s12+$0x0];
	_ =	sdelay $0x4  }
0x40: {  	v1 =	vshll.u32 v0, $0x3  }
0x41: {  	v0 =	vand.u32 $0x7F, v0;
	v1 =	vand.u32 $0xFFFFFC00, v1  }
0x42: {  	v0 =	vor.u32 v0, v1;
	_ =	sdelay $0x4  }
0x43: {  	v1 =	vld.idx.msk [tilespmem:v0+s24+$0x0], $0xffff  }
0x44: {  	v2 =	vor.u32 $0x80, v0;
	_ =	sdelay $0x2  }
0x45: {  	s12 =	simm.s32 $0x0  }
0x46: {  	[tilespmem:s12+$0x2C80] =	vst v1  }
0x47: {  	v1 =	vld.idx.msk [tilespmem:v2+s24+$0x0], $0xffff  }
0x48: {  	v2 =	vor.u32 $0x100, v0;
	_ =	sdelay $0x3  }
0x49: {  	[tilespmem:s12+$0x2D00] =	vst v1  }
0x4a: {  	v1 =	vld.idx.msk [tilespmem:v2+s24+$0x0], $0xffff  }
0x4b: {  	v2 =	vor.u32 $0x180, v0;
	_ =	sdelay $0x3  }
0x4c: {  	[tilespmem:s12+$0x2D80] =	vst v1  }
0x4d: {  	v1 =	vld.idx.msk [tilespmem:v2+s24+$0x0], $0xffff  }
0x4e: {  	v2 =	vor.u32 $0x200, v0;
	_ =	sdelay $0x3  }
0x4f: {  	[tilespmem:s12+$0x2E00] =	vst v1  }
0x50: {  	v1 =	vld.idx.msk [tilespmem:v2+s24+$0x0], $0xffff  }
0x51: {  	v2 =	vor.u32 $0x280, v0;
	_ =	sdelay $0x3  }
0x52: {  	[tilespmem:s12+$0x2E80] =	vst v1  }
0x53: {  	v1 =	vld.idx.msk [tilespmem:v2+s24+$0x0], $0xffff  }
0x54: {  	v2 =	vor.u32 $0x300, v0;
	_ =	sdelay $0x3  }
0x55: {  	[tilespmem:s12+$0x2F00] =	vst v1  }
0x56: {  	v1 =	vld.idx.msk [tilespmem:v2+s24+$0x0], $0xffff  }
0x57: {  	v2 =	vor.u32 $0x380, v0;
	_ =	sdelay $0x3  }
0x58: {  	[tilespmem:s12+$0x2F80] =	vst v1  }
0x59: {  	v1 =	vld.idx.msk [tilespmem:v2+s24+$0x0], $0xffff  }
0x5a: {  	v2 =	vadd.s32 $0x800, v0;
	_ =	sdelay $0x3  }
0x5b: {  	[tilespmem:s12+$0x3000] =	vst v1  }
0x5c: {  	v1 =	vld.idx.msk [tilespmem:v2+s24+$0x0], $0xffff  }
0x5d: {  	v2 =	vadd.s32 $0x880, v0;
	_ =	sdelay $0x3  }
0x5e: {  	[tilespmem:s12+$0x3080] =	vst v1  }
0x5f: {  	v1 =	vld.idx.msk [tilespmem:v2+s24+$0x0], $0xffff  }
0x60: {  	v2 =	vadd.s32 $0x900, v0;
	_ =	sdelay $0x3  }
0x61: {  	[tilespmem:s12+$0x3100] =	vst v1  }
0x62: {  	v1 =	vld.idx.msk [tilespmem:v2+s24+$0x0], $0xffff  }
0x63: {  	v2 =	vadd.s32 $0x980, v0;
	_ =	sdelay $0x3  }
0x64: {  	[tilespmem:s12+$0x3180] =	vst v1  }
0x65: {  	v1 =	vld.idx.msk [tilespmem:v2+s24+$0x0], $0xffff  }
0x66: {  	v2 =	vadd.s32 $0xA00, v0;
	_ =	sdelay $0x3  }
0x67: {  	[tilespmem:s12+$0x3200] =	vst v1  }
0x68: {  	v1 =	vld.idx.msk [tilespmem:v2+s24+$0x0], $0xffff  }
0x69: {  	v2 =	vadd.s32 $0xA80, v0;
	_ =	sdelay $0x3  }
0x6a: {  	[tilespmem:s12+$0x3280] =	vst v1  }
0x6b: {  	v1 =	vld.idx.msk [tilespmem:v2+s24+$0x0], $0xffff  }
0x6c: {  	v2 =	vadd.s32 $0xB00, v0;
	_ =	sdelay $0x3  }
0x6d: {  	[tilespmem:s12+$0x3300] =	vst v1  }
0x6e: {  	v1 =	vld.idx.msk [tilespmem:v2+s24+$0x0], $0xffff  }
0x6f: {  	v2 =	vadd.s32 $0xB80, v0;
	_ =	sdelay $0x3  }
0x70: {  	[tilespmem:s12+$0x3380] =	vst v1  }
0x71: {  	v1 =	vld.idx.msk [tilespmem:v2+s24+$0x0], $0xffff  }
0x72: {  	v2 =	vadd.s32 $0x1000, v0;
	_ =	sdelay $0x3  }
0x73: {  	[tilespmem:s12+$0x3400] =	vst v1  }
0x74: {  	v1 =	vld.idx.msk [tilespmem:v2+s24+$0x0], $0xffff  }
0x75: {  	v2 =	vadd.s32 $0x1080, v0;
	_ =	sdelay $0x3  }
0x76: {  	[tilespmem:s12+$0x3480] =	vst v1  }
0x77: {  	v1 =	vld.idx.msk [tilespmem:v2+s24+$0x0], $0xffff  }
0x78: {  	v2 =	vadd.s32 $0x1100, v0;
	_ =	sdelay $0x3  }
0x79: {  	[tilespmem:s12+$0x3500] =	vst v1  }
0x7a: {  	v1 =	vld.idx.msk [tilespmem:v2+s24+$0x0], $0xffff  }
0x7b: {  	v2 =	vadd.s32 $0x1180, v0;
	_ =	sdelay $0x3  }
0x7c: {  	[tilespmem:s12+$0x3580] =	vst v1  }
0x7d: {  	v1 =	vld.idx.msk [tilespmem:v2+s24+$0x0], $0xffff  }
0x7e: {  	v2 =	vadd.s32 $0x1200, v0;
	_ =	sdelay $0x3  }
0x7f: {  	[tilespmem:s12+$0x3600] =	vst v1  }
0x80: {  	v1 =	vld.idx.msk [tilespmem:v2+s24+$0x0], $0xffff  }
0x81: {  	v2 =	vadd.s32 $0x1280, v0;
	_ =	sdelay $0x3  }
0x82: {  	[tilespmem:s12+$0x3680] =	vst v1  }
0x83: {  	v1 =	vld.idx.msk [tilespmem:v2+s24+$0x0], $0xffff  }
0x84: {  	v2 =	vadd.s32 $0x1300, v0;
	_ =	sdelay $0x3  }
0x85: {  	[tilespmem:s12+$0x3700] =	vst v1  }
0x86: {  	v1 =	vld.idx.msk [tilespmem:v2+s24+$0x0], $0xffff  }
0x87: {  	v2 =	vadd.s32 $0x1380, v0;
	_ =	sdelay $0x3  }
0x88: {  	[tilespmem:s12+$0x3780] =	vst v1  }
0x89: {  	v1 =	vld.idx.msk [tilespmem:v2+s24+$0x0], $0xffff  }
0x8a: {  	v2 =	vadd.s32 $0x1800, v0;
	_ =	sdelay $0x3  }
0x8b: {  	[tilespmem:s12+$0x3800] =	vst v1  }
0x8c: {  	v1 =	vld.idx.msk [tilespmem:v2+s24+$0x0], $0xffff  }
0x8d: {  	v2 =	vadd.s32 $0x1880, v0;
	_ =	sdelay $0x3  }
0x8e: {  	[tilespmem:s12+$0x3880] =	vst v1  }
0x8f: {  	v1 =	vld.idx.msk [tilespmem:v2+s24+$0x0], $0xffff  }
0x90: {  	v2 =	vadd.s32 $0x1900, v0;
	_ =	sdelay $0x3  }
0x91: {  	[tilespmem:s12+$0x3900] =	vst v1  }
0x92: {  	v1 =	vld.idx.msk [tilespmem:v2+s24+$0x0], $0xffff  }
0x93: {  	v2 =	vadd.s32 $0x1980, v0;
	_ =	sdelay $0x3  }
0x94: {  	[tilespmem:s12+$0x3980] =	vst v1  }
0x95: {  	v1 =	vld.idx.msk [tilespmem:v2+s24+$0x0], $0xffff  }
0x96: {  	v2 =	vadd.s32 $0x1A00, v0;
	_ =	sdelay $0x3  }
0x97: {  	[tilespmem:s12+$0x3A00] =	vst v1  }
0x98: {  	v1 =	vld.idx.msk [tilespmem:v2+s24+$0x0], $0xffff  }
0x99: {  	v2 =	vadd.s32 $0x1A80, v0;
	_ =	sdelay $0x3  }
0x9a: {  	[tilespmem:s12+$0x3A80] =	vst v1  }
0x9b: {  	v1 =	vld.idx.msk [tilespmem:v2+s24+$0x0], $0xffff  }
0x9c: {  	v2 =	vadd.s32 $0x1B00, v0;
	_ =	sdelay $0x3  }
0x9d: {  	[tilespmem:s12+$0x3B00] =	vst v1  }
0x9e: {  	v1 =	vld.idx.msk [tilespmem:v2+s24+$0x0], $0xffff  }
0x9f: {  	v0 =	vadd.s32 $0x1B80, v0;
	_ =	sdelay $0x3  }
0xa0: {  	[tilespmem:s12+$0x3B80] =	vst v1  }
0xa1: {  	v0 =	vld.idx.msk [tilespmem:v0+s24+$0x0], $0xffff;
	_ =	sdelay $0x2  }
0xa2: {  	s14 =	simm.s32 $0x80;
	s13 =	simm.s32 $0x10  }
.LBB2_4:
0xa3: {  	p1 =	sne.s32 s14, $0x1C0;
	s25 =	sadd.s32 s13, s9  }
0xa4: {  	[tilespmem:s12+$0x3C00] =	vst v0;
	s17 =	smov.u32 s14;
	s14 =	sadd.s32 $0x40, s14;
	s12 =	smov.u32 s13  }
0xa5: {  	v0 =	vld [tilespmem:s25+$0x0];
	_ =	sdelay $0x4  }
0xa6: {  	v1 =	vshll.u32 v0, $0x3  }
0xa7: {  	v0 =	vand.u32 $0x7F, v0;
	v1 =	vand.u32 $0xFFFFFC00, v1  }
0xa8: {  	v0 =	vor.u32 v0, v1;
	_ =	sdelay $0x4  }
0xa9: {  	v1 =	vld.idx.msk [tilespmem:v0+s24+$0x0], $0xffff;
	_ =	sdelay $0x1  }
0xaa: {  	v2 =	vor.u32 $0x80, v0;
	_ =	sdelay $0x3  }
0xab: {  	[tilespmem:s12+$0x2C80] =	vst v1  }
0xac: {  	v1 =	vld.idx.msk [tilespmem:v2+s24+$0x0], $0xffff;
	_ =	sdelay $0x1  }
0xad: {  	v2 =	vor.u32 $0x100, v0;
	_ =	sdelay $0x3  }
0xae: {  	[tilespmem:s12+$0x2D00] =	vst v1  }
0xaf: {  	v1 =	vld.idx.msk [tilespmem:v2+s24+$0x0], $0xffff;
	_ =	sdelay $0x1  }
0xb0: {  	v2 =	vor.u32 $0x180, v0;
	_ =	sdelay $0x3  }
0xb1: {  	[tilespmem:s12+$0x2D80] =	vst v1  }
0xb2: {  	v1 =	vld.idx.msk [tilespmem:v2+s24+$0x0], $0xffff;
	_ =	sdelay $0x1  }
0xb3: {  	v2 =	vor.u32 $0x200, v0;
	_ =	sdelay $0x3  }
0xb4: {  	[tilespmem:s12+$0x2E00] =	vst v1  }
0xb5: {  	v1 =	vld.idx.msk [tilespmem:v2+s24+$0x0], $0xffff;
	_ =	sdelay $0x1  }
0xb6: {  	v2 =	vor.u32 $0x280, v0;
	_ =	sdelay $0x3  }
0xb7: {  	[tilespmem:s12+$0x2E80] =	vst v1  }
0xb8: {  	v1 =	vld.idx.msk [tilespmem:v2+s24+$0x0], $0xffff;
	_ =	sdelay $0x1  }
0xb9: {  	v2 =	vor.u32 $0x300, v0;
	_ =	sdelay $0x3  }
0xba: {  	[tilespmem:s12+$0x2F00] =	vst v1  }
0xbb: {  	v1 =	vld.idx.msk [tilespmem:v2+s24+$0x0], $0xffff;
	_ =	sdelay $0x1  }
0xbc: {  	v2 =	vor.u32 $0x380, v0;
	_ =	sdelay $0x3  }
0xbd: {  	[tilespmem:s12+$0x2F80] =	vst v1  }
0xbe: {  	v1 =	vld.idx.msk [tilespmem:v2+s24+$0x0], $0xffff;
	_ =	sdelay $0x1  }
0xbf: {  	v2 =	vadd.s32 $0x800, v0;
	_ =	sdelay $0x3  }
0xc0: {  	[tilespmem:s12+$0x3000] =	vst v1  }
0xc1: {  	v1 =	vld.idx.msk [tilespmem:v2+s24+$0x0], $0xffff;
	_ =	sdelay $0x1  }
0xc2: {  	v2 =	vadd.s32 $0x880, v0;
	_ =	sdelay $0x3  }
0xc3: {  	[tilespmem:s12+$0x3080] =	vst v1  }
0xc4: {  	v1 =	vld.idx.msk [tilespmem:v2+s24+$0x0], $0xffff;
	_ =	sdelay $0x1  }
0xc5: {  	v2 =	vadd.s32 $0x900, v0;
	_ =	sdelay $0x3  }
0xc6: {  	[tilespmem:s12+$0x3100] =	vst v1  }
0xc7: {  	v1 =	vld.idx.msk [tilespmem:v2+s24+$0x0], $0xffff;
	_ =	sdelay $0x1  }
0xc8: {  	v2 =	vadd.s32 $0x980, v0;
	_ =	sdelay $0x3  }
0xc9: {  	[tilespmem:s12+$0x3180] =	vst v1  }
0xca: {  	v1 =	vld.idx.msk [tilespmem:v2+s24+$0x0], $0xffff;
	_ =	sdelay $0x1  }
0xcb: {  	v2 =	vadd.s32 $0xA00, v0;
	_ =	sdelay $0x3  }
0xcc: {  	[tilespmem:s12+$0x3200] =	vst v1  }
0xcd: {  	v1 =	vld.idx.msk [tilespmem:v2+s24+$0x0], $0xffff;
	_ =	sdelay $0x1  }
0xce: {  	v2 =	vadd.s32 $0xA80, v0;
	_ =	sdelay $0x3  }
0xcf: {  	[tilespmem:s12+$0x3280] =	vst v1  }
0xd0: {  	v1 =	vld.idx.msk [tilespmem:v2+s24+$0x0], $0xffff;
	_ =	sdelay $0x1  }
0xd1: {  	v2 =	vadd.s32 $0xB00, v0;
	_ =	sdelay $0x3  }
0xd2: {  	[tilespmem:s12+$0x3300] =	vst v1  }
0xd3: {  	v1 =	vld.idx.msk [tilespmem:v2+s24+$0x0], $0xffff;
	_ =	sdelay $0x1  }
0xd4: {  	v2 =	vadd.s32 $0xB80, v0;
	_ =	sdelay $0x3  }
0xd5: {  	[tilespmem:s12+$0x3380] =	vst v1  }
0xd6: {  	v1 =	vld.idx.msk [tilespmem:v2+s24+$0x0], $0xffff;
	_ =	sdelay $0x1  }
0xd7: {  	v2 =	vadd.s32 $0x1000, v0;
	_ =	sdelay $0x3  }
0xd8: {  	[tilespmem:s12+$0x3400] =	vst v1  }
0xd9: {  	v1 =	vld.idx.msk [tilespmem:v2+s24+$0x0], $0xffff;
	_ =	sdelay $0x1  }
0xda: {  	v2 =	vadd.s32 $0x1080, v0;
	_ =	sdelay $0x3  }
0xdb: {  	[tilespmem:s12+$0x3480] =	vst v1  }
0xdc: {  	v1 =	vld.idx.msk [tilespmem:v2+s24+$0x0], $0xffff;
	_ =	sdelay $0x1  }
0xdd: {  	v2 =	vadd.s32 $0x1100, v0;
	_ =	sdelay $0x3  }
0xde: {  	[tilespmem:s12+$0x3500] =	vst v1  }
0xdf: {  	v1 =	vld.idx.msk [tilespmem:v2+s24+$0x0], $0xffff;
	_ =	sdelay $0x1  }
0xe0: {  	v2 =	vadd.s32 $0x1180, v0;
	_ =	sdelay $0x3  }
0xe1: {  	[tilespmem:s12+$0x3580] =	vst v1  }
0xe2: {  	v1 =	vld.idx.msk [tilespmem:v2+s24+$0x0], $0xffff;
	_ =	sdelay $0x1  }
0xe3: {  	v2 =	vadd.s32 $0x1200, v0;
	_ =	sdelay $0x3  }
0xe4: {  	[tilespmem:s12+$0x3600] =	vst v1  }
0xe5: {  	v1 =	vld.idx.msk [tilespmem:v2+s24+$0x0], $0xffff;
	_ =	sdelay $0x1  }
0xe6: {  	v2 =	vadd.s32 $0x1280, v0;
	_ =	sdelay $0x3  }
0xe7: {  	[tilespmem:s12+$0x3680] =	vst v1  }
0xe8: {  	v1 =	vld.idx.msk [tilespmem:v2+s24+$0x0], $0xffff;
	_ =	sdelay $0x1  }
0xe9: {  	v2 =	vadd.s32 $0x1300, v0;
	_ =	sdelay $0x3  }
0xea: {  	[tilespmem:s12+$0x3700] =	vst v1  }
0xeb: {  	v1 =	vld.idx.msk [tilespmem:v2+s24+$0x0], $0xffff;
	_ =	sdelay $0x1  }
0xec: {  	v2 =	vadd.s32 $0x1380, v0;
	_ =	sdelay $0x3  }
0xed: {  	[tilespmem:s12+$0x3780] =	vst v1  }
0xee: {  	v1 =	vld.idx.msk [tilespmem:v2+s24+$0x0], $0xffff;
	_ =	sdelay $0x1  }
0xef: {  	v2 =	vadd.s32 $0x1800, v0;
	_ =	sdelay $0x3  }
0xf0: {  	[tilespmem:s12+$0x3800] =	vst v1  }
0xf1: {  	v1 =	vld.idx.msk [tilespmem:v2+s24+$0x0], $0xffff;
	_ =	sdelay $0x1  }
0xf2: {  	v2 =	vadd.s32 $0x1880, v0;
	_ =	sdelay $0x3  }
0xf3: {  	[tilespmem:s12+$0x3880] =	vst v1  }
0xf4: {  	v1 =	vld.idx.msk [tilespmem:v2+s24+$0x0], $0xffff;
	_ =	sdelay $0x1  }
0xf5: {  	v2 =	vadd.s32 $0x1900, v0;
	_ =	sdelay $0x3  }
0xf6: {  	[tilespmem:s12+$0x3900] =	vst v1  }
0xf7: {  	v1 =	vld.idx.msk [tilespmem:v2+s24+$0x0], $0xffff;
	_ =	sdelay $0x1  }
0xf8: {  	v2 =	vadd.s32 $0x1980, v0;
	_ =	sdelay $0x3  }
0xf9: {  	[tilespmem:s12+$0x3980] =	vst v1  }
0xfa: {  	v1 =	vld.idx.msk [tilespmem:v2+s24+$0x0], $0xffff;
	_ =	sdelay $0x1  }
0xfb: {  	v2 =	vadd.s32 $0x1A00, v0;
	_ =	sdelay $0x3  }
0xfc: {  	[tilespmem:s12+$0x3A00] =	vst v1  }
0xfd: {  	v1 =	vld.idx.msk [tilespmem:v2+s24+$0x0], $0xffff;
	_ =	sdelay $0x1  }
0xfe: {  	v2 =	vadd.s32 $0x1A80, v0;
	_ =	sdelay $0x3  }
0xff: {  	[tilespmem:s12+$0x3A80] =	vst v1  }
0x100: {  	v1 =	vld.idx.msk [tilespmem:v2+s24+$0x0], $0xffff;
	_ =	sdelay $0x1  }
0x101: {  	v2 =	vadd.s32 $0x1B00, v0;
	_ =	sdelay $0x3  }
0x102: {  	[tilespmem:s12+$0x3B00] =	vst v1  }
0x103: {  	v1 =	vld.idx.msk [tilespmem:v2+s24+$0x0], $0xffff;
	_ =	sdelay $0x1  }
0x104: {  	v0 =	vadd.s32 $0x1B80, v0;
	_ =	sdelay $0x3  }
0x105: {  	[tilespmem:s12+$0x3B80] =	vst v1  }
0x106: {  	v0 =	vld.idx.msk [tilespmem:v0+s24+$0x0], $0xffff  }
.Ltmp5:
0x107: {  	(pc) =	sbr.rel @p1 .LBB2_4-.Ltmp5, $2  }
0x108: {  	_ =	sdelay $0x2  }
0x109: {  	s13 =	sshra.s32 s17, $0x2  }
0x10a: {  	s14 =	sadd.s32 s13, s9;
	[tilespmem:s12+$0x3C00] =	vst v0  }
0x10b: {  	v0 =	vld [tilespmem:s14+$0x0];
	_ =	sdelay $0x4  }
0x10c: {  	v1 =	vshll.u32 v0, $0x3  }
0x10d: {  	v0 =	vand.u32 $0x7F, v0;
	v1 =	vand.u32 $0xFFFFFC00, v1  }
0x10e: {  	v0 =	vor.u32 v0, v1;
	_ =	sdelay $0x4  }
0x10f: {  	v1 =	vld.idx.msk [tilespmem:v0+s24+$0x0], $0xffff  }
0x110: {  	v2 =	vor.u32 $0x80, v0;
	_ =	sdelay $0x3  }
0x111: {  	[tilespmem:s13+$0x2C80] =	vst v1  }
0x112: {  	v1 =	vld.idx.msk [tilespmem:v2+s24+$0x0], $0xffff  }
0x113: {  	v35 =	vor.u32 $0x100, v0;
	_ =	sdelay $0x3  }
0x114: {  	[tilespmem:s13+$0x2D00] =	vst v1  }
0x115: {  	v1 =	vld.idx.msk [tilespmem:v35+s24+$0x0], $0xffff  }
0x116: {  	v36 =	vor.u32 $0x180, v0;
	_ =	sdelay $0x3  }
0x117: {  	[tilespmem:s13+$0x2D80] =	vst v1  }
0x118: {  	v1 =	vld.idx.msk [tilespmem:v36+s24+$0x0], $0xffff  }
0x119: {  	v37 =	vor.u32 $0x200, v0;
	_ =	sdelay $0x3  }
0x11a: {  	[tilespmem:s13+$0x2E00] =	vst v1  }
0x11b: {  	v1 =	vld.idx.msk [tilespmem:v37+s24+$0x0], $0xffff  }
0x11c: {  	v38 =	vor.u32 $0x280, v0;
	_ =	sdelay $0x3  }
0x11d: {  	[tilespmem:s13+$0x2E80] =	vst v1  }
0x11e: {  	v1 =	vld.idx.msk [tilespmem:v38+s24+$0x0], $0xffff  }
0x11f: {  	v39 =	vor.u32 $0x300, v0;
	_ =	sdelay $0x3  }
0x120: {  	[tilespmem:s13+$0x2F00] =	vst v1  }
0x121: {  	v1 =	vld.idx.msk [tilespmem:v39+s24+$0x0], $0xffff  }
0x122: {  	v40 =	vor.u32 $0x380, v0;
	_ =	sdelay $0x3  }
0x123: {  	[tilespmem:s13+$0x2F80] =	vst v1  }
0x124: {  	v1 =	vld.idx.msk [tilespmem:v40+s24+$0x0], $0xffff  }
0x125: {  	v41 =	vadd.s32 $0x800, v0;
	_ =	sdelay $0x3  }
0x126: {  	[tilespmem:s13+$0x3000] =	vst v1  }
0x127: {  	v1 =	vld.idx.msk [tilespmem:v41+s24+$0x0], $0xffff  }
0x128: {  	v42 =	vadd.s32 $0x880, v0;
	_ =	sdelay $0x3  }
0x129: {  	[tilespmem:s13+$0x3080] =	vst v1  }
0x12a: {  	v1 =	vld.idx.msk [tilespmem:v42+s24+$0x0], $0xffff  }
0x12b: {  	v43 =	vadd.s32 $0x900, v0;
	_ =	sdelay $0x3  }
0x12c: {  	[tilespmem:s13+$0x3100] =	vst v1  }
0x12d: {  	v1 =	vld.idx.msk [tilespmem:v43+s24+$0x0], $0xffff  }
0x12e: {  	v44 =	vadd.s32 $0x980, v0;
	_ =	sdelay $0x3  }
0x12f: {  	[tilespmem:s13+$0x3180] =	vst v1  }
0x130: {  	v1 =	vld.idx.msk [tilespmem:v44+s24+$0x0], $0xffff  }
0x131: {  	v45 =	vadd.s32 $0xA00, v0;
	_ =	sdelay $0x3  }
0x132: {  	[tilespmem:s13+$0x3200] =	vst v1  }
0x133: {  	v1 =	vld.idx.msk [tilespmem:v45+s24+$0x0], $0xffff  }
0x134: {  	v46 =	vadd.s32 $0xA80, v0;
	_ =	sdelay $0x3  }
0x135: {  	[tilespmem:s13+$0x3280] =	vst v1  }
0x136: {  	v1 =	vld.idx.msk [tilespmem:v46+s24+$0x0], $0xffff  }
0x137: {  	v47 =	vadd.s32 $0xB00, v0;
	_ =	sdelay $0x3  }
0x138: {  	[tilespmem:s13+$0x3300] =	vst v1  }
0x139: {  	v1 =	vld.idx.msk [tilespmem:v47+s24+$0x0], $0xffff  }
0x13a: {  	v48 =	vadd.s32 $0xB80, v0;
	_ =	sdelay $0x3  }
0x13b: {  	[tilespmem:s13+$0x3380] =	vst v1  }
0x13c: {  	v1 =	vld.idx.msk [tilespmem:v48+s24+$0x0], $0xffff  }
0x13d: {  	v49 =	vadd.s32 $0x1000, v0;
	_ =	sdelay $0x3  }
0x13e: {  	[tilespmem:s13+$0x3400] =	vst v1  }
0x13f: {  	v1 =	vld.idx.msk [tilespmem:v49+s24+$0x0], $0xffff  }
0x140: {  	v50 =	vadd.s32 $0x1080, v0;
	_ =	sdelay $0x3  }
0x141: {  	[tilespmem:s13+$0x3480] =	vst v1  }
0x142: {  	v1 =	vld.idx.msk [tilespmem:v50+s24+$0x0], $0xffff  }
0x143: {  	v51 =	vadd.s32 $0x1100, v0;
	_ =	sdelay $0x3  }
0x144: {  	[tilespmem:s13+$0x3500] =	vst v1  }
0x145: {  	v1 =	vld.idx.msk [tilespmem:v51+s24+$0x0], $0xffff  }
0x146: {  	v52 =	vadd.s32 $0x1180, v0;
	_ =	sdelay $0x3  }
0x147: {  	[tilespmem:s13+$0x3580] =	vst v1  }
0x148: {  	v1 =	vld.idx.msk [tilespmem:v52+s24+$0x0], $0xffff  }
0x149: {  	v53 =	vadd.s32 $0x1200, v0;
	_ =	sdelay $0x3  }
0x14a: {  	[tilespmem:s13+$0x3600] =	vst v1  }
0x14b: {  	v1 =	vld.idx.msk [tilespmem:v53+s24+$0x0], $0xffff  }
0x14c: {  	v54 =	vadd.s32 $0x1280, v0;
	_ =	sdelay $0x3  }
0x14d: {  	[tilespmem:s13+$0x3680] =	vst v1  }
0x14e: {  	v1 =	vld.idx.msk [tilespmem:v54+s24+$0x0], $0xffff  }
0x14f: {  	v55 =	vadd.s32 $0x1300, v0;
	_ =	sdelay $0x3  }
0x150: {  	[tilespmem:s13+$0x3700] =	vst v1  }
0x151: {  	v1 =	vld.idx.msk [tilespmem:v55+s24+$0x0], $0xffff  }
0x152: {  	v56 =	vadd.s32 $0x1380, v0;
	_ =	sdelay $0x3  }
0x153: {  	[tilespmem:s13+$0x3780] =	vst v1  }
0x154: {  	v1 =	vld.idx.msk [tilespmem:v56+s24+$0x0], $0xffff  }
0x155: {  	v57 =	vadd.s32 $0x1800, v0;
	_ =	sdelay $0x3  }
0x156: {  	[tilespmem:s13+$0x3800] =	vst v1  }
0x157: {  	v1 =	vld.idx.msk [tilespmem:v57+s24+$0x0], $0xffff  }
0x158: {  	v58 =	vadd.s32 $0x1880, v0;
	_ =	sdelay $0x3  }
0x159: {  	[tilespmem:s13+$0x3880] =	vst v1  }
0x15a: {  	v1 =	vld.idx.msk [tilespmem:v58+s24+$0x0], $0xffff  }
0x15b: {  	v59 =	vadd.s32 $0x1900, v0;
	_ =	sdelay $0x3  }
0x15c: {  	[tilespmem:s13+$0x3900] =	vst v1  }
0x15d: {  	v1 =	vld.idx.msk [tilespmem:v59+s24+$0x0], $0xffff  }
0x15e: {  	v60 =	vadd.s32 $0x1980, v0;
	_ =	sdelay $0x3  }
0x15f: {  	[tilespmem:s13+$0x3980] =	vst v1  }
0x160: {  	v1 =	vld.idx.msk [tilespmem:v60+s24+$0x0], $0xffff  }
0x161: {  	v61 =	vadd.s32 $0x1A00, v0;
	_ =	sdelay $0x3  }
0x162: {  	[tilespmem:s13+$0x3A00] =	vst v1  }
0x163: {  	v1 =	vld.idx.msk [tilespmem:v61+s24+$0x0], $0xffff  }
0x164: {  	v62 =	vadd.s32 $0x1A80, v0;
	_ =	sdelay $0x3  }
0x165: {  	[tilespmem:s13+$0x3A80] =	vst v1  }
0x166: {  	v1 =	vld.idx.msk [tilespmem:v62+s24+$0x0], $0xffff  }
0x167: {  	v63 =	vadd.s32 $0x1B00, v0;
	_ =	sdelay $0x3  }
0x168: {  	[tilespmem:s13+$0x3B00] =	vst v1  }
0x169: {  	v1 =	vld.idx.msk [tilespmem:v63+s24+$0x0], $0xffff  }
0x16a: {  	v0 =	vadd.s32 $0x1B80, v0;
	_ =	sdelay $0x3  }
0x16b: {  	[tilespmem:s13+$0x3B80] =	vst v1  }
0x16c: {  	v0 =	vld.idx.msk [tilespmem:v0+s24+$0x0], $0xffff;
	_ =	sdelay $0x4  }
0x16d: {  	[tilespmem:s13+$0x3C00] =	vst v0  }
0x16e: {  	_ =	swait.ge [sflag:s26], $0x800  }
0x16f: {  	[sflag:s26] =	ssyncset.done $0x0  }
0x170: {  	[sflag:s26] =	ssyncadd.s32 $0xFFFFF800  }
0x171: {  	s25 =	smul.u32 $0x180, s10;
	_ =	swait.ge [sflag:s28], $0x2800  }
0x172: {  	[sflag:s28] =	ssyncset.done $0x0  }
0x173: {  	p1 =	seq.s32 s10, $0x0;
	s12 =	sadd.s32 s25, s15;
	[sflag:s28] =	ssyncadd.s32 $0xFFFFD800  }
0x174: {  	[hbm4b:s12+s18] =	stream.strided.scatter [tilespmem:s29], [sflag:$0x7], $0x4000, s19, s18, $0x38;
	[tilespmem:$0xEC80] =	vst v63  }
0x175: {  	s13 =	simm.s32 @!p1 $0x9;
	s12 =	sadd.s32 $0x2, s11  }
0x176: {  	p2 =	sge.u32 s12, s8;
	_ =	swait.ge @!p1 [sflag:s13], $0x4000  }
0x177: {  	s12 =	sshll.u32 @!p2 s12, $0x7;
	[sflag:s13] =	ssyncset.done @!p1 $0x0  }
0x178: {  	s14 =	simm.s32 @!p2 $0x400;
	s17 =	simm.s32 @!p2 $0xC3800;
	s12 =	sadd.s32 @!p2 s6, s12  }
0x179: {  	s25 =	simm.s32 @!p2 $0xBC80;
	[sflag:s13] =	ssyncadd.s32 @!p1 $0xFFFFC000;
	s13 =	sadd.s32 @!p2 s1, s12  }
0x17a: {  	[tilespmem:s25], [sflag:$0x3] =	stream.strided.gather @!p2 [hbm4b:s13+s14], $0x800, s17, s14, $0x38;
	[tilespmem:$0xEC80] =	vst v63  }
0x17b: {  	s12 =	sadd.s32 @!p2 s2, s12;
	s13 =	simm.s32 @!p2 $0xC480  }
0x17c: {  	[tilespmem:s13], [sflag:$0x6] =	stream.strided.gather @!p2 [hbm4b:s12+s14], $0x2800, s17, s14, $0x38;
	[tilespmem:$0xEC80] =	vst v63  }
.LBB2_6:
0x17d: {  	s12 =	sadd.s32 $0x1, s11  }
0x17e: {  	p1 =	sge.u32 s12, s8  }
.Ltmp6:
0x17f: {  	_ = 	snop;
	(pc) =	sbr.rel @p1 .LBB2_10-.Ltmp6, $1  }
0x180: {  	_ =	sdelay $0x3  }
0x181: {  	s13 =	sadd.s32 $0x0, s23  }
0x182: {  	v0 =	vld [tilespmem:s13+$0x0];
	_ =	sdelay $0x4  }
0x183: {  	v1 =	vshll.u32 v0, $0x3  }
0x184: {  	v0 =	vand.u32 $0x7F, v0;
	v1 =	vand.u32 $0xFFFFFC00, v1  }
0x185: {  	v0 =	vor.u32 v0, v1;
	_ =	sdelay $0x4  }
0x186: {  	v1 =	vld.idx.msk [tilespmem:v0+s24+$0x0], $0xffff  }
0x187: {  	v2 =	vor.u32 $0x80, v0;
	_ =	sdelay $0x2  }
0x188: {  	s14 =	simm.s32 $0x0  }
0x189: {  	[tilespmem:s14+$0x6C80] =	vst v1  }
0x18a: {  	v1 =	vld.idx.msk [tilespmem:v2+s24+$0x0], $0xffff  }
0x18b: {  	v2 =	vor.u32 $0x100, v0;
	_ =	sdelay $0x3  }
0x18c: {  	[tilespmem:s14+$0x6D00] =	vst v1  }
0x18d: {  	v1 =	vld.idx.msk [tilespmem:v2+s24+$0x0], $0xffff  }
0x18e: {  	v2 =	vor.u32 $0x180, v0;
	_ =	sdelay $0x3  }
0x18f: {  	[tilespmem:s14+$0x6D80] =	vst v1  }
0x190: {  	v1 =	vld.idx.msk [tilespmem:v2+s24+$0x0], $0xffff  }
0x191: {  	v2 =	vor.u32 $0x200, v0;
	_ =	sdelay $0x3  }
0x192: {  	[tilespmem:s14+$0x6E00] =	vst v1  }
0x193: {  	v1 =	vld.idx.msk [tilespmem:v2+s24+$0x0], $0xffff  }
0x194: {  	v2 =	vor.u32 $0x280, v0;
	_ =	sdelay $0x3  }
0x195: {  	[tilespmem:s14+$0x6E80] =	vst v1  }
0x196: {  	v1 =	vld.idx.msk [tilespmem:v2+s24+$0x0], $0xffff  }
0x197: {  	v2 =	vor.u32 $0x300, v0;
	_ =	sdelay $0x3  }
0x198: {  	[tilespmem:s14+$0x6F00] =	vst v1  }
0x199: {  	v1 =	vld.idx.msk [tilespmem:v2+s24+$0x0], $0xffff  }
0x19a: {  	v2 =	vor.u32 $0x380, v0;
	_ =	sdelay $0x3  }
0x19b: {  	[tilespmem:s14+$0x6F80] =	vst v1  }
0x19c: {  	v1 =	vld.idx.msk [tilespmem:v2+s24+$0x0], $0xffff  }
0x19d: {  	v2 =	vadd.s32 $0x800, v0;
	_ =	sdelay $0x3  }
0x19e: {  	[tilespmem:s14+$0x7000] =	vst v1  }
0x19f: {  	v1 =	vld.idx.msk [tilespmem:v2+s24+$0x0], $0xffff  }
0x1a0: {  	v2 =	vadd.s32 $0x880, v0;
	_ =	sdelay $0x3  }
0x1a1: {  	[tilespmem:s14+$0x7080] =	vst v1  }
0x1a2: {  	v1 =	vld.idx.msk [tilespmem:v2+s24+$0x0], $0xffff  }
0x1a3: {  	v2 =	vadd.s32 $0x900, v0;
	_ =	sdelay $0x3  }
0x1a4: {  	[tilespmem:s14+$0x7100] =	vst v1  }
0x1a5: {  	v1 =	vld.idx.msk [tilespmem:v2+s24+$0x0], $0xffff  }
0x1a6: {  	v2 =	vadd.s32 $0x980, v0;
	_ =	sdelay $0x3  }
0x1a7: {  	[tilespmem:s14+$0x7180] =	vst v1  }
0x1a8: {  	v1 =	vld.idx.msk [tilespmem:v2+s24+$0x0], $0xffff  }
0x1a9: {  	v2 =	vadd.s32 $0xA00, v0;
	_ =	sdelay $0x3  }
0x1aa: {  	[tilespmem:s14+$0x7200] =	vst v1  }
0x1ab: {  	v1 =	vld.idx.msk [tilespmem:v2+s24+$0x0], $0xffff  }
0x1ac: {  	v2 =	vadd.s32 $0xA80, v0;
	_ =	sdelay $0x3  }
0x1ad: {  	[tilespmem:s14+$0x7280] =	vst v1  }
0x1ae: {  	v1 =	vld.idx.msk [tilespmem:v2+s24+$0x0], $0xffff  }
0x1af: {  	v2 =	vadd.s32 $0xB00, v0;
	_ =	sdelay $0x3  }
0x1b0: {  	[tilespmem:s14+$0x7300] =	vst v1  }
0x1b1: {  	v1 =	vld.idx.msk [tilespmem:v2+s24+$0x0], $0xffff  }
0x1b2: {  	v2 =	vadd.s32 $0xB80, v0;
	_ =	sdelay $0x3  }
0x1b3: {  	[tilespmem:s14+$0x7380] =	vst v1  }
0x1b4: {  	v1 =	vld.idx.msk [tilespmem:v2+s24+$0x0], $0xffff  }
0x1b5: {  	v2 =	vadd.s32 $0x1000, v0;
	_ =	sdelay $0x3  }
0x1b6: {  	[tilespmem:s14+$0x7400] =	vst v1  }
0x1b7: {  	v1 =	vld.idx.msk [tilespmem:v2+s24+$0x0], $0xffff  }
0x1b8: {  	v2 =	vadd.s32 $0x1080, v0;
	_ =	sdelay $0x3  }
0x1b9: {  	[tilespmem:s14+$0x7480] =	vst v1  }
0x1ba: {  	v1 =	vld.idx.msk [tilespmem:v2+s24+$0x0], $0xffff  }
0x1bb: {  	v2 =	vadd.s32 $0x1100, v0;
	_ =	sdelay $0x3  }
0x1bc: {  	[tilespmem:s14+$0x7500] =	vst v1  }
0x1bd: {  	v1 =	vld.idx.msk [tilespmem:v2+s24+$0x0], $0xffff  }
0x1be: {  	v2 =	vadd.s32 $0x1180, v0;
	_ =	sdelay $0x3  }
0x1bf: {  	[tilespmem:s14+$0x7580] =	vst v1  }
0x1c0: {  	v1 =	vld.idx.msk [tilespmem:v2+s24+$0x0], $0xffff  }
0x1c1: {  	v2 =	vadd.s32 $0x1200, v0;
	_ =	sdelay $0x3  }
0x1c2: {  	[tilespmem:s14+$0x7600] =	vst v1  }
0x1c3: {  	v1 =	vld.idx.msk [tilespmem:v2+s24+$0x0], $0xffff  }
0x1c4: {  	v2 =	vadd.s32 $0x1280, v0;
	_ =	sdelay $0x3  }
0x1c5: {  	[tilespmem:s14+$0x7680] =	vst v1  }
0x1c6: {  	v1 =	vld.idx.msk [tilespmem:v2+s24+$0x0], $0xffff  }
0x1c7: {  	v2 =	vadd.s32 $0x1300, v0;
	_ =	sdelay $0x3  }
0x1c8: {  	[tilespmem:s14+$0x7700] =	vst v1  }
0x1c9: {  	v1 =	vld.idx.msk [tilespmem:v2+s24+$0x0], $0xffff  }
0x1ca: {  	v2 =	vadd.s32 $0x1380, v0;
	_ =	sdelay $0x3  }
0x1cb: {  	[tilespmem:s14+$0x7780] =	vst v1  }
0x1cc: {  	v1 =	vld.idx.msk [tilespmem:v2+s24+$0x0], $0xffff  }
0x1cd: {  	v2 =	vadd.s32 $0x1800, v0;
	_ =	sdelay $0x3  }
0x1ce: {  	[tilespmem:s14+$0x7800] =	vst v1  }
0x1cf: {  	v1 =	vld.idx.msk [tilespmem:v2+s24+$0x0], $0xffff  }
0x1d0: {  	v2 =	vadd.s32 $0x1880, v0;
	_ =	sdelay $0x3  }
0x1d1: {  	[tilespmem:s14+$0x7880] =	vst v1  }
0x1d2: {  	v1 =	vld.idx.msk [tilespmem:v2+s24+$0x0], $0xffff  }
0x1d3: {  	v2 =	vadd.s32 $0x1900, v0;
	_ =	sdelay $0x3  }
0x1d4: {  	[tilespmem:s14+$0x7900] =	vst v1  }
0x1d5: {  	v1 =	vld.idx.msk [tilespmem:v2+s24+$0x0], $0xffff  }
0x1d6: {  	v2 =	vadd.s32 $0x1980, v0;
	_ =	sdelay $0x3  }
0x1d7: {  	[tilespmem:s14+$0x7980] =	vst v1  }
0x1d8: {  	v1 =	vld.idx.msk [tilespmem:v2+s24+$0x0], $0xffff  }
0x1d9: {  	v2 =	vadd.s32 $0x1A00, v0;
	_ =	sdelay $0x3  }
0x1da: {  	[tilespmem:s14+$0x7A00] =	vst v1  }
0x1db: {  	v1 =	vld.idx.msk [tilespmem:v2+s24+$0x0], $0xffff  }
0x1dc: {  	v2 =	vadd.s32 $0x1A80, v0;
	_ =	sdelay $0x3  }
0x1dd: {  	[tilespmem:s14+$0x7A80] =	vst v1  }
0x1de: {  	v1 =	vld.idx.msk [tilespmem:v2+s24+$0x0], $0xffff  }
0x1df: {  	v2 =	vadd.s32 $0x1B00, v0;
	_ =	sdelay $0x3  }
0x1e0: {  	[tilespmem:s14+$0x7B00] =	vst v1  }
0x1e1: {  	v1 =	vld.idx.msk [tilespmem:v2+s24+$0x0], $0xffff  }
0x1e2: {  	v0 =	vadd.s32 $0x1B80, v0;
	_ =	sdelay $0x3  }
0x1e3: {  	[tilespmem:s14+$0x7B80] =	vst v1  }
0x1e4: {  	v0 =	vld.idx.msk [tilespmem:v0+s24+$0x0], $0xffff;
	_ =	sdelay $0x2  }
0x1e5: {  	s17 =	simm.s32 $0x80;
	s25 =	simm.s32 $0x10  }
.LBB2_8:
0x1e6: {  	p1 =	sne.s32 s17, $0x1C0;
	s16 =	sadd.s32 s25, s23  }
0x1e7: {  	[tilespmem:s14+$0x7C00] =	vst v0;
	s13 =	smov.u32 s17;
	s17 =	sadd.s32 $0x40, s17;
	s14 =	smov.u32 s25  }
0x1e8: {  	v0 =	vld [tilespmem:s16+$0x0];
	_ =	sdelay $0x4  }
0x1e9: {  	v1 =	vshll.u32 v0, $0x3  }
0x1ea: {  	v0 =	vand.u32 $0x7F, v0;
	v1 =	vand.u32 $0xFFFFFC00, v1  }
0x1eb: {  	v0 =	vor.u32 v0, v1;
	_ =	sdelay $0x4  }
0x1ec: {  	v1 =	vld.idx.msk [tilespmem:v0+s24+$0x0], $0xffff;
	_ =	sdelay $0x1  }
0x1ed: {  	v2 =	vor.u32 $0x80, v0;
	_ =	sdelay $0x3  }
0x1ee: {  	[tilespmem:s14+$0x6C80] =	vst v1  }
0x1ef: {  	v1 =	vld.idx.msk [tilespmem:v2+s24+$0x0], $0xffff;
	_ =	sdelay $0x1  }
0x1f0: {  	v2 =	vor.u32 $0x100, v0;
	_ =	sdelay $0x3  }
0x1f1: {  	[tilespmem:s14+$0x6D00] =	vst v1  }
0x1f2: {  	v1 =	vld.idx.msk [tilespmem:v2+s24+$0x0], $0xffff;
	_ =	sdelay $0x1  }
0x1f3: {  	v2 =	vor.u32 $0x180, v0;
	_ =	sdelay $0x3  }
0x1f4: {  	[tilespmem:s14+$0x6D80] =	vst v1  }
0x1f5: {  	v1 =	vld.idx.msk [tilespmem:v2+s24+$0x0], $0xffff;
	_ =	sdelay $0x1  }
0x1f6: {  	v2 =	vor.u32 $0x200, v0;
	_ =	sdelay $0x3  }
0x1f7: {  	[tilespmem:s14+$0x6E00] =	vst v1  }
0x1f8: {  	v1 =	vld.idx.msk [tilespmem:v2+s24+$0x0], $0xffff;
	_ =	sdelay $0x1  }
0x1f9: {  	v2 =	vor.u32 $0x280, v0;
	_ =	sdelay $0x3  }
0x1fa: {  	[tilespmem:s14+$0x6E80] =	vst v1  }
0x1fb: {  	v1 =	vld.idx.msk [tilespmem:v2+s24+$0x0], $0xffff;
	_ =	sdelay $0x1  }
0x1fc: {  	v2 =	vor.u32 $0x300, v0;
	_ =	sdelay $0x3  }
0x1fd: {  	[tilespmem:s14+$0x6F00] =	vst v1  }
0x1fe: {  	v1 =	vld.idx.msk [tilespmem:v2+s24+$0x0], $0xffff;
	_ =	sdelay $0x1  }
0x1ff: {  	v2 =	vor.u32 $0x380, v0;
	_ =	sdelay $0x3  }
0x200: {  	[tilespmem:s14+$0x6F80] =	vst v1  }
0x201: {  	v1 =	vld.idx.msk [tilespmem:v2+s24+$0x0], $0xffff;
	_ =	sdelay $0x1  }
0x202: {  	v2 =	vadd.s32 $0x800, v0;
	_ =	sdelay $0x3  }
0x203: {  	[tilespmem:s14+$0x7000] =	vst v1  }
0x204: {  	v1 =	vld.idx.msk [tilespmem:v2+s24+$0x0], $0xffff;
	_ =	sdelay $0x1  }
0x205: {  	v2 =	vadd.s32 $0x880, v0;
	_ =	sdelay $0x3  }
0x206: {  	[tilespmem:s14+$0x7080] =	vst v1  }
0x207: {  	v1 =	vld.idx.msk [tilespmem:v2+s24+$0x0], $0xffff;
	_ =	sdelay $0x1  }
0x208: {  	v2 =	vadd.s32 $0x900, v0;
	_ =	sdelay $0x3  }
0x209: {  	[tilespmem:s14+$0x7100] =	vst v1  }
0x20a: {  	v1 =	vld.idx.msk [tilespmem:v2+s24+$0x0], $0xffff;
	_ =	sdelay $0x1  }
0x20b: {  	v2 =	vadd.s32 $0x980, v0;
	_ =	sdelay $0x3  }
0x20c: {  	[tilespmem:s14+$0x7180] =	vst v1  }
0x20d: {  	v1 =	vld.idx.msk [tilespmem:v2+s24+$0x0], $0xffff;
	_ =	sdelay $0x1  }
0x20e: {  	v2 =	vadd.s32 $0xA00, v0;
	_ =	sdelay $0x3  }
0x20f: {  	[tilespmem:s14+$0x7200] =	vst v1  }
0x210: {  	v1 =	vld.idx.msk [tilespmem:v2+s24+$0x0], $0xffff;
	_ =	sdelay $0x1  }
0x211: {  	v2 =	vadd.s32 $0xA80, v0;
	_ =	sdelay $0x3  }
0x212: {  	[tilespmem:s14+$0x7280] =	vst v1  }
0x213: {  	v1 =	vld.idx.msk [tilespmem:v2+s24+$0x0], $0xffff;
	_ =	sdelay $0x1  }
0x214: {  	v2 =	vadd.s32 $0xB00, v0;
	_ =	sdelay $0x3  }
0x215: {  	[tilespmem:s14+$0x7300] =	vst v1  }
0x216: {  	v1 =	vld.idx.msk [tilespmem:v2+s24+$0x0], $0xffff;
	_ =	sdelay $0x1  }
0x217: {  	v2 =	vadd.s32 $0xB80, v0;
	_ =	sdelay $0x3  }
0x218: {  	[tilespmem:s14+$0x7380] =	vst v1  }
0x219: {  	v1 =	vld.idx.msk [tilespmem:v2+s24+$0x0], $0xffff;
	_ =	sdelay $0x1  }
0x21a: {  	v2 =	vadd.s32 $0x1000, v0;
	_ =	sdelay $0x3  }
0x21b: {  	[tilespmem:s14+$0x7400] =	vst v1  }
0x21c: {  	v1 =	vld.idx.msk [tilespmem:v2+s24+$0x0], $0xffff;
	_ =	sdelay $0x1  }
0x21d: {  	v2 =	vadd.s32 $0x1080, v0;
	_ =	sdelay $0x3  }
0x21e: {  	[tilespmem:s14+$0x7480] =	vst v1  }
0x21f: {  	v1 =	vld.idx.msk [tilespmem:v2+s24+$0x0], $0xffff;
	_ =	sdelay $0x1  }
0x220: {  	v2 =	vadd.s32 $0x1100, v0;
	_ =	sdelay $0x3  }
0x221: {  	[tilespmem:s14+$0x7500] =	vst v1  }
0x222: {  	v1 =	vld.idx.msk [tilespmem:v2+s24+$0x0], $0xffff;
	_ =	sdelay $0x1  }
0x223: {  	v2 =	vadd.s32 $0x1180, v0;
	_ =	sdelay $0x3  }
0x224: {  	[tilespmem:s14+$0x7580] =	vst v1  }
0x225: {  	v1 =	vld.idx.msk [tilespmem:v2+s24+$0x0], $0xffff;
	_ =	sdelay $0x1  }
0x226: {  	v2 =	vadd.s32 $0x1200, v0;
	_ =	sdelay $0x3  }
0x227: {  	[tilespmem:s14+$0x7600] =	vst v1  }
0x228: {  	v1 =	vld.idx.msk [tilespmem:v2+s24+$0x0], $0xffff;
	_ =	sdelay $0x1  }
0x229: {  	v2 =	vadd.s32 $0x1280, v0;
	_ =	sdelay $0x3  }
0x22a: {  	[tilespmem:s14+$0x7680] =	vst v1  }
0x22b: {  	v1 =	vld.idx.msk [tilespmem:v2+s24+$0x0], $0xffff;
	_ =	sdelay $0x1  }
0x22c: {  	v2 =	vadd.s32 $0x1300, v0;
	_ =	sdelay $0x3  }
0x22d: {  	[tilespmem:s14+$0x7700] =	vst v1  }
0x22e: {  	v1 =	vld.idx.msk [tilespmem:v2+s24+$0x0], $0xffff;
	_ =	sdelay $0x1  }
0x22f: {  	v2 =	vadd.s32 $0x1380, v0;
	_ =	sdelay $0x3  }
0x230: {  	[tilespmem:s14+$0x7780] =	vst v1  }
0x231: {  	v1 =	vld.idx.msk [tilespmem:v2+s24+$0x0], $0xffff;
	_ =	sdelay $0x1  }
0x232: {  	v2 =	vadd.s32 $0x1800, v0;
	_ =	sdelay $0x3  }
0x233: {  	[tilespmem:s14+$0x7800] =	vst v1  }
0x234: {  	v1 =	vld.idx.msk [tilespmem:v2+s24+$0x0], $0xffff;
	_ =	sdelay $0x1  }
0x235: {  	v2 =	vadd.s32 $0x1880, v0;
	_ =	sdelay $0x3  }
0x236: {  	[tilespmem:s14+$0x7880] =	vst v1  }
0x237: {  	v1 =	vld.idx.msk [tilespmem:v2+s24+$0x0], $0xffff;
	_ =	sdelay $0x1  }
0x238: {  	v2 =	vadd.s32 $0x1900, v0;
	_ =	sdelay $0x3  }
0x239: {  	[tilespmem:s14+$0x7900] =	vst v1  }
0x23a: {  	v1 =	vld.idx.msk [tilespmem:v2+s24+$0x0], $0xffff;
	_ =	sdelay $0x1  }
0x23b: {  	v2 =	vadd.s32 $0x1980, v0;
	_ =	sdelay $0x3  }
0x23c: {  	[tilespmem:s14+$0x7980] =	vst v1  }
0x23d: {  	v1 =	vld.idx.msk [tilespmem:v2+s24+$0x0], $0xffff;
	_ =	sdelay $0x1  }
0x23e: {  	v2 =	vadd.s32 $0x1A00, v0;
	_ =	sdelay $0x3  }
0x23f: {  	[tilespmem:s14+$0x7A00] =	vst v1  }
0x240: {  	v1 =	vld.idx.msk [tilespmem:v2+s24+$0x0], $0xffff;
	_ =	sdelay $0x1  }
0x241: {  	v2 =	vadd.s32 $0x1A80, v0;
	_ =	sdelay $0x3  }
0x242: {  	[tilespmem:s14+$0x7A80] =	vst v1  }
0x243: {  	v1 =	vld.idx.msk [tilespmem:v2+s24+$0x0], $0xffff;
	_ =	sdelay $0x1  }
0x244: {  	v2 =	vadd.s32 $0x1B00, v0;
	_ =	sdelay $0x3  }
0x245: {  	[tilespmem:s14+$0x7B00] =	vst v1  }
0x246: {  	v1 =	vld.idx.msk [tilespmem:v2+s24+$0x0], $0xffff;
	_ =	sdelay $0x1  }
0x247: {  	v0 =	vadd.s32 $0x1B80, v0;
	_ =	sdelay $0x3  }
0x248: {  	[tilespmem:s14+$0x7B80] =	vst v1  }
0x249: {  	v0 =	vld.idx.msk [tilespmem:v0+s24+$0x0], $0xffff  }
.Ltmp7:
0x24a: {  	(pc) =	sbr.rel @p1 .LBB2_8-.Ltmp7, $2  }
0x24b: {  	_ =	sdelay $0x2  }
0x24c: {  	s25 =	sshra.s32 s13, $0x2  }
0x24d: {  	s13 =	sadd.s32 s25, s23;
	[tilespmem:s14+$0x7C00] =	vst v0  }
0x24e: {  	v0 =	vld [tilespmem:s13+$0x0];
	_ =	sdelay $0x4  }
0x24f: {  	v1 =	vshll.u32 v0, $0x3  }
0x250: {  	v0 =	vand.u32 $0x7F, v0;
	v1 =	vand.u32 $0xFFFFFC00, v1  }
0x251: {  	v0 =	vor.u32 v0, v1;
	_ =	sdelay $0x4  }
0x252: {  	v1 =	vld.idx.msk [tilespmem:v0+s24+$0x0], $0xffff  }
0x253: {  	v2 =	vor.u32 $0x80, v0;
	_ =	sdelay $0x3  }
0x254: {  	[tilespmem:s25+$0x6C80] =	vst v1  }
0x255: {  	v1 =	vld.idx.msk [tilespmem:v2+s24+$0x0], $0xffff  }
0x256: {  	v35 =	vor.u32 $0x100, v0;
	_ =	sdelay $0x3  }
0x257: {  	[tilespmem:s25+$0x6D00] =	vst v1  }
0x258: {  	v1 =	vld.idx.msk [tilespmem:v35+s24+$0x0], $0xffff  }
0x259: {  	v36 =	vor.u32 $0x180, v0;
	_ =	sdelay $0x3  }
0x25a: {  	[tilespmem:s25+$0x6D80] =	vst v1  }
0x25b: {  	v1 =	vld.idx.msk [tilespmem:v36+s24+$0x0], $0xffff  }
0x25c: {  	v37 =	vor.u32 $0x200, v0;
	_ =	sdelay $0x3  }
0x25d: {  	[tilespmem:s25+$0x6E00] =	vst v1  }
0x25e: {  	v1 =	vld.idx.msk [tilespmem:v37+s24+$0x0], $0xffff  }
0x25f: {  	v38 =	vor.u32 $0x280, v0;
	_ =	sdelay $0x3  }
0x260: {  	[tilespmem:s25+$0x6E80] =	vst v1  }
0x261: {  	v1 =	vld.idx.msk [tilespmem:v38+s24+$0x0], $0xffff  }
0x262: {  	v39 =	vor.u32 $0x300, v0;
	_ =	sdelay $0x3  }
0x263: {  	[tilespmem:s25+$0x6F00] =	vst v1  }
0x264: {  	v1 =	vld.idx.msk [tilespmem:v39+s24+$0x0], $0xffff  }
0x265: {  	v40 =	vor.u32 $0x380, v0;
	_ =	sdelay $0x3  }
0x266: {  	[tilespmem:s25+$0x6F80] =	vst v1  }
0x267: {  	v1 =	vld.idx.msk [tilespmem:v40+s24+$0x0], $0xffff  }
0x268: {  	v41 =	vadd.s32 $0x800, v0;
	_ =	sdelay $0x3  }
0x269: {  	[tilespmem:s25+$0x7000] =	vst v1  }
0x26a: {  	v1 =	vld.idx.msk [tilespmem:v41+s24+$0x0], $0xffff  }
0x26b: {  	v42 =	vadd.s32 $0x880, v0;
	_ =	sdelay $0x3  }
0x26c: {  	[tilespmem:s25+$0x7080] =	vst v1  }
0x26d: {  	v1 =	vld.idx.msk [tilespmem:v42+s24+$0x0], $0xffff  }
0x26e: {  	v43 =	vadd.s32 $0x900, v0;
	_ =	sdelay $0x3  }
0x26f: {  	[tilespmem:s25+$0x7100] =	vst v1  }
0x270: {  	v1 =	vld.idx.msk [tilespmem:v43+s24+$0x0], $0xffff  }
0x271: {  	v44 =	vadd.s32 $0x980, v0;
	_ =	sdelay $0x3  }
0x272: {  	[tilespmem:s25+$0x7180] =	vst v1  }
0x273: {  	v1 =	vld.idx.msk [tilespmem:v44+s24+$0x0], $0xffff  }
0x274: {  	v45 =	vadd.s32 $0xA00, v0;
	_ =	sdelay $0x3  }
0x275: {  	[tilespmem:s25+$0x7200] =	vst v1  }
0x276: {  	v1 =	vld.idx.msk [tilespmem:v45+s24+$0x0], $0xffff  }
0x277: {  	v46 =	vadd.s32 $0xA80, v0;
	_ =	sdelay $0x3  }
0x278: {  	[tilespmem:s25+$0x7280] =	vst v1  }
0x279: {  	v1 =	vld.idx.msk [tilespmem:v46+s24+$0x0], $0xffff  }
0x27a: {  	v47 =	vadd.s32 $0xB00, v0;
	_ =	sdelay $0x3  }
0x27b: {  	[tilespmem:s25+$0x7300] =	vst v1  }
0x27c: {  	v1 =	vld.idx.msk [tilespmem:v47+s24+$0x0], $0xffff  }
0x27d: {  	v48 =	vadd.s32 $0xB80, v0;
	_ =	sdelay $0x3  }
0x27e: {  	[tilespmem:s25+$0x7380] =	vst v1  }
0x27f: {  	v1 =	vld.idx.msk [tilespmem:v48+s24+$0x0], $0xffff  }
0x280: {  	v49 =	vadd.s32 $0x1000, v0;
	_ =	sdelay $0x3  }
0x281: {  	[tilespmem:s25+$0x7400] =	vst v1  }
0x282: {  	v1 =	vld.idx.msk [tilespmem:v49+s24+$0x0], $0xffff  }
0x283: {  	v50 =	vadd.s32 $0x1080, v0;
	_ =	sdelay $0x3  }
0x284: {  	[tilespmem:s25+$0x7480] =	vst v1  }
0x285: {  	v1 =	vld.idx.msk [tilespmem:v50+s24+$0x0], $0xffff  }
0x286: {  	v51 =	vadd.s32 $0x1100, v0;
	_ =	sdelay $0x3  }
0x287: {  	[tilespmem:s25+$0x7500] =	vst v1  }
0x288: {  	v1 =	vld.idx.msk [tilespmem:v51+s24+$0x0], $0xffff  }
0x289: {  	v52 =	vadd.s32 $0x1180, v0;
	_ =	sdelay $0x3  }
0x28a: {  	[tilespmem:s25+$0x7580] =	vst v1  }
0x28b: {  	v1 =	vld.idx.msk [tilespmem:v52+s24+$0x0], $0xffff  }
0x28c: {  	v53 =	vadd.s32 $0x1200, v0;
	_ =	sdelay $0x3  }
0x28d: {  	[tilespmem:s25+$0x7600] =	vst v1  }
0x28e: {  	v1 =	vld.idx.msk [tilespmem:v53+s24+$0x0], $0xffff  }
0x28f: {  	v54 =	vadd.s32 $0x1280, v0;
	_ =	sdelay $0x3  }
0x290: {  	[tilespmem:s25+$0x7680] =	vst v1  }
0x291: {  	v1 =	vld.idx.msk [tilespmem:v54+s24+$0x0], $0xffff  }
0x292: {  	v55 =	vadd.s32 $0x1300, v0;
	_ =	sdelay $0x3  }
0x293: {  	[tilespmem:s25+$0x7700] =	vst v1  }
0x294: {  	v1 =	vld.idx.msk [tilespmem:v55+s24+$0x0], $0xffff  }
0x295: {  	v56 =	vadd.s32 $0x1380, v0;
	_ =	sdelay $0x3  }
0x296: {  	[tilespmem:s25+$0x7780] =	vst v1  }
0x297: {  	v1 =	vld.idx.msk [tilespmem:v56+s24+$0x0], $0xffff  }
0x298: {  	v57 =	vadd.s32 $0x1800, v0;
	_ =	sdelay $0x3  }
0x299: {  	[tilespmem:s25+$0x7800] =	vst v1  }
0x29a: {  	v1 =	vld.idx.msk [tilespmem:v57+s24+$0x0], $0xffff  }
0x29b: {  	v58 =	vadd.s32 $0x1880, v0;
	_ =	sdelay $0x3  }
0x29c: {  	[tilespmem:s25+$0x7880] =	vst v1  }
0x29d: {  	v1 =	vld.idx.msk [tilespmem:v58+s24+$0x0], $0xffff  }
0x29e: {  	v59 =	vadd.s32 $0x1900, v0;
	_ =	sdelay $0x3  }
0x29f: {  	[tilespmem:s25+$0x7900] =	vst v1  }
0x2a0: {  	v1 =	vld.idx.msk [tilespmem:v59+s24+$0x0], $0xffff  }
0x2a1: {  	v60 =	vadd.s32 $0x1980, v0;
	_ =	sdelay $0x3  }
0x2a2: {  	[tilespmem:s25+$0x7980] =	vst v1  }
0x2a3: {  	v1 =	vld.idx.msk [tilespmem:v60+s24+$0x0], $0xffff  }
0x2a4: {  	v61 =	vadd.s32 $0x1A00, v0;
	_ =	sdelay $0x3  }
0x2a5: {  	[tilespmem:s25+$0x7A00] =	vst v1  }
0x2a6: {  	v1 =	vld.idx.msk [tilespmem:v61+s24+$0x0], $0xffff  }
0x2a7: {  	v62 =	vadd.s32 $0x1A80, v0;
	_ =	sdelay $0x3  }
0x2a8: {  	[tilespmem:s25+$0x7A80] =	vst v1  }
0x2a9: {  	v1 =	vld.idx.msk [tilespmem:v62+s24+$0x0], $0xffff  }
0x2aa: {  	v63 =	vadd.s32 $0x1B00, v0;
	_ =	sdelay $0x3  }
0x2ab: {  	[tilespmem:s25+$0x7B00] =	vst v1  }
0x2ac: {  	v1 =	vld.idx.msk [tilespmem:v63+s24+$0x0], $0xffff  }
0x2ad: {  	v0 =	vadd.s32 $0x1B80, v0;
	_ =	sdelay $0x3  }
0x2ae: {  	[tilespmem:s25+$0x7B80] =	vst v1  }
0x2af: {  	v0 =	vld.idx.msk [tilespmem:v0+s24+$0x0], $0xffff;
	_ =	sdelay $0x4  }
0x2b0: {  	[tilespmem:s25+$0x7C00] =	vst v0  }
0x2b1: {  	_ =	swait.ge [sflag:s30], $0x800  }
0x2b2: {  	[sflag:s30] =	ssyncset.done $0x0  }
0x2b3: {  	[sflag:s30] =	ssyncadd.s32 $0xFFFFF800  }
0x2b4: {  	_ =	swait.ge [sflag:s31], $0x2800  }
0x2b5: {  	s12 =	sshll.u32 s12, $0x7;
	[sflag:s31] =	ssyncset.done $0x0  }
0x2b6: {  	s12 =	sadd.s32 s12, s15;
	[sflag:s31] =	ssyncadd.s32 $0xFFFFD800  }
0x2b7: {  	[hbm4b:s12+s18] =	stream.strided.scatter [tilespmem:s3], [sflag:$0x8], $0x4000, s19, s18, $0x38;
	[tilespmem:$0xEC80] =	vst v63  }
0x2b8: {  	s12 =	sadd.s32 $0x3, s11  }
0x2b9: {  	p1 =	sge.u32 s12, s8;
	_ =	swait.ge [sflag:s0], $0x4000  }
0x2ba: {  	s12 =	sshll.u32 @!p1 s12, $0x7;
	[sflag:s0] =	ssyncset.done $0x0  }
0x2bb: {  	s14 =	simm.s32 @!p1 $0x400;
	s16 =	simm.s32 @!p1 $0xC3800;
	s12 =	sadd.s32 @!p1 s6, s12  }
0x2bc: {  	s17 =	simm.s32 @!p1 $0x3C80;
	[sflag:s0] =	ssyncadd.s32 $0xFFFFC000;
	s13 =	sadd.s32 @!p1 s1, s12  }
0x2bd: {  	[tilespmem:s17], [sflag:$0x1] =	stream.strided.gather @!p1 [hbm4b:s13+s14], $0x800, s16, s14, $0x38;
	[tilespmem:$0xEC80] =	vst v63  }
0x2be: {  	s12 =	sadd.s32 @!p1 s2, s12;
	s13 =	simm.s32 @!p1 $0x4480  }
0x2bf: {  	[tilespmem:s13], [sflag:$0x4] =	stream.strided.gather @!p1 [hbm4b:s12+s14], $0x2800, s16, s14, $0x38;
	[tilespmem:$0xEC80] =	vst v63  }
.LBB2_10:
0x2c0: {  	s12 =	sadd.s32 $0x2, s11  }
0x2c1: {  	p1 =	sge.u32 s12, s8  }
.Ltmp8:
0x2c2: {  	_ = 	snop;
	(pc) =	sbr.rel @p1 .LBB2_14-.Ltmp8, $1  }
0x2c3: {  	_ =	sdelay $0x3  }
0x2c4: {  	s13 =	sadd.s32 $0x0, s5  }
0x2c5: {  	v0 =	vld [tilespmem:s13+$0x0];
	_ =	sdelay $0x4  }
0x2c6: {  	v1 =	vshll.u32 v0, $0x3  }
0x2c7: {  	v0 =	vand.u32 $0x7F, v0;
	v1 =	vand.u32 $0xFFFFFC00, v1  }
0x2c8: {  	v0 =	vor.u32 v0, v1;
	_ =	sdelay $0x4  }
0x2c9: {  	v1 =	vld.idx.msk [tilespmem:v0+s24+$0x0], $0xffff  }
0x2ca: {  	v2 =	vor.u32 $0x80, v0;
	_ =	sdelay $0x2  }
0x2cb: {  	s14 =	simm.s32 $0x0  }
0x2cc: {  	[tilespmem:s14+$0xAC80] =	vst v1  }
0x2cd: {  	v1 =	vld.idx.msk [tilespmem:v2+s24+$0x0], $0xffff  }
0x2ce: {  	v2 =	vor.u32 $0x100, v0;
	_ =	sdelay $0x3  }
0x2cf: {  	[tilespmem:s14+$0xAD00] =	vst v1  }
0x2d0: {  	v1 =	vld.idx.msk [tilespmem:v2+s24+$0x0], $0xffff  }
0x2d1: {  	v2 =	vor.u32 $0x180, v0;
	_ =	sdelay $0x3  }
0x2d2: {  	[tilespmem:s14+$0xAD80] =	vst v1  }
0x2d3: {  	v1 =	vld.idx.msk [tilespmem:v2+s24+$0x0], $0xffff  }
0x2d4: {  	v2 =	vor.u32 $0x200, v0;
	_ =	sdelay $0x3  }
0x2d5: {  	[tilespmem:s14+$0xAE00] =	vst v1  }
0x2d6: {  	v1 =	vld.idx.msk [tilespmem:v2+s24+$0x0], $0xffff  }
0x2d7: {  	v2 =	vor.u32 $0x280, v0;
	_ =	sdelay $0x3  }
0x2d8: {  	[tilespmem:s14+$0xAE80] =	vst v1  }
0x2d9: {  	v1 =	vld.idx.msk [tilespmem:v2+s24+$0x0], $0xffff  }
0x2da: {  	v2 =	vor.u32 $0x300, v0;
	_ =	sdelay $0x3  }
0x2db: {  	[tilespmem:s14+$0xAF00] =	vst v1  }
0x2dc: {  	v1 =	vld.idx.msk [tilespmem:v2+s24+$0x0], $0xffff  }
0x2dd: {  	v2 =	vor.u32 $0x380, v0;
	_ =	sdelay $0x3  }
0x2de: {  	[tilespmem:s14+$0xAF80] =	vst v1  }
0x2df: {  	v1 =	vld.idx.msk [tilespmem:v2+s24+$0x0], $0xffff  }
0x2e0: {  	v2 =	vadd.s32 $0x800, v0;
	_ =	sdelay $0x3  }
0x2e1: {  	[tilespmem:s14+$0xB000] =	vst v1  }
0x2e2: {  	v1 =	vld.idx.msk [tilespmem:v2+s24+$0x0], $0xffff  }
0x2e3: {  	v2 =	vadd.s32 $0x880, v0;
	_ =	sdelay $0x3  }
0x2e4: {  	[tilespmem:s14+$0xB080] =	vst v1  }
0x2e5: {  	v1 =	vld.idx.msk [tilespmem:v2+s24+$0x0], $0xffff  }
0x2e6: {  	v2 =	vadd.s32 $0x900, v0;
	_ =	sdelay $0x3  }
0x2e7: {  	[tilespmem:s14+$0xB100] =	vst v1  }
0x2e8: {  	v1 =	vld.idx.msk [tilespmem:v2+s24+$0x0], $0xffff  }
0x2e9: {  	v2 =	vadd.s32 $0x980, v0;
	_ =	sdelay $0x3  }
0x2ea: {  	[tilespmem:s14+$0xB180] =	vst v1  }
0x2eb: {  	v1 =	vld.idx.msk [tilespmem:v2+s24+$0x0], $0xffff  }
0x2ec: {  	v2 =	vadd.s32 $0xA00, v0;
	_ =	sdelay $0x3  }
0x2ed: {  	[tilespmem:s14+$0xB200] =	vst v1  }
0x2ee: {  	v1 =	vld.idx.msk [tilespmem:v2+s24+$0x0], $0xffff  }
0x2ef: {  	v2 =	vadd.s32 $0xA80, v0;
	_ =	sdelay $0x3  }
0x2f0: {  	[tilespmem:s14+$0xB280] =	vst v1  }
0x2f1: {  	v1 =	vld.idx.msk [tilespmem:v2+s24+$0x0], $0xffff  }
0x2f2: {  	v2 =	vadd.s32 $0xB00, v0;
	_ =	sdelay $0x3  }
0x2f3: {  	[tilespmem:s14+$0xB300] =	vst v1  }
0x2f4: {  	v1 =	vld.idx.msk [tilespmem:v2+s24+$0x0], $0xffff  }
0x2f5: {  	v2 =	vadd.s32 $0xB80, v0;
	_ =	sdelay $0x3  }
0x2f6: {  	[tilespmem:s14+$0xB380] =	vst v1  }
0x2f7: {  	v1 =	vld.idx.msk [tilespmem:v2+s24+$0x0], $0xffff  }
0x2f8: {  	v2 =	vadd.s32 $0x1000, v0;
	_ =	sdelay $0x3  }
0x2f9: {  	[tilespmem:s14+$0xB400] =	vst v1  }
0x2fa: {  	v1 =	vld.idx.msk [tilespmem:v2+s24+$0x0], $0xffff  }
0x2fb: {  	v2 =	vadd.s32 $0x1080, v0;
	_ =	sdelay $0x3  }
0x2fc: {  	[tilespmem:s14+$0xB480] =	vst v1  }
0x2fd: {  	v1 =	vld.idx.msk [tilespmem:v2+s24+$0x0], $0xffff  }
0x2fe: {  	v2 =	vadd.s32 $0x1100, v0;
	_ =	sdelay $0x3  }
0x2ff: {  	[tilespmem:s14+$0xB500] =	vst v1  }
0x300: {  	v1 =	vld.idx.msk [tilespmem:v2+s24+$0x0], $0xffff  }
0x301: {  	v2 =	vadd.s32 $0x1180, v0;
	_ =	sdelay $0x3  }
0x302: {  	[tilespmem:s14+$0xB580] =	vst v1  }
0x303: {  	v1 =	vld.idx.msk [tilespmem:v2+s24+$0x0], $0xffff  }
0x304: {  	v2 =	vadd.s32 $0x1200, v0;
	_ =	sdelay $0x3  }
0x305: {  	[tilespmem:s14+$0xB600] =	vst v1  }
0x306: {  	v1 =	vld.idx.msk [tilespmem:v2+s24+$0x0], $0xffff  }
0x307: {  	v2 =	vadd.s32 $0x1280, v0;
	_ =	sdelay $0x3  }
0x308: {  	[tilespmem:s14+$0xB680] =	vst v1  }
0x309: {  	v1 =	vld.idx.msk [tilespmem:v2+s24+$0x0], $0xffff  }
0x30a: {  	v2 =	vadd.s32 $0x1300, v0;
	_ =	sdelay $0x3  }
0x30b: {  	[tilespmem:s14+$0xB700] =	vst v1  }
0x30c: {  	v1 =	vld.idx.msk [tilespmem:v2+s24+$0x0], $0xffff  }
0x30d: {  	v2 =	vadd.s32 $0x1380, v0;
	_ =	sdelay $0x3  }
0x30e: {  	[tilespmem:s14+$0xB780] =	vst v1  }
0x30f: {  	v1 =	vld.idx.msk [tilespmem:v2+s24+$0x0], $0xffff  }
0x310: {  	v2 =	vadd.s32 $0x1800, v0;
	_ =	sdelay $0x3  }
0x311: {  	[tilespmem:s14+$0xB800] =	vst v1  }
0x312: {  	v1 =	vld.idx.msk [tilespmem:v2+s24+$0x0], $0xffff  }
0x313: {  	v2 =	vadd.s32 $0x1880, v0;
	_ =	sdelay $0x3  }
0x314: {  	[tilespmem:s14+$0xB880] =	vst v1  }
0x315: {  	v1 =	vld.idx.msk [tilespmem:v2+s24+$0x0], $0xffff  }
0x316: {  	v2 =	vadd.s32 $0x1900, v0;
	_ =	sdelay $0x3  }
0x317: {  	[tilespmem:s14+$0xB900] =	vst v1  }
0x318: {  	v1 =	vld.idx.msk [tilespmem:v2+s24+$0x0], $0xffff  }
0x319: {  	v2 =	vadd.s32 $0x1980, v0;
	_ =	sdelay $0x3  }
0x31a: {  	[tilespmem:s14+$0xB980] =	vst v1  }
0x31b: {  	v1 =	vld.idx.msk [tilespmem:v2+s24+$0x0], $0xffff  }
0x31c: {  	v2 =	vadd.s32 $0x1A00, v0;
	_ =	sdelay $0x3  }
0x31d: {  	[tilespmem:s14+$0xBA00] =	vst v1  }
0x31e: {  	v1 =	vld.idx.msk [tilespmem:v2+s24+$0x0], $0xffff  }
0x31f: {  	v2 =	vadd.s32 $0x1A80, v0;
	_ =	sdelay $0x3  }
0x320: {  	[tilespmem:s14+$0xBA80] =	vst v1  }
0x321: {  	v1 =	vld.idx.msk [tilespmem:v2+s24+$0x0], $0xffff  }
0x322: {  	v2 =	vadd.s32 $0x1B00, v0;
	_ =	sdelay $0x3  }
0x323: {  	[tilespmem:s14+$0xBB00] =	vst v1  }
0x324: {  	v1 =	vld.idx.msk [tilespmem:v2+s24+$0x0], $0xffff  }
0x325: {  	v0 =	vadd.s32 $0x1B80, v0;
	_ =	sdelay $0x3  }
0x326: {  	[tilespmem:s14+$0xBB80] =	vst v1  }
0x327: {  	v0 =	vld.idx.msk [tilespmem:v0+s24+$0x0], $0xffff;
	_ =	sdelay $0x2  }
0x328: {  	s17 =	simm.s32 $0x80;
	s25 =	simm.s32 $0x10  }
.LBB2_12:
0x329: {  	p1 =	sne.s32 s17, $0x1C0;
	s16 =	sadd.s32 s25, s5  }
0x32a: {  	[tilespmem:s14+$0xBC00] =	vst v0;
	s13 =	smov.u32 s17;
	s17 =	sadd.s32 $0x40, s17;
	s14 =	smov.u32 s25  }
0x32b: {  	v0 =	vld [tilespmem:s16+$0x0];
	_ =	sdelay $0x4  }
0x32c: {  	v1 =	vshll.u32 v0, $0x3  }
0x32d: {  	v0 =	vand.u32 $0x7F, v0;
	v1 =	vand.u32 $0xFFFFFC00, v1  }
0x32e: {  	v0 =	vor.u32 v0, v1;
	_ =	sdelay $0x4  }
0x32f: {  	v1 =	vld.idx.msk [tilespmem:v0+s24+$0x0], $0xffff;
	_ =	sdelay $0x1  }
0x330: {  	v2 =	vor.u32 $0x80, v0;
	_ =	sdelay $0x3  }
0x331: {  	[tilespmem:s14+$0xAC80] =	vst v1  }
0x332: {  	v1 =	vld.idx.msk [tilespmem:v2+s24+$0x0], $0xffff;
	_ =	sdelay $0x1  }
0x333: {  	v2 =	vor.u32 $0x100, v0;
	_ =	sdelay $0x3  }
0x334: {  	[tilespmem:s14+$0xAD00] =	vst v1  }
0x335: {  	v1 =	vld.idx.msk [tilespmem:v2+s24+$0x0], $0xffff;
	_ =	sdelay $0x1  }
0x336: {  	v2 =	vor.u32 $0x180, v0;
	_ =	sdelay $0x3  }
0x337: {  	[tilespmem:s14+$0xAD80] =	vst v1  }
0x338: {  	v1 =	vld.idx.msk [tilespmem:v2+s24+$0x0], $0xffff;
	_ =	sdelay $0x1  }
0x339: {  	v2 =	vor.u32 $0x200, v0;
	_ =	sdelay $0x3  }
0x33a: {  	[tilespmem:s14+$0xAE00] =	vst v1  }
0x33b: {  	v1 =	vld.idx.msk [tilespmem:v2+s24+$0x0], $0xffff;
	_ =	sdelay $0x1  }
0x33c: {  	v2 =	vor.u32 $0x280, v0;
	_ =	sdelay $0x3  }
0x33d: {  	[tilespmem:s14+$0xAE80] =	vst v1  }
0x33e: {  	v1 =	vld.idx.msk [tilespmem:v2+s24+$0x0], $0xffff;
	_ =	sdelay $0x1  }
0x33f: {  	v2 =	vor.u32 $0x300, v0;
	_ =	sdelay $0x3  }
0x340: {  	[tilespmem:s14+$0xAF00] =	vst v1  }
0x341: {  	v1 =	vld.idx.msk [tilespmem:v2+s24+$0x0], $0xffff;
	_ =	sdelay $0x1  }
0x342: {  	v2 =	vor.u32 $0x380, v0;
	_ =	sdelay $0x3  }
0x343: {  	[tilespmem:s14+$0xAF80] =	vst v1  }
0x344: {  	v1 =	vld.idx.msk [tilespmem:v2+s24+$0x0], $0xffff;
	_ =	sdelay $0x1  }
0x345: {  	v2 =	vadd.s32 $0x800, v0;
	_ =	sdelay $0x3  }
0x346: {  	[tilespmem:s14+$0xB000] =	vst v1  }
0x347: {  	v1 =	vld.idx.msk [tilespmem:v2+s24+$0x0], $0xffff;
	_ =	sdelay $0x1  }
0x348: {  	v2 =	vadd.s32 $0x880, v0;
	_ =	sdelay $0x3  }
0x349: {  	[tilespmem:s14+$0xB080] =	vst v1  }
0x34a: {  	v1 =	vld.idx.msk [tilespmem:v2+s24+$0x0], $0xffff;
	_ =	sdelay $0x1  }
0x34b: {  	v2 =	vadd.s32 $0x900, v0;
	_ =	sdelay $0x3  }
0x34c: {  	[tilespmem:s14+$0xB100] =	vst v1  }
0x34d: {  	v1 =	vld.idx.msk [tilespmem:v2+s24+$0x0], $0xffff;
	_ =	sdelay $0x1  }
0x34e: {  	v2 =	vadd.s32 $0x980, v0;
	_ =	sdelay $0x3  }
0x34f: {  	[tilespmem:s14+$0xB180] =	vst v1  }
0x350: {  	v1 =	vld.idx.msk [tilespmem:v2+s24+$0x0], $0xffff;
	_ =	sdelay $0x1  }
0x351: {  	v2 =	vadd.s32 $0xA00, v0;
	_ =	sdelay $0x3  }
0x352: {  	[tilespmem:s14+$0xB200] =	vst v1  }
0x353: {  	v1 =	vld.idx.msk [tilespmem:v2+s24+$0x0], $0xffff;
	_ =	sdelay $0x1  }
0x354: {  	v2 =	vadd.s32 $0xA80, v0;
	_ =	sdelay $0x3  }
0x355: {  	[tilespmem:s14+$0xB280] =	vst v1  }
0x356: {  	v1 =	vld.idx.msk [tilespmem:v2+s24+$0x0], $0xffff;
	_ =	sdelay $0x1  }
0x357: {  	v2 =	vadd.s32 $0xB00, v0;
	_ =	sdelay $0x3  }
0x358: {  	[tilespmem:s14+$0xB300] =	vst v1  }
0x359: {  	v1 =	vld.idx.msk [tilespmem:v2+s24+$0x0], $0xffff;
	_ =	sdelay $0x1  }
0x35a: {  	v2 =	vadd.s32 $0xB80, v0;
	_ =	sdelay $0x3  }
0x35b: {  	[tilespmem:s14+$0xB380] =	vst v1  }
0x35c: {  	v1 =	vld.idx.msk [tilespmem:v2+s24+$0x0], $0xffff;
	_ =	sdelay $0x1  }
0x35d: {  	v2 =	vadd.s32 $0x1000, v0;
	_ =	sdelay $0x3  }
0x35e: {  	[tilespmem:s14+$0xB400] =	vst v1  }
0x35f: {  	v1 =	vld.idx.msk [tilespmem:v2+s24+$0x0], $0xffff;
	_ =	sdelay $0x1  }
0x360: {  	v2 =	vadd.s32 $0x1080, v0;
	_ =	sdelay $0x3  }
0x361: {  	[tilespmem:s14+$0xB480] =	vst v1  }
0x362: {  	v1 =	vld.idx.msk [tilespmem:v2+s24+$0x0], $0xffff;
	_ =	sdelay $0x1  }
0x363: {  	v2 =	vadd.s32 $0x1100, v0;
	_ =	sdelay $0x3  }
0x364: {  	[tilespmem:s14+$0xB500] =	vst v1  }
0x365: {  	v1 =	vld.idx.msk [tilespmem:v2+s24+$0x0], $0xffff;
	_ =	sdelay $0x1  }
0x366: {  	v2 =	vadd.s32 $0x1180, v0;
	_ =	sdelay $0x3  }
0x367: {  	[tilespmem:s14+$0xB580] =	vst v1  }
0x368: {  	v1 =	vld.idx.msk [tilespmem:v2+s24+$0x0], $0xffff;
	_ =	sdelay $0x1  }
0x369: {  	v2 =	vadd.s32 $0x1200, v0;
	_ =	sdelay $0x3  }
0x36a: {  	[tilespmem:s14+$0xB600] =	vst v1  }
0x36b: {  	v1 =	vld.idx.msk [tilespmem:v2+s24+$0x0], $0xffff;
	_ =	sdelay $0x1  }
0x36c: {  	v2 =	vadd.s32 $0x1280, v0;
	_ =	sdelay $0x3  }
0x36d: {  	[tilespmem:s14+$0xB680] =	vst v1  }
0x36e: {  	v1 =	vld.idx.msk [tilespmem:v2+s24+$0x0], $0xffff;
	_ =	sdelay $0x1  }
0x36f: {  	v2 =	vadd.s32 $0x1300, v0;
	_ =	sdelay $0x3  }
0x370: {  	[tilespmem:s14+$0xB700] =	vst v1  }
0x371: {  	v1 =	vld.idx.msk [tilespmem:v2+s24+$0x0], $0xffff;
	_ =	sdelay $0x1  }
0x372: {  	v2 =	vadd.s32 $0x1380, v0;
	_ =	sdelay $0x3  }
0x373: {  	[tilespmem:s14+$0xB780] =	vst v1  }
0x374: {  	v1 =	vld.idx.msk [tilespmem:v2+s24+$0x0], $0xffff;
	_ =	sdelay $0x1  }
0x375: {  	v2 =	vadd.s32 $0x1800, v0;
	_ =	sdelay $0x3  }
0x376: {  	[tilespmem:s14+$0xB800] =	vst v1  }
0x377: {  	v1 =	vld.idx.msk [tilespmem:v2+s24+$0x0], $0xffff;
	_ =	sdelay $0x1  }
0x378: {  	v2 =	vadd.s32 $0x1880, v0;
	_ =	sdelay $0x3  }
0x379: {  	[tilespmem:s14+$0xB880] =	vst v1  }
0x37a: {  	v1 =	vld.idx.msk [tilespmem:v2+s24+$0x0], $0xffff;
	_ =	sdelay $0x1  }
0x37b: {  	v2 =	vadd.s32 $0x1900, v0;
	_ =	sdelay $0x3  }
0x37c: {  	[tilespmem:s14+$0xB900] =	vst v1  }
0x37d: {  	v1 =	vld.idx.msk [tilespmem:v2+s24+$0x0], $0xffff;
	_ =	sdelay $0x1  }
0x37e: {  	v2 =	vadd.s32 $0x1980, v0;
	_ =	sdelay $0x3  }
0x37f: {  	[tilespmem:s14+$0xB980] =	vst v1  }
0x380: {  	v1 =	vld.idx.msk [tilespmem:v2+s24+$0x0], $0xffff;
	_ =	sdelay $0x1  }
0x381: {  	v2 =	vadd.s32 $0x1A00, v0;
	_ =	sdelay $0x3  }
0x382: {  	[tilespmem:s14+$0xBA00] =	vst v1  }
0x383: {  	v1 =	vld.idx.msk [tilespmem:v2+s24+$0x0], $0xffff;
	_ =	sdelay $0x1  }
0x384: {  	v2 =	vadd.s32 $0x1A80, v0;
	_ =	sdelay $0x3  }
0x385: {  	[tilespmem:s14+$0xBA80] =	vst v1  }
0x386: {  	v1 =	vld.idx.msk [tilespmem:v2+s24+$0x0], $0xffff;
	_ =	sdelay $0x1  }
0x387: {  	v2 =	vadd.s32 $0x1B00, v0;
	_ =	sdelay $0x3  }
0x388: {  	[tilespmem:s14+$0xBB00] =	vst v1  }
0x389: {  	v1 =	vld.idx.msk [tilespmem:v2+s24+$0x0], $0xffff;
	_ =	sdelay $0x1  }
0x38a: {  	v0 =	vadd.s32 $0x1B80, v0;
	_ =	sdelay $0x3  }
0x38b: {  	[tilespmem:s14+$0xBB80] =	vst v1  }
0x38c: {  	v0 =	vld.idx.msk [tilespmem:v0+s24+$0x0], $0xffff  }
.Ltmp9:
0x38d: {  	(pc) =	sbr.rel @p1 .LBB2_12-.Ltmp9, $2  }
0x38e: {  	_ =	sdelay $0x2  }
0x38f: {  	s25 =	sshra.s32 s13, $0x2  }
0x390: {  	s13 =	sadd.s32 s25, s5;
	[tilespmem:s14+$0xBC00] =	vst v0  }
0x391: {  	v0 =	vld [tilespmem:s13+$0x0];
	_ =	sdelay $0x4  }
0x392: {  	v1 =	vshll.u32 v0, $0x3  }
0x393: {  	v0 =	vand.u32 $0x7F, v0;
	v1 =	vand.u32 $0xFFFFFC00, v1  }
0x394: {  	v0 =	vor.u32 v0, v1;
	_ =	sdelay $0x4  }
0x395: {  	v1 =	vld.idx.msk [tilespmem:v0+s24+$0x0], $0xffff  }
0x396: {  	v2 =	vor.u32 $0x80, v0;
	_ =	sdelay $0x3  }
0x397: {  	[tilespmem:s25+$0xAC80] =	vst v1  }
0x398: {  	v1 =	vld.idx.msk [tilespmem:v2+s24+$0x0], $0xffff  }
0x399: {  	v35 =	vor.u32 $0x100, v0;
	_ =	sdelay $0x3  }
0x39a: {  	[tilespmem:s25+$0xAD00] =	vst v1  }
0x39b: {  	v1 =	vld.idx.msk [tilespmem:v35+s24+$0x0], $0xffff  }
0x39c: {  	v36 =	vor.u32 $0x180, v0;
	_ =	sdelay $0x3  }
0x39d: {  	[tilespmem:s25+$0xAD80] =	vst v1  }
0x39e: {  	v1 =	vld.idx.msk [tilespmem:v36+s24+$0x0], $0xffff  }
0x39f: {  	v37 =	vor.u32 $0x200, v0;
	_ =	sdelay $0x3  }
0x3a0: {  	[tilespmem:s25+$0xAE00] =	vst v1  }
0x3a1: {  	v1 =	vld.idx.msk [tilespmem:v37+s24+$0x0], $0xffff  }
0x3a2: {  	v38 =	vor.u32 $0x280, v0;
	_ =	sdelay $0x3  }
0x3a3: {  	[tilespmem:s25+$0xAE80] =	vst v1  }
0x3a4: {  	v1 =	vld.idx.msk [tilespmem:v38+s24+$0x0], $0xffff  }
0x3a5: {  	v39 =	vor.u32 $0x300, v0;
	_ =	sdelay $0x3  }
0x3a6: {  	[tilespmem:s25+$0xAF00] =	vst v1  }
0x3a7: {  	v1 =	vld.idx.msk [tilespmem:v39+s24+$0x0], $0xffff  }
0x3a8: {  	v40 =	vor.u32 $0x380, v0;
	_ =	sdelay $0x3  }
0x3a9: {  	[tilespmem:s25+$0xAF80] =	vst v1  }
0x3aa: {  	v1 =	vld.idx.msk [tilespmem:v40+s24+$0x0], $0xffff  }
0x3ab: {  	v41 =	vadd.s32 $0x800, v0;
	_ =	sdelay $0x3  }
0x3ac: {  	[tilespmem:s25+$0xB000] =	vst v1  }
0x3ad: {  	v1 =	vld.idx.msk [tilespmem:v41+s24+$0x0], $0xffff  }
0x3ae: {  	v42 =	vadd.s32 $0x880, v0;
	_ =	sdelay $0x3  }
0x3af: {  	[tilespmem:s25+$0xB080] =	vst v1  }
0x3b0: {  	v1 =	vld.idx.msk [tilespmem:v42+s24+$0x0], $0xffff  }
0x3b1: {  	v43 =	vadd.s32 $0x900, v0;
	_ =	sdelay $0x3  }
0x3b2: {  	[tilespmem:s25+$0xB100] =	vst v1  }
0x3b3: {  	v1 =	vld.idx.msk [tilespmem:v43+s24+$0x0], $0xffff  }
0x3b4: {  	v44 =	vadd.s32 $0x980, v0;
	_ =	sdelay $0x3  }
0x3b5: {  	[tilespmem:s25+$0xB180] =	vst v1  }
0x3b6: {  	v1 =	vld.idx.msk [tilespmem:v44+s24+$0x0], $0xffff  }
0x3b7: {  	v45 =	vadd.s32 $0xA00, v0;
	_ =	sdelay $0x3  }
0x3b8: {  	[tilespmem:s25+$0xB200] =	vst v1  }
0x3b9: {  	v1 =	vld.idx.msk [tilespmem:v45+s24+$0x0], $0xffff  }
0x3ba: {  	v46 =	vadd.s32 $0xA80, v0;
	_ =	sdelay $0x3  }
0x3bb: {  	[tilespmem:s25+$0xB280] =	vst v1  }
0x3bc: {  	v1 =	vld.idx.msk [tilespmem:v46+s24+$0x0], $0xffff  }
0x3bd: {  	v47 =	vadd.s32 $0xB00, v0;
	_ =	sdelay $0x3  }
0x3be: {  	[tilespmem:s25+$0xB300] =	vst v1  }
0x3bf: {  	v1 =	vld.idx.msk [tilespmem:v47+s24+$0x0], $0xffff  }
0x3c0: {  	v48 =	vadd.s32 $0xB80, v0;
	_ =	sdelay $0x3  }
0x3c1: {  	[tilespmem:s25+$0xB380] =	vst v1  }
0x3c2: {  	v1 =	vld.idx.msk [tilespmem:v48+s24+$0x0], $0xffff  }
0x3c3: {  	v49 =	vadd.s32 $0x1000, v0;
	_ =	sdelay $0x3  }
0x3c4: {  	[tilespmem:s25+$0xB400] =	vst v1  }
0x3c5: {  	v1 =	vld.idx.msk [tilespmem:v49+s24+$0x0], $0xffff  }
0x3c6: {  	v50 =	vadd.s32 $0x1080, v0;
	_ =	sdelay $0x3  }
0x3c7: {  	[tilespmem:s25+$0xB480] =	vst v1  }
0x3c8: {  	v1 =	vld.idx.msk [tilespmem:v50+s24+$0x0], $0xffff  }
0x3c9: {  	v51 =	vadd.s32 $0x1100, v0;
	_ =	sdelay $0x3  }
0x3ca: {  	[tilespmem:s25+$0xB500] =	vst v1  }
0x3cb: {  	v1 =	vld.idx.msk [tilespmem:v51+s24+$0x0], $0xffff  }
0x3cc: {  	v52 =	vadd.s32 $0x1180, v0;
	_ =	sdelay $0x3  }
0x3cd: {  	[tilespmem:s25+$0xB580] =	vst v1  }
0x3ce: {  	v1 =	vld.idx.msk [tilespmem:v52+s24+$0x0], $0xffff  }
0x3cf: {  	v53 =	vadd.s32 $0x1200, v0;
	_ =	sdelay $0x3  }
0x3d0: {  	[tilespmem:s25+$0xB600] =	vst v1  }
0x3d1: {  	v1 =	vld.idx.msk [tilespmem:v53+s24+$0x0], $0xffff  }
0x3d2: {  	v54 =	vadd.s32 $0x1280, v0;
	_ =	sdelay $0x3  }
0x3d3: {  	[tilespmem:s25+$0xB680] =	vst v1  }
0x3d4: {  	v1 =	vld.idx.msk [tilespmem:v54+s24+$0x0], $0xffff  }
0x3d5: {  	v55 =	vadd.s32 $0x1300, v0;
	_ =	sdelay $0x3  }
0x3d6: {  	[tilespmem:s25+$0xB700] =	vst v1  }
0x3d7: {  	v1 =	vld.idx.msk [tilespmem:v55+s24+$0x0], $0xffff  }
0x3d8: {  	v56 =	vadd.s32 $0x1380, v0;
	_ =	sdelay $0x3  }
0x3d9: {  	[tilespmem:s25+$0xB780] =	vst v1  }
0x3da: {  	v1 =	vld.idx.msk [tilespmem:v56+s24+$0x0], $0xffff  }
0x3db: {  	v57 =	vadd.s32 $0x1800, v0;
	_ =	sdelay $0x3  }
0x3dc: {  	[tilespmem:s25+$0xB800] =	vst v1  }
0x3dd: {  	v1 =	vld.idx.msk [tilespmem:v57+s24+$0x0], $0xffff  }
0x3de: {  	v58 =	vadd.s32 $0x1880, v0;
	_ =	sdelay $0x3  }
0x3df: {  	[tilespmem:s25+$0xB880] =	vst v1  }
0x3e0: {  	v1 =	vld.idx.msk [tilespmem:v58+s24+$0x0], $0xffff  }
0x3e1: {  	v59 =	vadd.s32 $0x1900, v0;
	_ =	sdelay $0x3  }
0x3e2: {  	[tilespmem:s25+$0xB900] =	vst v1  }
0x3e3: {  	v1 =	vld.idx.msk [tilespmem:v59+s24+$0x0], $0xffff  }
0x3e4: {  	v60 =	vadd.s32 $0x1980, v0;
	_ =	sdelay $0x3  }
0x3e5: {  	[tilespmem:s25+$0xB980] =	vst v1  }
0x3e6: {  	v1 =	vld.idx.msk [tilespmem:v60+s24+$0x0], $0xffff  }
0x3e7: {  	v61 =	vadd.s32 $0x1A00, v0;
	_ =	sdelay $0x3  }
0x3e8: {  	[tilespmem:s25+$0xBA00] =	vst v1  }
0x3e9: {  	v1 =	vld.idx.msk [tilespmem:v61+s24+$0x0], $0xffff  }
0x3ea: {  	v62 =	vadd.s32 $0x1A80, v0;
	_ =	sdelay $0x3  }
0x3eb: {  	[tilespmem:s25+$0xBA80] =	vst v1  }
0x3ec: {  	v1 =	vld.idx.msk [tilespmem:v62+s24+$0x0], $0xffff  }
0x3ed: {  	v63 =	vadd.s32 $0x1B00, v0;
	_ =	sdelay $0x3  }
0x3ee: {  	[tilespmem:s25+$0xBB00] =	vst v1  }
0x3ef: {  	v1 =	vld.idx.msk [tilespmem:v63+s24+$0x0], $0xffff  }
0x3f0: {  	v0 =	vadd.s32 $0x1B80, v0;
	_ =	sdelay $0x3  }
0x3f1: {  	[tilespmem:s25+$0xBB80] =	vst v1  }
0x3f2: {  	v0 =	vld.idx.msk [tilespmem:v0+s24+$0x0], $0xffff;
	_ =	sdelay $0x4  }
0x3f3: {  	[tilespmem:s25+$0xBC00] =	vst v0  }
0x3f4: {  	_ =	swait.ge [sflag:s4], $0x800  }
0x3f5: {  	[sflag:s4] =	ssyncset.done $0x0  }
0x3f6: {  	[sflag:s4] =	ssyncadd.s32 $0xFFFFF800  }
0x3f7: {  	s11 =	sadd.s32 $0x4, s11;
	_ =	swait.ge [sflag:s7], $0x2800  }
0x3f8: {  	s12 =	sshll.u32 s12, $0x7;
	p1 =	sge.u32 s11, s8;
	[sflag:s7] =	ssyncset.done $0x0  }
0x3f9: {  	s12 =	sadd.s32 s12, s15;
	s11 =	sshll.u32 @!p1 s11, $0x7;
	[sflag:s7] =	ssyncadd.s32 $0xFFFFD800  }
0x3fa: {  	[hbm4b:s12+s18] =	stream.strided.scatter [tilespmem:s20], [sflag:$0x9], $0x4000, s19, s18, $0x38;
	[tilespmem:$0xEC80] =	vst v63  }
0x3fb: {  	s13 =	simm.s32 @!p1 $0x400;
	s14 =	simm.s32 @!p1 $0xC3800;
	_ =	swait.ge [sflag:s21], $0x4000  }
.Ltmp10:
0x3fc: {  	s11 =	sadd.s32 @!p1 s6, s11;
	[sflag:s21] =	ssyncset.done $0x0;
	(pc) =	sbr.rel .LBB2_14-.Ltmp10, $4  }
0x3fd: {  	s16 =	simm.s32 @!p1 $0x7C80;
	s12 =	sadd.s32 @!p1 s1, s11;
	[sflag:s21] =	ssyncadd.s32 $0xFFFFC000  }
0x3fe: {  	[tilespmem:s16], [sflag:$0x2] =	stream.strided.gather @!p1 [hbm4b:s12+s13], $0x800, s14, s13, $0x38;
	[tilespmem:$0xEC80] =	vst v63  }
0x3ff: {  	s11 =	sadd.s32 @!p1 s2, s11;
	s12 =	simm.s32 @!p1 $0x8480  }
0x400: {  	[tilespmem:s12], [sflag:$0x5] =	stream.strided.gather @!p1 [hbm4b:s11+s13], $0x2800, s14, s13, $0x38;
	[tilespmem:$0xEC80] =	vst v63  }
.LBB2_16:
0x401: {  	_ =	sfence.sel $0x180000  }
0x402: {  	[bflag:$0x0] =	sbarrier.arrive $0xFFFF  }
0x403: {  	_ =	strace $0x90000047  }
0x404: {  	s0 =	stileid.u32;
	[bflag:$0x2] =	sbarrier.arrive $0xFFFF  }
0x405: {  	p0 =	sne.s32 s0, $0x0;
	s0 =	rddreg [dreg:$0x5]  }
0x406: {  	s0 =	sadd.s32 @!p0 $0x100000, s0  }
0x407: {  	[sflag:s0] =	ssyncadd.tile.s32 @!p0 $0x1;
	_ =	shalt  }
.Lfunc_end2:
_tile_overlayer_lowered:
.L_overlay_start_2:
0x408: {  	(tag) =	ssettag $0x2  }
0x409: {  	s0 =	rddreg [dreg:$0x0];
	s2 =	stileid.u32  }
0x40a: {  	s1 =	rddreg [dreg:$0x1];
	p0 =	sne.s32 s2, $0x0  }
0x40b: {  	s3 =	rddreg [dreg:$0x2];
	[bflag:$0x3] =	sbarrier.arrive $0xFFFF;
	s2 =	simm.s32 @!p0 $0x1C0A  }
0x40c: {  	[timem:s3], [sflag:s2] =	dma.local @!p0 [hbm:s0], s1  }
0x40d: {  	s0 =	simm.s32 @!p0 $0xA  }
0x40e: {  	_ =	swait.ge @!p0 [sflag:s0], s1  }
0x40f: {  	s1 =	ssub.s32 @!p0 $0x0, s1;
	[sflag:s0] =	ssyncset.done @!p0 $0x0  }
0x410: {  	[sflag:s0] =	ssyncadd.s32 @!p0 s1  }
0x411: {  	[bflag:$0x3] =	sbarrier.arrive $0xFFFF  }
0x412: {  	_ =	shalt  }

// kernel: sparse-core-data-format-call.cloned.1.call-start
scs
called_computation_lowered:
.L_overlay_start_0:
0x0: {  	s2 =	sld [smem:$0x3FD9]  }
0x1: {  	s3 =	sld [smem:$0x3FFE];
	_ =	sdelay $0x1  }
0x2: {  	s1 =	srdreg.scid  }
0x3: {  	s0 =	sand.u32 $0x1, s1  }
0x4: {  	s18 =	sshll.u32 s0, $0xA;
	s2 =	sadd.s32 s3, s2  }
0x5: {  	s2 =	sadd.s32 s2, s18  }
0x6: {  	[smem:$0x3FC4] =	sst s2  }
0x7: {  	_ = 	snop  }
0x8: {  	s2 =	sld [smem:$0x3FD0];
	(tm) =	ssettm $0x1  }
0x9: {  	s19 =	sld [smem:$0x3FFB];
	_ =	sdelay $0x3  }
0xa: {  	_ =	strace s19  }
0xb: {  	s3 =	sld [smem:$0x3FFC];
	_ =	sdelay $0x3  }
0xc: {  	_ =	strace s3  }
0xd: {  	s3 =	sld [smem:$0x3FFD];
	_ =	sdelay $0x3  }
0xe: {  	_ =	strace s3  }
0xf: {  	_ =	strace $0x8FFFFFFF  }
0x10: {  	s20 =	sld [smem:$0x3FDB];
	_ =	sdelay $0x1  }
0x11: {  	s4 =	simm.s32 $_scs_section_size  }
0x12: {  	s5 =	simm.s32 $_size__tile_overlayer_lowered;
	s6 =	simm.s32 $_tile_overlayer_lowered  }
0x13: {  	s23 =	simm.s32 $0x1BFF;
	s22 =	sshll.u32 s6, $0x1;
	s3 =	sadd.s32 s4, s20  }
0x14: {  	s7 =	simm.s32 $0x0;
	s21 =	sshll.u32 s5, $0x1;
	s5 =	sadd.s32 s22, s3  }
0x15: {  	[timem:s7], [sflag:s23] =	dma.local [hbm:s5], s21  }
0x16: {  	_ =	swait.ge [sflag:s23], s21  }
0x17: {  	s4 =	ssub.s32 $0x0, s21;
	[sflag:s23] =	ssyncset.done $0x0  }
0x18: {  	[sflag:s23] =	ssyncadd.s32 s4;
	_ =	sdelay $0x1  }
0x19: {  	s24 =	simm.s32 $0x1B8B  }
0x1a: {  	_ =	swait.ge [sflag:s24], $0x1  }
0x1b: {  	[sflag:s24] =	ssyncset.done $0x0  }
0x1c: {  	s26 =	simm.s32 $0x1B8E;
	s25 =	sld [smem:$0x3FFE];
	[sflag:s24] =	ssyncadd.s32 $0xFFFFFFFF  }
0x1d: {  	s27 =	simm.s32 $execute0_lowered;
	[smem:$0x3FD2] =	sst s26  }
0x1e: {  	s5 =	sshll.u32 s27, $0x1;
	_ =	strace $0x80000049;
	[dreg:$0x1] =	wrdreg $0xFFFFFFFF  }
0x1f: {  	s28 =	simm.s32 $_size_execute0_lowered;
	s3 =	sadd.s32 s3, s5;
	[dreg:$0x0] =	wrdreg $0x0  }
0x20: {  	s5 =	sshll.u32 s28, $0x1;
	[dreg:$0x2] =	wrdreg s3  }
0x21: {  	[dreg:$0x3] =	wrdreg s5  }
0x22: {  	[dreg:$0x4] =	wrdreg $0xC0  }
0x23: {  	_ =	task [dreg:s7], $0x5FFFF  }
0x24: {  	[dreg:$0x1] =	wrdreg $0xFFFFFFFF  }
0x25: {  	[dreg:$0x0] =	wrdreg $0x60  }
0x26: {  	[dreg:$0x2] =	wrdreg s25  }
0x27: {  	[dreg:$0x3] =	wrdreg s2  }
0x28: {  	[dreg:$0x4] =	wrdreg $0x9  }
0x29: {  	_ =	task.clear_ibuf [dreg:s7], $0x5FFFF;
	_ =	strace $0x90000049  }
0x2a: {  	s29 =	simm.s32 $0x9;
	_ =	strace $0x8000004B  }
0x2b: {  	_ =	swait.ge [sflag:s29], $0x1  }
0x2c: {  	[sflag:s29] =	ssyncadd.s32 $0xFFFFFFFF  }
0x2d: {  	_ =	strace $0x9000004B  }
0x2e: {  	_ =	sfence  }
0x2f: {  	s30 =	sld [smem:$0x0];
	_ =	sdelay $0x2  }
0x30: {  	s31 =	sshll.u32 s1, $0xD;
	s1 =	sshrl.u32 s1, $0x2  }
0x31: {  	s3 =	sand.u32 $0x4000, s31;
	s1 =	sadd.s32 s1, s30  }
0x32: {  	s0 =	sor.u32 s3, s0;
	s1 =	sshll.u32 s1, $0x11  }
0x33: {  	s0 =	sor.u32 s1, s0  }
0x34: {  	s0 =	sadd.s32 $0x8F2B, s0  }
0x35: {  	[sflag:s0] =	ssyncadd.remote.s32 $0x1  }
0x36: {  	_ =	sfence.sel $0xFFFF  }
0x37: {  	[dreg:$0x0] =	wrdreg $0xFFFFFFFF;
	(pc) =	sbr.abs _section_cstart, $3  }
0x38: {  	[dreg:$0x1] =	wrdreg $0xFFFFFFFF  }
0x39: {  	_ =	task.clear_ibuf [dreg:s7], $0x2FFFF;
	_ =	strace $0x9FFFFFFF  }
0x3a: {  	(tm) =	ssettm $0x7FFFFFFF  }
0x3b: {  	_ =	shalt  }
tec
execute0_lowered:
.L_overlay_start_1:
0x0: {  	(tag) =	ssettag $0x1  }
0x1: {  	s4 =	rddreg [dreg:$0x0]  }
0x2: {  	s0 =	srdreg.scid;
	s2 =	rddreg [dreg:$0x1]  }
0x3: {  	s1 =	stileid.u32;
	s5 =	simm.s32 $0x1;
	s7 =	simm.s32 $0x2  }
0x4: {  	s14 =	simm.s32 $0x0;
	p0 =	por $0x0, $0x0;
	s0 =	sshll.u32 s0, $0x4  }
0x5: {  	s13 =	simm.s32 $0x0;
	s8 =	simm.s32 $0x0;
	s3 =	sand.u32 $0x10, s0  }
.Ltmp0:
0x6: {  	s9 =	simm.s32 $0x0;
	s3 =	sor.u32 s1, s3;
	(pc) =	sbr.rel .LBB1_1-.Ltmp0, $4  }
0x7: {  	s11 =	simm.s32 $0x0;
	s12 =	simm.s32 $0x0;
	s3 =	sshll.u32 s3, $0x7  }
0x8: {  	s0 =	rddreg [dreg:$0x2];
	_ =	strace $0x8000004A;
	s6 =	ssub.s32 $0x18680, s3  }
0x9: {  	s4 =	sadd.s32 $0xA00, s4;
	[sflag:s5] =	ssyncpa.u1 $0x0;
	s6 =	sshrl.u32 s6, $0xC  }
0xa: {  	[sflag:s7] =	ssyncpa.u1 $0x0;
	s10 =	smov.u32 s3;
	s7 =	sadd.s32 $0x2, s6  }
.LBB1_5:
0xb: {  	p1 =	slt.u32 s12, $0x2  }
0xc: {  	p2 =	sgt.s32 @!p1 s14, $0x18620  }
0xd: {  	s15 =	smov.u32 s14;
	s16 =	sshra.s32 @!p1 s14, $0x1F;
	p2 =	por !p2, p1  }
0xe: {  	s14 =	sand.u32 @!p1 s16, s14;
	s15 =	simm.s32 @p2 $0x18620  }
0xf: {  	s14 =	ssub.s32 @!p1 s15, s14;
	s15 =	ssub.s32 @!p1 $0x0, s13  }
0x10: {  	s17 =	smov.u32 s11;
	s16 =	sadd.s32 @!p1 $0xFFFE79E0, s14;
	s13 =	smin.u32 @!p1 s13, s15  }
0x11: {  	s14 =	ssub.s32 @!p1 $0x186A0, s14;
	p2 =	sgt.s32 @!p1 s16, $0x7F;
	p3 =	sgt.s32 @!p1 s13, $0x7F  }
0x12: {  	s13 =	ssub.s32 @!p1 $0x80, s13;
	p2 =	por !p2, p1;
	p3 =	por !p3, p1  }
0x13: {  	s15 =	sadd.s32 $0x1000, s10;
	s14 =	simm.s32 @!p2 $0x0;
	s13 =	simm.s32 @!p3 $0x0  }
0x14: {  	p2 =	sgt.s32 s15, $0x1869F;
	s13 =	smul.u32 @!p1 s13, s14;
	s14 =	sadd.s32 $0x80, s11  }
0x15: {  	s17 =	smov.u32 @p2 s14  }
0x16: {  	s15 =	smov.u32 @p2 s3;
	p2 =	sgt.s32 s17, $0x7F  }
0x17: {  	s17 =	simm.s32 @p2 $0x0;
	p2 =	sne.s32 s12, s7  }
.Ltmp1:
0x18: {  	p0 =	por !p0, !p0;
	s16 =	simm.s32 @!p1 $0x2;
	(pc) =	sbr.rel @!p2 .LBB1_6-.Ltmp1, $4  }
0x19: {  	s14 =	smov.u32 s8;
	s8 =	smov.u32 s10;
	s13 =	sand.u32 @!p1 $0x3FFFFFFF, s13  }
0x1a: {  	s10 =	smov.u32 s15;
	_ =	swait.ge @!p1 [sflag:s16], s13;
	s18 =	ssub.s32 @!p1 $0x0, s13  }
0x1b: {  	s13 =	smov.u32 s9;
	s12 =	sadd.s32 $0x1, s12;
	[sflag:s16] =	ssyncset.done @!p1 $0x0  }
0x1c: {  	s9 =	smov.u32 s11;
	s11 =	smov.u32 s17;
	[sflag:s16] =	ssyncadd.s32 @!p1 s18  }
.LBB1_1:
0x1d: {  	p1 =	sgt.u32 s12, s6  }
0x1e: {  	s15 =	sshrl.u32 @!p1 s11, $0x3  }
0x1f: {  	s16 =	sshll.u32 @!p1 s10, $0x3;
	s15 =	smul.u32 @!p1 $0xC3800, s15  }
0x20: {  	s17 =	sshll.u32 @!p1 s11, $0x7;
	s16 =	sand.u32 @!p1 $0xFFFFFC00, s16  }
0x21: {  	s15 =	sadd.s32 @!p1 s15, s16;
	s16 =	sand.u32 @!p1 $0x380, s17  }
0x22: {  	s17 =	sand.u32 @!p1 $0x7F, s10;
	s15 =	sor.u32 @!p1 s16, s15  }
0x23: {  	s16 =	sor.u32 @!p1 s17, s15  }
0x24: {  	s17 =	smulhi.u32 @!p1 $0xA79C7B17, s16;
	_ =	sdelay $0x1  }
0x25: {  	s15 =	smulhi.u32 @!p1 $0xA79C7B17, s15;
	s17 =	sshrl.u32 @!p1 s17, $0x10  }
0x26: {  	s17 =	smul.u32 @!p1 $0x18700, s17  }
0x27: {  	s18 =	sxor.u32 @!p1 $0xFFFFFFFF, s12;
	s15 =	sshrl.u32 @!p1 s15, $0x10  }
0x28: {  	s18 =	sshll.u32 @!p1 s18, $0xE;
	s15 =	sand.u32 @!p1 $0x7F, s15;
	s16 =	ssub.s32 @!p1 s16, s17  }
0x29: {  	s15 =	smul.u32 @!p1 $0x30E0, s15;
	s17 =	sshrl.u32 @!p1 s16, $0x3;
	s16 =	sand.u32 @!p1 $0x7, s16  }
0x2a: {  	s18 =	sand.u32 @!p1 $0x4000, s18;
	s17 =	sadd.s32 @!p1 s4, s17;
	s16 =	sshll.u32 @!p1 s16, $0x12  }
0x2b: {  	s15 =	sadd.s32 @!p1 s15, s17;
	s16 =	sor.u32 @!p1 $0x400, s16;
	s17 =	simm.s32 @!p1 $0xC3800  }
0x2c: {  	[tilespmem:s18], [sflag:$0x1] =	stream.strided.gather @!p1 [hbm4b:s15+s16], $0x4000, s17, s16, $0x38;
	[tilespmem:$0x10100] =	vst v63  }
0x2d: {  	p1 =	seq.s32 s12, $0x0  }
0x2e: {  	p2 =	sge.u32 @!p1 s12, s7  }
0x2f: {  	p1 =	por p1, p2  }
.Ltmp2:
0x30: {  	_ = 	snop;
	(pc) =	sbr.rel @p1 .LBB1_5-.Ltmp2, $1  }
0x31: {  	_ =	sdelay $0x3  }
0x32: {  	s15 =	simm.s32 $0x1  }
0x33: {  	_ =	swait.ge [sflag:s5], $0x4000;
	s15 =	simm.s32 @!p0 $0x0  }
0x34: {  	[sflag:s5] =	ssyncset.done $0x0;
	s16 =	sshll.u32 s15, $0xE  }
0x35: {  	[sflag:s5] =	ssyncadd.s32 $0xFFFFC000;
	s16 =	sor.u32 $0x40, s16  }
0x36: {  	s15 =	smul.u32 $0x10200, s15;
	v0 =	vld [tilespmem:s16+$0x30]  }
0x37: {  	v1 =	vld [tilespmem:s16+$0xFFFFFFD0]  }
0x38: {  	s15 =	sshrl.u32 s15, $0x2;
	v5 =	vld [tilespmem:s16+$0xFFFFFFE0]  }
0x39: {  	v6 =	vld [tilespmem:s16+$0xFFFFFFF0];
	s18 =	sor.u32 $0x8000, s15  }
0x3a: {  	s31 =	sand.u32 $0x1, s12;
	v4 =	vld [tilespmem:s16+$0x0];
	s17 =	sadd.s32 $0x0, s18  }
0x3b: {  	v3 =	vld [tilespmem:s16+$0x10];
	s15 =	smul.u32 $0x10200, s31;
	[tilespmem:s17+$0x3870 ss:$0x81] =	vst.msk $0xffff, v0  }
0x3c: {  	v2 =	vld [tilespmem:s16+$0x20];
	[tilespmem:s17+$0x810 ss:$0x81] =	vst.msk $0xffff, v1  }
0x3d: {  	s15 =	sshrl.u32 s15, $0x2;
	v0 =	vld [tilespmem:s16+$0xFFFFFFC0];
	[tilespmem:s17+$0x1020 ss:$0x81] =	vst.msk $0xffff, v5;
	s16 =	sadd.s32 $0x80, s16  }
0x3e: {  	s19 =	simm.s32 $0x4;
	s20 =	simm.s32 $0x8;
	s15 =	sor.u32 $0x8000, s15;
	[tilespmem:s17+$0x1830 ss:$0x81] =	vst.msk $0xffff, v6;
	v1 =	vld [tilespmem:s16+$0x30]  }
.LBB1_3:
0x3f: {  	p1 =	sne.s32 s20, $0x1FC;
	v5 =	vld [tilespmem:s16+$0xFFFFFFD0];
	[tilespmem:s17+$0x2040 ss:$0x81] =	vst.msk $0xffff, v4  }
0x40: {  	v6 =	vld [tilespmem:s16+$0xFFFFFFE0];
	[tilespmem:s17+$0x2850 ss:$0x81] =	vst.msk $0xffff, v3  }
0x41: {  	s21 =	sshra.s32 s19, $0x2;
	s19 =	smov.u32 s20;
	v7 =	vld [tilespmem:s16+$0xFFFFFFF0];
	[tilespmem:s17+$0x3060 ss:$0x81] =	vst.msk $0xffff, v2  }
.Ltmp3:
0x42: {  	v4 =	vld [tilespmem:s16+$0x0];
	[tilespmem:s17+$0x0 ss:$0x81] =	vst.msk $0xffff, v0;
	s17 =	sadd.s32 s21, s18;
	(pc) =	sbr.rel @p1 .LBB1_3-.Ltmp3, $4  }
0x43: {  	v3 =	vld [tilespmem:s16+$0x10];
	[tilespmem:s17+$0x3870 ss:$0x81] =	vst.msk $0xffff, v1  }
0x44: {  	[tilespmem:s17+$0x810 ss:$0x81] =	vst.msk $0xffff, v5;
	v2 =	vld [tilespmem:s16+$0x20]  }
0x45: {  	v0 =	vld [tilespmem:s16+$0xFFFFFFC0];
	[tilespmem:s17+$0x1020 ss:$0x81] =	vst.msk $0xffff, v6;
	s16 =	sadd.s32 $0x80, s16  }
0x46: {  	s20 =	sadd.s32 $0x4, s20;
	v1 =	vld [tilespmem:s16+$0x30];
	[tilespmem:s17+$0x1830 ss:$0x81] =	vst.msk $0xffff, v7  }
0x47: {  	s20 =	sshll.u32 s8, $0x7;
	s21 =	sshll.u32 s9, $0x3;
	s19 =	sshra.s32 s19, $0x2  }
0x48: {  	v5 =	vld [tilespmem:s16+$0xFFFFFFD0];
	[tilespmem:s17+$0x2040 ss:$0x81] =	vst.msk $0xffff, v4;
	p1 =	sgt.s32 s8, $0x18620;
	s22 =	sand.u32 $0xFFFFFC00, s20;
	s21 =	sand.u32 $0xFFFFFC00, s21  }
0x49: {  	v58 =	vld [tilespmem:s16+$0xFFFFFFE0];
	s24 =	sshra.s32 s8, $0x1F;
	s20 =	sand.u32 $0x380, s20;
	[tilespmem:s17+$0x2850 ss:$0x81] =	vst.msk $0xffff, v3;
	s21 =	sadd.s32 s21, s22  }
0x4a: {  	v59 =	vld [tilespmem:s16+$0xFFFFFFF0];
	s26 =	ssub.s32 $0x0, s9;
	s18 =	sadd.s32 s19, s18;
	[tilespmem:s17+$0x3060 ss:$0x81] =	vst.msk $0xffff, v2;
	s23 =	sor.u32 s20, s21  }
0x4b: {  	v60 =	vld [tilespmem:s16+$0x0];
	s28 =	smin.u32 s9, s26;
	s20 =	smov.u32 s8;
	[tilespmem:s17+$0x0 ss:$0x81] =	vst.msk $0xffff, v0;
	s19 =	sshrl.u32 s23, $0x7  }
0x4c: {  	v61 =	vld [tilespmem:s16+$0x10];
	s21 =	sand.u32 s24, s8;
	s20 =	simm.s32 @!p1 $0x18620;
	[tilespmem:s18+$0x3870 ss:$0x81] =	vst.msk $0xffff, v1;
	s25 =	smulhi.u32 $0x14F8B59, s19  }
0x4d: {  	v62 =	vld [tilespmem:s16+$0x20];
	s29 =	sshrl.u32 s9, $0x3;
	p2 =	sgt.s32 s28, $0x7F;
	s20 =	ssub.s32 s20, s21;
	[tilespmem:s18+$0x810 ss:$0x81] =	vst.msk $0xffff, v5  }
0x4e: {  	v63 =	vld [tilespmem:s16+$0xFFFFFFC0];
	[tilespmem:s18+$0x1020 ss:$0x81] =	vst.msk $0xffff, v58;
	s21 =	sadd.s32 $0xFFFE79E0, s20;
	s20 =	ssub.s32 $0x186A0, s20;
	s17 =	sshrl.u32 s25, $0x9  }
0x4f: {  	[tilespmem:s18+$0x1830 ss:$0x81] =	vst.msk $0xffff, v59;
	p1 =	sgt.s32 s21, $0x7F;
	s27 =	smul.u32 $0x186A0, s17;
	s17 =	ssub.s32 $0x80, s28  }
.Ltmp4:
0x50: {  	[tilespmem:s18+$0x2040 ss:$0x81] =	vst.msk $0xffff, v60;
	s20 =	simm.s32 @p1 $0x0;
	s17 =	simm.s32 @p2 $0x0;
	(pc) =	sbr.rel .LBB1_5-.Ltmp4, $4  }
0x51: {  	s30 =	sand.u32 $0xF, s29;
	[tilespmem:s18+$0x2850 ss:$0x81] =	vst.msk $0xffff, v61;
	s16 =	ssub.s32 s19, s27;
	s17 =	smul.u32 s17, s20  }
0x52: {  	[tilespmem:s18+$0x3060 ss:$0x81] =	vst.msk $0xffff, v62;
	s19 =	sadd.s32 s2, s30;
	s16 =	sshll.u32 s16, $0x4  }
0x53: {  	s31 =	sand.u32 $0x7, s9;
	[tilespmem:s18+$0x0 ss:$0x81] =	vst.msk $0xffff, v63;
	s17 =	sand.u32 $0x3FFFFFFF, s17;
	s16 =	sadd.s32 s16, s19  }
0x54: {  	[hbm4b:s16+s31] =	stream.linear.scatter [tilespmem:s15], [sflag:$0x2], s17, $0x20;
	[tilespmem:$0x10100] =	vst v63  }
.LBB1_6:
0x55: {  	_ =	sfence.sel $0x180000  }
0x56: {  	s2 =	simm.s32 $0x1;
	[bflag:$0x0] =	sbarrier.arrive $0xFFFF  }
0x57: {  	s31 =	simm.s32 $0x2;
	[sflag:s2] =	ssyncpa.u1 $0x1  }
0x58: {  	[sflag:s31] =	ssyncpa.u1 $0x1  }
0x59: {  	p0 =	sne.s32 s1, $0x0;
	_ =	strace $0x9000004A  }
0x5a: {  	s0 =	sadd.s32 @!p0 $0x100000, s0;
	[bflag:$0x2] =	sbarrier.arrive $0xFFFF  }
0x5b: {  	[sflag:s0] =	ssyncadd.tile.s32 @!p0 $0x1;
	_ =	shalt  }
.Lfunc_end1:
_tile_overlayer_lowered:
.L_overlay_start_2:
0x5c: {  	(tag) =	ssettag $0x2  }
0x5d: {  	s0 =	rddreg [dreg:$0x0];
	s2 =	stileid.u32  }
0x5e: {  	s1 =	rddreg [dreg:$0x1];
	p0 =	sne.s32 s2, $0x0  }
0x5f: {  	s3 =	rddreg [dreg:$0x2];
	[bflag:$0x3] =	sbarrier.arrive $0xFFFF;
	s2 =	simm.s32 @!p0 $0x1C01  }
0x60: {  	[timem:s3], [sflag:s2] =	dma.local @!p0 [hbm:s0], s1  }
0x61: {  	s0 =	simm.s32 @!p0 $0x1  }
0x62: {  	_ =	swait.ge @!p0 [sflag:s0], s1  }
0x63: {  	s1 =	ssub.s32 @!p0 $0x0, s1;
	[sflag:s0] =	ssyncset.done @!p0 $0x0  }
0x64: {  	[sflag:s0] =	ssyncadd.s32 @!p0 s1  }
0x65: {  	[bflag:$0x3] =	sbarrier.arrive $0xFFFF  }
0x66: {  	_ =	shalt  }

</sc_bundles>
